<compile_context>
chip_gen: v7x
topology: tpu7x:2x2x1
jax: 0.10.2.dev20260603
libtpu: 0.0.44.dev20260713+nightly
codegen_flags: <defaults>
</compile_context>

<pallas_src>
import functools

import jax
import jax.numpy as jnp
from jax import lax
from jax.experimental import pallas as pl
from jax.experimental.pallas import tpu as pltpu
from jax.experimental.pallas import tpu_sc as plsc

N = 10000
E = 320000
F_DIM = 128
KP = 16
NPAD = 10240
BLK = 256
NBLK = NPAD // BLK

NCORES = 2
NSUB = 16
NTILES = NCORES * NSUB
ECH = 128
EPT = 10240
RPT = NPAD // NSUB



@functools.lru_cache(None)
def _make_segsum(width, sweeps, mode):
  nch = EPT // ECH
  nsw = nch // sweeps
  nbuf = 1 if mode == "sync" else 2
  mesh = plsc.VectorSubcoreMesh(core_axis_name="c", subcore_axis_name="s",
                                num_cores=NCORES, num_subcores=NSUB)

  @functools.partial(
      pl.kernel,
      out_type=jax.ShapeDtypeStruct((NCORES, NPAD, width), jnp.float32),
      mesh=mesh,
      scratch_types=[
          pltpu.VMEM((nsw, ECH), jnp.int32),
          pltpu.VMEM((nsw, ECH), jnp.int32),
          [pltpu.VMEM((ECH, width), jnp.float32) for _ in range(nbuf)],
          pltpu.VMEM_SHARED((NPAD, width), jnp.float32),
          [pltpu.SemaphoreType.DMA for _ in range(2 * nbuf)],
      ],
      compiler_params=pltpu.CompilerParams(use_tc_tiling_on_sc=False),
  )
  def segsum(table, gidx, sidx, zeros, out, gv, sv, bufs, acc, sems):
    cid = lax.axis_index("c")
    sid = lax.axis_index("s")
    tix = cid * NSUB + sid
    pltpu.sync_copy(zeros.at[pl.ds(sid * RPT, RPT)],
                    acc.at[pl.ds(sid * RPT, RPT)])
    plsc.subcore_barrier()

    last = nsw - 1
    for sw in range(sweeps):
      pltpu.sync_copy(gidx.at[tix, pl.ds(sw * nsw, nsw)], gv)
      pltpu.sync_copy(sidx.at[tix, pl.ds(sw * nsw, nsw)], sv)

      if mode == "sync":
        buf, sg = bufs[0], sems[0]

        def body_sync(ci, carry):
          pltpu.async_copy(table.at[gv.at[ci]], buf, sg).wait()
          pltpu.sync_copy(buf, acc.at[sv.at[ci]], add=True)
          return carry

        lax.fori_loop(0, nsw, body_sync, 0)

      elif mode == "prefetch":
        buf0, buf1 = bufs
        s0, s1 = sems[0], sems[1]
        pltpu.async_copy(table.at[gv.at[0]], buf0, s0)
        pltpu.async_copy(table.at[gv.at[1]], buf1, s1)

        def body_pref(g, carry):
          i = 2 * g
          pltpu.make_async_copy(table.at[gv.at[i]], buf0, s0).wait()
          pltpu.sync_copy(buf0, acc.at[sv.at[i]], add=True)
          pltpu.async_copy(table.at[gv.at[jnp.minimum(i + 2, last)]], buf0, s0)
          pltpu.make_async_copy(table.at[gv.at[i + 1]], buf1, s1).wait()
          pltpu.sync_copy(buf1, acc.at[sv.at[i + 1]], add=True)
          pltpu.async_copy(table.at[gv.at[jnp.minimum(i + 3, last)]], buf1, s1)
          return carry

        lax.fori_loop(0, nsw // 2, body_pref, 0)
        pltpu.make_async_copy(table.at[gv.at[last]], buf0, s0).wait()
        pltpu.make_async_copy(table.at[gv.at[last]], buf1, s1).wait()

      else:
        buf0, buf1 = bufs
        g0, g1, c0, c1 = sems
        pltpu.async_copy(table.at[gv.at[0]], buf0, g0).wait()

        def body_asc(g, carry):
          i = 2 * g
          pltpu.async_copy(buf0, acc.at[sv.at[i]], c0, add=True)
          pltpu.async_copy(table.at[gv.at[jnp.minimum(i + 1, last)]],
                           buf1, g1).wait()
          pltpu.make_async_copy(buf0, acc.at[sv.at[i]], c0).wait()
          pltpu.async_copy(buf1, acc.at[sv.at[i + 1]], c1, add=True)
          pltpu.async_copy(table.at[gv.at[jnp.minimum(i + 2, last)]],
                           buf0, g0).wait()
          pltpu.make_async_copy(buf1, acc.at[sv.at[i + 1]], c1).wait()
          return carry

        lax.fori_loop(0, nsw // 2, body_asc, 0)

    plsc.subcore_barrier()
    pltpu.sync_copy(acc.at[pl.ds(sid * RPT, RPT)],
                    out.at[cid, pl.ds(sid * RPT, RPT)])

  return segsum


@functools.lru_cache(None)
def _make_degcount():
  mesh = plsc.VectorSubcoreMesh(core_axis_name="c", subcore_axis_name="s",
                                num_cores=NCORES, num_subcores=NSUB)

  @functools.partial(
      pl.kernel,
      out_type=jax.ShapeDtypeStruct((NCORES, NPAD, KP), jnp.float32),
      mesh=mesh,
      scratch_types=[
          pltpu.VMEM((EPT // ECH, ECH), jnp.int32),
          pltpu.VMEM((ECH, KP), jnp.float32),
          pltpu.VMEM_SHARED((NPAD, KP), jnp.float32),
      ],
      compiler_params=pltpu.CompilerParams(use_tc_tiling_on_sc=False),
  )
  def degcount(ones_hbm, sidx, zeros, out, sv, ones_v, acc):
    cid = lax.axis_index("c")
    sid = lax.axis_index("s")
    tix = cid * NSUB + sid
    pltpu.sync_copy(zeros.at[pl.ds(sid * RPT, RPT)],
                    acc.at[pl.ds(sid * RPT, RPT)])
    pltpu.sync_copy(sidx.at[tix], sv)
    pltpu.sync_copy(ones_hbm.at[pl.ds(0, ECH)], ones_v)
    plsc.subcore_barrier()

    def body(ci, carry):
      pltpu.sync_copy(ones_v, acc.at[sv.at[ci]], add=True)
      return carry

    lax.fori_loop(0, EPT // ECH, body, 0)
    plsc.subcore_barrier()
    pltpu.sync_copy(acc.at[pl.ds(sid * RPT, RPT)],
                    out.at[cid, pl.ds(sid * RPT, RPT)])

  return degcount


def _pad_edges(idx, ech=ECH):
  npad_e = NTILES * EPT - E
  pad_vals = N + (jnp.arange(npad_e, dtype=jnp.int32) % (NPAD - N))
  p = jnp.concatenate([idx, pad_vals])
  return p.reshape(NTILES, EPT // ech, ech)



def _dinv_from(d_ref):
  deg = d_ref[0, :, 0:1] + d_ref[1, :, 0:1] + 1.0
  return lax.rsqrt(deg)


def _tc_scale_xw(Xp, W1, degp):
  def body(x_ref, w_ref, d_ref, o_ref):
    dinv = _dinv_from(d_ref)
    xw = jnp.dot(x_ref[...], w_ref[...], preferred_element_type=jnp.float32)
    o_ref[...] = xw * dinv

  return pl.pallas_call(
      body,
      grid=(NBLK,),
      in_specs=[
          pl.BlockSpec((BLK, F_DIM), lambda i: (i, 0)),
          pl.BlockSpec((F_DIM, F_DIM), lambda i: (0, 0)),
          pl.BlockSpec((2, BLK, KP), lambda i: (0, i, 0)),
      ],
      out_specs=pl.BlockSpec((BLK, F_DIM), lambda i: (i, 0)),
      out_shape=jax.ShapeDtypeStruct((NPAD, F_DIM), jnp.float32),
  )(Xp, W1, degp)


def _tc_layer1_tail(aggp, y1, degp, b1r, W2p):
  def body(a_ref, y_ref, d_ref, b_ref, w_ref, o_ref):
    dinv = _dinv_from(d_ref)
    pre = dinv * (a_ref[0] + a_ref[1] + y_ref[...]) + b_ref[...]
    h = jnp.where(pre > 0, pre, jnp.exp(pre) - 1.0)
    o_ref[...] = jnp.dot(h, w_ref[...],
                         preferred_element_type=jnp.float32) * dinv

  return pl.pallas_call(
      body,
      grid=(NBLK,),
      in_specs=[
          pl.BlockSpec((2, BLK, F_DIM), lambda i: (0, i, 0)),
          pl.BlockSpec((BLK, F_DIM), lambda i: (i, 0)),
          pl.BlockSpec((2, BLK, KP), lambda i: (0, i, 0)),
          pl.BlockSpec((1, F_DIM), lambda i: (0, 0)),
          pl.BlockSpec((F_DIM, KP), lambda i: (0, 0)),
      ],
      out_specs=pl.BlockSpec((BLK, KP), lambda i: (i, 0)),
      out_shape=jax.ShapeDtypeStruct((NPAD, KP), jnp.float32),
  )(aggp, y1, degp, b1r, W2p)


def _tc_softmax_clusters(aggp, y2, degp, b2r, Mp):
  def body(a_ref, y_ref, d_ref, b_ref, m_ref, z_ref, xp_ref):
    dinv = _dinv_from(d_ref)
    zp = dinv * (a_ref[0] + a_ref[1] + y_ref[...]) + b_ref[...]
    mask = lax.broadcasted_iota(jnp.int32, (BLK, KP), 1) < 8
    zm = jnp.where(mask, zp, -1e30)
    zmax = jnp.max(zm, axis=1, keepdims=True)
    e = jnp.where(mask, jnp.exp(zp - zmax), 0.0)
    z = e / jnp.sum(e, axis=1, keepdims=True)
    z_ref[...] = z
    xp_ref[...] = jnp.dot(z, jnp.maximum(m_ref[...], 0.0),
                          preferred_element_type=jnp.float32)

  return pl.pallas_call(
      body,
      grid=(NBLK,),
      in_specs=[
          pl.BlockSpec((2, BLK, KP), lambda i: (0, i, 0)),
          pl.BlockSpec((BLK, KP), lambda i: (i, 0)),
          pl.BlockSpec((2, BLK, KP), lambda i: (0, i, 0)),
          pl.BlockSpec((1, KP), lambda i: (0, 0)),
          pl.BlockSpec((KP, KP), lambda i: (0, 0)),
      ],
      out_specs=[
          pl.BlockSpec((BLK, KP), lambda i: (i, 0)),
          pl.BlockSpec((BLK, KP), lambda i: (i, 0)),
      ],
      out_shape=[
          jax.ShapeDtypeStruct((NPAD, KP), jnp.float32),
          jax.ShapeDtypeStruct((NPAD, KP), jnp.float32),
      ],
  )(aggp, y2, degp, b2r, Mp)


def _tc_blend(Xpure, blurp, alpha11):
  def body(al_ref, x_ref, b_ref, o_ref):
    al = al_ref[0, 0]
    o_ref[...] = (1.0 - al) * x_ref[...] + al * (b_ref[0] + b_ref[1])

  return pl.pallas_call(
      body,
      grid=(NBLK,),
      in_specs=[
          pl.BlockSpec(memory_space=pltpu.SMEM),
          pl.BlockSpec((BLK, KP), lambda i: (i, 0)),
          pl.BlockSpec((2, BLK, KP), lambda i: (0, i, 0)),
      ],
      out_specs=pl.BlockSpec((BLK, KP), lambda i: (i, 0)),
      out_shape=jax.ShapeDtypeStruct((NPAD, KP), jnp.float32),
  )(alpha11, Xpure, blurp)



def kernel(X, ei_feat, ei_spatial, W1, b1, W2, b2, M, alpha):
  f32 = jnp.float32
  Xp = jnp.zeros((NPAD, F_DIM), f32).at[:N].set(X)
  W2p = jnp.zeros((F_DIM, KP), f32).at[:, :8].set(W2)
  b1r = b1.reshape(1, F_DIM)
  b2r = jnp.zeros((1, KP), f32).at[0, :8].set(b2)
  Mp = jnp.zeros((KP, KP), f32).at[:8, :8].set(M)
  alpha11 = jnp.asarray(alpha, f32).reshape(1, 1)

  rowf = _pad_edges(ei_feat[0])
  colf = _pad_edges(ei_feat[1])
  rows = _pad_edges(ei_spatial[0])
  cols = _pad_edges(ei_spatial[1])

  z16 = jnp.zeros((NPAD, KP), f32)
  z128 = jnp.zeros((NPAD, F_DIM), f32)
  ones16 = jnp.ones((NPAD, KP), f32)

  degp = _make_degcount()(ones16, colf, z16)
  y1 = _tc_scale_xw(Xp, W1, degp)
  agg1p = _make_segsum(F_DIM, 2, "prefetch")(y1, rowf, colf, z128)
  y2 = _tc_layer1_tail(agg1p, y1, degp, b1r, W2p)
  agg2p = _make_segsum(KP, 1, "prefetch")(y2, rowf, colf, z16)
  Z, Xpure = _tc_softmax_clusters(agg2p, y2, degp, b2r, Mp)
  blurp = _make_segsum(KP, 1, "prefetch")(Xpure, cols, rows, z16)
  Xhat = _tc_blend(Xpure, blurp, alpha11)

  return (Z[:N, :8], Xhat[:N, :8])

# --- scband reference (transcript-rebuilt; emitter-appended) ---
"""Pipeline reference for scband-encoder-ablation-model-75814762709165 (READ-ONLY COPY).

The authoritative reference and input builder live on the scoring server;
editing this copy changes nothing except your own understanding.
"""

import jax, jax.numpy as jnp
import numpy as np

N = 10000
E = 320000
F_DIM = 128
H_DIM = 128
K_CLUSTERS = 8


def gcn_conv(x, ei, W, b, n):
    # PyG GCNConv: x' = D^{-1/2} (A + I) D^{-1/2} (X W) + b
    x = x @ W
    loop = jnp.arange(n, dtype=ei.dtype)
    row = jnp.concatenate([ei[0], loop])
    col = jnp.concatenate([ei[1], loop])
    deg = jax.ops.segment_sum(jnp.ones(row.shape[0], dtype=x.dtype), col, num_segments=n)
    dinv = jnp.where(deg > 0, deg ** -0.5, 0.0)
    norm = dinv[row] * dinv[col]
    out = jax.ops.segment_sum(x[row] * norm[:, None], col, num_segments=n)
    return out + b


def setup_inputs(seed: int = 0) -> dict:
    key = jax.random.key(seed)
    ks = jax.random.split(key, 9)
    X = jax.random.normal(ks[0], (N, F_DIM), dtype=jnp.float32)
    ei_feat = jax.random.randint(ks[1], (2, E), 0, N, dtype=jnp.int32)
    ei_spatial = jax.random.randint(ks[2], (2, E), 0, N, dtype=jnp.int32)
    W1 = jax.random.normal(ks[3], (F_DIM, H_DIM), dtype=jnp.float32) * (1.0 / np.sqrt(F_DIM))
    b1 = jnp.zeros((H_DIM,), dtype=jnp.float32)
    W2 = jax.random.normal(ks[4], (H_DIM, K_CLUSTERS), dtype=jnp.float32) * (1.0 / np.sqrt(H_DIM))
    b2 = jnp.zeros((K_CLUSTERS,), dtype=jnp.float32)
    M = jnp.full((K_CLUSTERS, K_CLUSTERS), 0.5, dtype=jnp.float32)
    alpha = jnp.float32(0.5)
    return {"X": X, "ei_feat": ei_feat, "ei_spatial": ei_spatial, "W1": W1, "b1": b1, "W2": W2, "b2": b2, "M": M, "alpha": alpha}


def reference(X, ei_feat, ei_spatial, W1, b1, W2, b2, M, alpha):
    n = X.shape[0]
    # GCNEncoder
    h = jax.nn.elu(gcn_conv(X, ei_feat, W1, b1, n))
    Z = jax.nn.softmax(gcn_conv(h, ei_feat, W2, b2, n), axis=1)
    # EncoderAblationModel tail
    X_pure = Z @ jax.nn.relu(M)
    row, col = ei_spatial[0], ei_spatial[1]
    msg = X_pure[col]  # W_spatial is all-ones
    blur = jnp.zeros_like(X_pure).at[row].add(msg)
    X_hat = (1.0 - alpha) * X_pure + alpha * blur
    return (Z, X_hat)

if __name__ == "__main__":
    import jax
    _d = setup_inputs()
    print(jax.jit(kernel)(*tuple(_d.values())))

</pallas_src>

<mosaic_0001>
#map = affine_map<(d0, d1) -> (0, 0)>
#map1 = affine_map<(d0, d1) -> (0, 0, 0)>
module attributes {stable_mosaic.version = 14 : i64} {
  func.func @segsum(%arg0: i32, %arg1: i32, %arg2: memref<10240x128xf32, #tpu.memory_space<hbm>>, %arg3: memref<32x80x128xi32, #tpu.memory_space<hbm>>, %arg4: memref<32x80x128xi32, #tpu.memory_space<hbm>>, %arg5: memref<10240x128xf32, #tpu.memory_space<hbm>>, %arg6: memref<2x10240x128xf32, #tpu.memory_space<hbm>>, %arg7: memref<40x128xi32, #tpu.memory_space<vmem>>, %arg8: memref<40x128xi32, #tpu.memory_space<vmem>>, %arg9: memref<128x128xf32, #tpu.memory_space<vmem>>, %arg10: memref<128x128xf32, #tpu.memory_space<vmem>>, %arg11: memref<10240x128xf32, #tpu.memory_space<vmem_shared>>, %arg12: memref<!tpu.dma_semaphore, #tpu.memory_space<semaphore_mem>>, %arg13: memref<!tpu.dma_semaphore, #tpu.memory_space<semaphore_mem>>, %arg14: memref<!tpu.dma_semaphore, #tpu.memory_space<semaphore_mem>>, %arg15: memref<!tpu.dma_semaphore, #tpu.memory_space<semaphore_mem>>) attributes {dimension_semantics = [#tpu.dimension_semantics<core_parallel>, #tpu.dimension_semantics<subcore_parallel>], iteration_bounds = array<i64: 2, 16>, scalar_prefetch = 0 : i64, scratch_operands = 9 : i64, tpu.core_type = #tpu.core_type<sc_vector_subcore>, window_params = [{transform_indices = #map}, {transform_indices = #map1}, {transform_indices = #map1}, {transform_indices = #map}, {transform_indices = #map1}]} {
    %mul3A = arith.constant 16 : i32
    %mul3A_0 = arith.muli %arg0, %mul3A : i32
    %add3A = arith.addi %mul3A_0, %arg1 : i32
    %mul3A_1 = arith.constant 640 : i32
    %mul3A_2 = arith.muli %arg1, %mul3A_1 : i32
    %mul3A_3 = arith.constant 640 : i32
    %mul3A_4 = arith.muli %arg1, %mul3A_3 : i32
    "tpu.region"() ({
      %run_scoped3A = tpu.sem_alloc : memref<!tpu.dma_semaphore, #tpu.memory_space<semaphore_mem>>
      %dma_start3A_75 = arith.constant 0 : i32
      %dma_start3A_76 = tpu.memref_slice %arg11[%mul3A_4, %dma_start3A_75] : memref<10240x128xf32, #tpu.memory_space<vmem_shared>> -> memref<640x128xf32, #tpu.memory_space<vmem_shared>>
      %dma_start3A_77 = arith.constant 0 : i32
      %dma_start3A_78 = tpu.memref_slice %arg5[%mul3A_2, %dma_start3A_77] : memref<10240x128xf32, #tpu.memory_space<hbm>> -> memref<640x128xf32, #tpu.memory_space<hbm>>
      tpu.enqueue_dma source(%dma_start3A_78 : memref<640x128xf32, #tpu.memory_space<hbm>>) target(%dma_start3A_76 : memref<640x128xf32, #tpu.memory_space<vmem_shared>>) target_semaphore(%run_scoped3A : memref<!tpu.dma_semaphore, #tpu.memory_space<semaphore_mem>>)
      %dma_wait3A_79 = arith.constant 0 : i32
      %dma_wait3A_80 = tpu.memref_slice %arg11[%mul3A_4, %dma_wait3A_79] : memref<10240x128xf32, #tpu.memory_space<vmem_shared>> -> memref<640x128xf32, #tpu.memory_space<vmem_shared>>
      %dma_wait3A_81 = arith.constant 0 : i32
      %dma_wait3A_82 = tpu.memref_slice %arg5[%mul3A_2, %dma_wait3A_81] : memref<10240x128xf32, #tpu.memory_space<hbm>> -> memref<640x128xf32, #tpu.memory_space<hbm>>
      tpu.wait_dma2 semaphore(%run_scoped3A : memref<!tpu.dma_semaphore, #tpu.memory_space<semaphore_mem>>) src(%dma_wait3A_82 : memref<640x128xf32, #tpu.memory_space<hbm>>) dst(%dma_wait3A_80 : memref<640x128xf32, #tpu.memory_space<vmem_shared>>)
      tpu.yield
    }) : () -> ()
    %barrier3A = arith.constant 0 : index
    tpu.barrier barrier_id(%barrier3A)
    "tpu.region"() ({
      %run_scoped3A = tpu.sem_alloc : memref<!tpu.dma_semaphore, #tpu.memory_space<semaphore_mem>>
      %dma_start3A_75 = arith.constant 0 : i32
      %dma_start3A_76 = arith.constant 0 : i32
      %dma_start3A_77 = tpu.memref_slice %arg3[%add3A, %dma_start3A_75, %dma_start3A_76] : memref<32x80x128xi32, #tpu.memory_space<hbm>> -> memref<1x40x128xi32, #tpu.memory_space<hbm>>
      %dma_start3A_78 = tpu.memref_squeeze %dma_start3A_77 : memref<1x40x128xi32, #tpu.memory_space<hbm>> -> memref<40x128xi32, #tpu.memory_space<hbm>>
      %dma_start3A_79 = arith.constant 0 : i32
      %dma_start3A_80 = arith.constant 0 : i32
      %dma_start3A_81 = tpu.memref_slice %arg3[%add3A, %dma_start3A_79, %dma_start3A_80] : memref<32x80x128xi32, #tpu.memory_space<hbm>> -> memref<1x40x128xi32, #tpu.memory_space<hbm>>
      %dma_start3A_82 = tpu.memref_squeeze %dma_start3A_81 : memref<1x40x128xi32, #tpu.memory_space<hbm>> -> memref<40x128xi32, #tpu.memory_space<hbm>>
      tpu.enqueue_dma source(%dma_start3A_82 : memref<40x128xi32, #tpu.memory_space<hbm>>) target(%arg7 : memref<40x128xi32, #tpu.memory_space<vmem>>) target_semaphore(%run_scoped3A : memref<!tpu.dma_semaphore, #tpu.memory_space<semaphore_mem>>)
      %dma_wait3A_83 = arith.constant 0 : i32
      %dma_wait3A_84 = arith.constant 0 : i32
      %dma_wait3A_85 = tpu.memref_slice %arg3[%add3A, %dma_wait3A_83, %dma_wait3A_84] : memref<32x80x128xi32, #tpu.memory_space<hbm>> -> memref<1x40x128xi32, #tpu.memory_space<hbm>>
      %dma_wait3A_86 = tpu.memref_squeeze %dma_wait3A_85 : memref<1x40x128xi32, #tpu.memory_space<hbm>> -> memref<40x128xi32, #tpu.memory_space<hbm>>
      %dma_wait3A_87 = arith.constant 0 : i32
      %dma_wait3A_88 = arith.constant 0 : i32
      %dma_wait3A_89 = tpu.memref_slice %arg3[%add3A, %dma_wait3A_87, %dma_wait3A_88] : memref<32x80x128xi32, #tpu.memory_space<hbm>> -> memref<1x40x128xi32, #tpu.memory_space<hbm>>
      %dma_wait3A_90 = tpu.memref_squeeze %dma_wait3A_89 : memref<1x40x128xi32, #tpu.memory_space<hbm>> -> memref<40x128xi32, #tpu.memory_space<hbm>>
      tpu.wait_dma2 semaphore(%run_scoped3A : memref<!tpu.dma_semaphore, #tpu.memory_space<semaphore_mem>>) src(%dma_wait3A_90 : memref<40x128xi32, #tpu.memory_space<hbm>>) dst(%arg7 : memref<40x128xi32, #tpu.memory_space<vmem>>)
      tpu.yield
    }) : () -> ()
    "tpu.region"() ({
      %run_scoped3A = tpu.sem_alloc : memref<!tpu.dma_semaphore, #tpu.memory_space<semaphore_mem>>
      %dma_start3A_75 = arith.constant 0 : i32
      %dma_start3A_76 = arith.constant 0 : i32
      %dma_start3A_77 = tpu.memref_slice %arg4[%add3A, %dma_start3A_75, %dma_start3A_76] : memref<32x80x128xi32, #tpu.memory_space<hbm>> -> memref<1x40x128xi32, #tpu.memory_space<hbm>>
      %dma_start3A_78 = tpu.memref_squeeze %dma_start3A_77 : memref<1x40x128xi32, #tpu.memory_space<hbm>> -> memref<40x128xi32, #tpu.memory_space<hbm>>
      %dma_start3A_79 = arith.constant 0 : i32
      %dma_start3A_80 = arith.constant 0 : i32
      %dma_start3A_81 = tpu.memref_slice %arg4[%add3A, %dma_start3A_79, %dma_start3A_80] : memref<32x80x128xi32, #tpu.memory_space<hbm>> -> memref<1x40x128xi32, #tpu.memory_space<hbm>>
      %dma_start3A_82 = tpu.memref_squeeze %dma_start3A_81 : memref<1x40x128xi32, #tpu.memory_space<hbm>> -> memref<40x128xi32, #tpu.memory_space<hbm>>
      tpu.enqueue_dma source(%dma_start3A_82 : memref<40x128xi32, #tpu.memory_space<hbm>>) target(%arg8 : memref<40x128xi32, #tpu.memory_space<vmem>>) target_semaphore(%run_scoped3A : memref<!tpu.dma_semaphore, #tpu.memory_space<semaphore_mem>>)
      %dma_wait3A_83 = arith.constant 0 : i32
      %dma_wait3A_84 = arith.constant 0 : i32
      %dma_wait3A_85 = tpu.memref_slice %arg4[%add3A, %dma_wait3A_83, %dma_wait3A_84] : memref<32x80x128xi32, #tpu.memory_space<hbm>> -> memref<1x40x128xi32, #tpu.memory_space<hbm>>
      %dma_wait3A_86 = tpu.memref_squeeze %dma_wait3A_85 : memref<1x40x128xi32, #tpu.memory_space<hbm>> -> memref<40x128xi32, #tpu.memory_space<hbm>>
      %dma_wait3A_87 = arith.constant 0 : i32
      %dma_wait3A_88 = arith.constant 0 : i32
      %dma_wait3A_89 = tpu.memref_slice %arg4[%add3A, %dma_wait3A_87, %dma_wait3A_88] : memref<32x80x128xi32, #tpu.memory_space<hbm>> -> memref<1x40x128xi32, #tpu.memory_space<hbm>>
      %dma_wait3A_90 = tpu.memref_squeeze %dma_wait3A_89 : memref<1x40x128xi32, #tpu.memory_space<hbm>> -> memref<40x128xi32, #tpu.memory_space<hbm>>
      tpu.wait_dma2 semaphore(%run_scoped3A : memref<!tpu.dma_semaphore, #tpu.memory_space<semaphore_mem>>) src(%dma_wait3A_90 : memref<40x128xi32, #tpu.memory_space<hbm>>) dst(%arg8 : memref<40x128xi32, #tpu.memory_space<vmem>>)
      tpu.yield
    }) : () -> ()
    %dma_start3A = arith.constant 0 : i32
    %dma_start3A_5 = arith.constant 0 : i32
    %dma_start3A_6 = tpu.memref_slice %arg7[%dma_start3A, %dma_start3A_5] : memref<40x128xi32, #tpu.memory_space<vmem>> -> memref<1x128xi32, #tpu.memory_space<vmem>>
    %dma_start3A_7 = tpu.memref_squeeze %dma_start3A_6 : memref<1x128xi32, #tpu.memory_space<vmem>> -> memref<128xi32, #tpu.memory_space<vmem>>
    %dma_start3A_8 = arith.constant 0 : i32
    %dma_start3A_9 = arith.constant 0 : i32
    %dma_start3A_10 = tpu.memref_slice %arg2[%dma_start3A_8, %dma_start3A_9] : memref<10240x128xf32, #tpu.memory_space<hbm>> -> memref<10240x128xf32, #tpu.memory_space<hbm>>
    tpu.enqueue_indirect_dma source(%dma_start3A_10 : memref<10240x128xf32, #tpu.memory_space<hbm>>) target(%arg9 : memref<128x128xf32, #tpu.memory_space<vmem>>) offsets(%dma_start3A_7 : memref<128xi32, #tpu.memory_space<vmem>>) semaphore(%arg12 : memref<!tpu.dma_semaphore, #tpu.memory_space<semaphore_mem>>)
    %dma_start3A_11 = arith.constant 1 : i32
    %dma_start3A_12 = arith.constant 0 : i32
    %dma_start3A_13 = tpu.memref_slice %arg7[%dma_start3A_11, %dma_start3A_12] : memref<40x128xi32, #tpu.memory_space<vmem>> -> memref<1x128xi32, #tpu.memory_space<vmem>>
    %dma_start3A_14 = tpu.memref_squeeze %dma_start3A_13 : memref<1x128xi32, #tpu.memory_space<vmem>> -> memref<128xi32, #tpu.memory_space<vmem>>
    %dma_start3A_15 = arith.constant 0 : i32
    %dma_start3A_16 = arith.constant 0 : i32
    %dma_start3A_17 = tpu.memref_slice %arg2[%dma_start3A_15, %dma_start3A_16] : memref<10240x128xf32, #tpu.memory_space<hbm>> -> memref<10240x128xf32, #tpu.memory_space<hbm>>
    tpu.enqueue_indirect_dma source(%dma_start3A_17 : memref<10240x128xf32, #tpu.memory_space<hbm>>) target(%arg10 : memref<128x128xf32, #tpu.memory_space<vmem>>) offsets(%dma_start3A_14 : memref<128xi32, #tpu.memory_space<vmem>>) semaphore(%arg13 : memref<!tpu.dma_semaphore, #tpu.memory_space<semaphore_mem>>)
    %scan3A = arith.constant 0 : i32
    %scan3A_18 = arith.constant 0 : i32
    %scan3A_19 = arith.constant 20 : i32
    %scan3A_20 = arith.addi %scan3A_18, %scan3A_19 : i32
    %scan3A_21 = arith.constant 1 : i32
    scf.for %scan3A_75 = %scan3A_18 to %scan3A_20 step %scan3A_21  : i32 {
      %mul3A_76 = arith.constant 2 : i32
      %mul3A_77 = arith.muli %mul3A_76, %scan3A_75 : i32
      %dma_wait3A_78 = arith.constant 0 : i32
      %dma_wait3A_79 = tpu.memref_slice %arg7[%mul3A_77, %dma_wait3A_78] : memref<40x128xi32, #tpu.memory_space<vmem>> -> memref<1x128xi32, #tpu.memory_space<vmem>>
      %dma_wait3A_80 = tpu.memref_squeeze %dma_wait3A_79 : memref<1x128xi32, #tpu.memory_space<vmem>> -> memref<128xi32, #tpu.memory_space<vmem>>
      %dma_wait3A_81 = arith.constant 0 : i32
      %dma_wait3A_82 = arith.constant 0 : i32
      %dma_wait3A_83 = tpu.memref_slice %arg2[%dma_wait3A_81, %dma_wait3A_82] : memref<10240x128xf32, #tpu.memory_space<hbm>> -> memref<10240x128xf32, #tpu.memory_space<hbm>>
      tpu.wait_indirect_dma semaphore(%arg12 : memref<!tpu.dma_semaphore, #tpu.memory_space<semaphore_mem>>) src(%dma_wait3A_83 : memref<10240x128xf32, #tpu.memory_space<hbm>>) dst(%arg9 : memref<128x128xf32, #tpu.memory_space<vmem>>)
      "tpu.region"() ({
        %run_scoped3A = tpu.sem_alloc : memref<!tpu.dma_semaphore, #tpu.memory_space<semaphore_mem>>
        %dma_start3A_113 = arith.constant 0 : i32
        %dma_start3A_114 = tpu.memref_slice %arg8[%mul3A_77, %dma_start3A_113] : memref<40x128xi32, #tpu.memory_space<vmem>> -> memref<1x128xi32, #tpu.memory_space<vmem>>
        %dma_start3A_115 = tpu.memref_squeeze %dma_start3A_114 : memref<1x128xi32, #tpu.memory_space<vmem>> -> memref<128xi32, #tpu.memory_space<vmem>>
        %dma_start3A_116 = arith.constant 0 : i32
        %dma_start3A_117 = arith.constant 0 : i32
        %dma_start3A_118 = tpu.memref_slice %arg11[%dma_start3A_116, %dma_start3A_117] : memref<10240x128xf32, #tpu.memory_space<vmem_shared>> -> memref<10240x128xf32, #tpu.memory_space<vmem_shared>>
        tpu.enqueue_indirect_dma source(%arg9 : memref<128x128xf32, #tpu.memory_space<vmem>>) target(%dma_start3A_118 : memref<10240x128xf32, #tpu.memory_space<vmem_shared>>) offsets(%dma_start3A_115 : memref<128xi32, #tpu.memory_space<vmem>>) semaphore(%run_scoped3A : memref<!tpu.dma_semaphore, #tpu.memory_space<semaphore_mem>>) {add = true}
        %dma_wait3A_119 = arith.constant 0 : i32
        %dma_wait3A_120 = tpu.memref_slice %arg8[%mul3A_77, %dma_wait3A_119] : memref<40x128xi32, #tpu.memory_space<vmem>> -> memref<1x128xi32, #tpu.memory_space<vmem>>
        %dma_wait3A_121 = tpu.memref_squeeze %dma_wait3A_120 : memref<1x128xi32, #tpu.memory_space<vmem>> -> memref<128xi32, #tpu.memory_space<vmem>>
        %dma_wait3A_122 = arith.constant 0 : i32
        %dma_wait3A_123 = arith.constant 0 : i32
        %dma_wait3A_124 = tpu.memref_slice %arg11[%dma_wait3A_122, %dma_wait3A_123] : memref<10240x128xf32, #tpu.memory_space<vmem_shared>> -> memref<10240x128xf32, #tpu.memory_space<vmem_shared>>
        tpu.wait_indirect_dma semaphore(%run_scoped3A : memref<!tpu.dma_semaphore, #tpu.memory_space<semaphore_mem>>) src(%arg9 : memref<128x128xf32, #tpu.memory_space<vmem>>) dst(%dma_wait3A_124 : memref<10240x128xf32, #tpu.memory_space<vmem_shared>>)
        tpu.yield
      }) : () -> ()
      %add3A_84 = arith.constant 2 : i32
      %add3A_85 = arith.addi %mul3A_77, %add3A_84 : i32
      %min3A = arith.constant 39 : i32
      %min3A_86 = arith.minsi %add3A_85, %min3A : i32
      %dma_start3A_87 = arith.constant 0 : i32
      %dma_start3A_88 = tpu.memref_slice %arg7[%min3A_86, %dma_start3A_87] : memref<40x128xi32, #tpu.memory_space<vmem>> -> memref<1x128xi32, #tpu.memory_space<vmem>>
      %dma_start3A_89 = tpu.memref_squeeze %dma_start3A_88 : memref<1x128xi32, #tpu.memory_space<vmem>> -> memref<128xi32, #tpu.memory_space<vmem>>
      %dma_start3A_90 = arith.constant 0 : i32
      %dma_start3A_91 = arith.constant 0 : i32
      %dma_start3A_92 = tpu.memref_slice %arg2[%dma_start3A_90, %dma_start3A_91] : memref<10240x128xf32, #tpu.memory_space<hbm>> -> memref<10240x128xf32, #tpu.memory_space<hbm>>
      tpu.enqueue_indirect_dma source(%dma_start3A_92 : memref<10240x128xf32, #tpu.memory_space<hbm>>) target(%arg9 : memref<128x128xf32, #tpu.memory_space<vmem>>) offsets(%dma_start3A_89 : memref<128xi32, #tpu.memory_space<vmem>>) semaphore(%arg12 : memref<!tpu.dma_semaphore, #tpu.memory_space<semaphore_mem>>)
      %add3A_93 = arith.constant 1 : i32
      %add3A_94 = arith.addi %mul3A_77, %add3A_93 : i32
      %dma_wait3A_95 = arith.constant 0 : i32
      %dma_wait3A_96 = tpu.memref_slice %arg7[%add3A_94, %dma_wait3A_95] : memref<40x128xi32, #tpu.memory_space<vmem>> -> memref<1x128xi32, #tpu.memory_space<vmem>>
      %dma_wait3A_97 = tpu.memref_squeeze %dma_wait3A_96 : memref<1x128xi32, #tpu.memory_space<vmem>> -> memref<128xi32, #tpu.memory_space<vmem>>
      %dma_wait3A_98 = arith.constant 0 : i32
      %dma_wait3A_99 = arith.constant 0 : i32
      %dma_wait3A_100 = tpu.memref_slice %arg2[%dma_wait3A_98, %dma_wait3A_99] : memref<10240x128xf32, #tpu.memory_space<hbm>> -> memref<10240x128xf32, #tpu.memory_space<hbm>>
      tpu.wait_indirect_dma semaphore(%arg13 : memref<!tpu.dma_semaphore, #tpu.memory_space<semaphore_mem>>) src(%dma_wait3A_100 : memref<10240x128xf32, #tpu.memory_space<hbm>>) dst(%arg10 : memref<128x128xf32, #tpu.memory_space<vmem>>)
      %add3A_101 = arith.constant 1 : i32
      %add3A_102 = arith.addi %mul3A_77, %add3A_101 : i32
      "tpu.region"() ({
        %run_scoped3A = tpu.sem_alloc : memref<!tpu.dma_semaphore, #tpu.memory_space<semaphore_mem>>
        %dma_start3A_113 = arith.constant 0 : i32
        %dma_start3A_114 = tpu.memref_slice %arg8[%add3A_102, %dma_start3A_113] : memref<40x128xi32, #tpu.memory_space<vmem>> -> memref<1x128xi32, #tpu.memory_space<vmem>>
        %dma_start3A_115 = tpu.memref_squeeze %dma_start3A_114 : memref<1x128xi32, #tpu.memory_space<vmem>> -> memref<128xi32, #tpu.memory_space<vmem>>
        %dma_start3A_116 = arith.constant 0 : i32
        %dma_start3A_117 = arith.constant 0 : i32
        %dma_start3A_118 = tpu.memref_slice %arg11[%dma_start3A_116, %dma_start3A_117] : memref<10240x128xf32, #tpu.memory_space<vmem_shared>> -> memref<10240x128xf32, #tpu.memory_space<vmem_shared>>
        tpu.enqueue_indirect_dma source(%arg10 : memref<128x128xf32, #tpu.memory_space<vmem>>) target(%dma_start3A_118 : memref<10240x128xf32, #tpu.memory_space<vmem_shared>>) offsets(%dma_start3A_115 : memref<128xi32, #tpu.memory_space<vmem>>) semaphore(%run_scoped3A : memref<!tpu.dma_semaphore, #tpu.memory_space<semaphore_mem>>) {add = true}
        %dma_wait3A_119 = arith.constant 0 : i32
        %dma_wait3A_120 = tpu.memref_slice %arg8[%add3A_102, %dma_wait3A_119] : memref<40x128xi32, #tpu.memory_space<vmem>> -> memref<1x128xi32, #tpu.memory_space<vmem>>
        %dma_wait3A_121 = tpu.memref_squeeze %dma_wait3A_120 : memref<1x128xi32, #tpu.memory_space<vmem>> -> memref<128xi32, #tpu.memory_space<vmem>>
        %dma_wait3A_122 = arith.constant 0 : i32
        %dma_wait3A_123 = arith.constant 0 : i32
        %dma_wait3A_124 = tpu.memref_slice %arg11[%dma_wait3A_122, %dma_wait3A_123] : memref<10240x128xf32, #tpu.memory_space<vmem_shared>> -> memref<10240x128xf32, #tpu.memory_space<vmem_shared>>
        tpu.wait_indirect_dma semaphore(%run_scoped3A : memref<!tpu.dma_semaphore, #tpu.memory_space<semaphore_mem>>) src(%arg10 : memref<128x128xf32, #tpu.memory_space<vmem>>) dst(%dma_wait3A_124 : memref<10240x128xf32, #tpu.memory_space<vmem_shared>>)
        tpu.yield
      }) : () -> ()
      %add3A_103 = arith.constant 3 : i32
      %add3A_104 = arith.addi %mul3A_77, %add3A_103 : i32
      %min3A_105 = arith.constant 39 : i32
      %min3A_106 = arith.minsi %add3A_104, %min3A_105 : i32
      %dma_start3A_107 = arith.constant 0 : i32
      %dma_start3A_108 = tpu.memref_slice %arg7[%min3A_106, %dma_start3A_107] : memref<40x128xi32, #tpu.memory_space<vmem>> -> memref<1x128xi32, #tpu.memory_space<vmem>>
      %dma_start3A_109 = tpu.memref_squeeze %dma_start3A_108 : memref<1x128xi32, #tpu.memory_space<vmem>> -> memref<128xi32, #tpu.memory_space<vmem>>
      %dma_start3A_110 = arith.constant 0 : i32
      %dma_start3A_111 = arith.constant 0 : i32
      %dma_start3A_112 = tpu.memref_slice %arg2[%dma_start3A_110, %dma_start3A_111] : memref<10240x128xf32, #tpu.memory_space<hbm>> -> memref<10240x128xf32, #tpu.memory_space<hbm>>
      tpu.enqueue_indirect_dma source(%dma_start3A_112 : memref<10240x128xf32, #tpu.memory_space<hbm>>) target(%arg10 : memref<128x128xf32, #tpu.memory_space<vmem>>) offsets(%dma_start3A_109 : memref<128xi32, #tpu.memory_space<vmem>>) semaphore(%arg13 : memref<!tpu.dma_semaphore, #tpu.memory_space<semaphore_mem>>)
    }
    %scan3A_22 = arith.constant 20 : i32
    %dma_wait3A = arith.constant 39 : i32
    %dma_wait3A_23 = arith.constant 0 : i32
    %dma_wait3A_24 = tpu.memref_slice %arg7[%dma_wait3A, %dma_wait3A_23] : memref<40x128xi32, #tpu.memory_space<vmem>> -> memref<1x128xi32, #tpu.memory_space<vmem>>
    %dma_wait3A_25 = tpu.memref_squeeze %dma_wait3A_24 : memref<1x128xi32, #tpu.memory_space<vmem>> -> memref<128xi32, #tpu.memory_space<vmem>>
    %dma_wait3A_26 = arith.constant 0 : i32
    %dma_wait3A_27 = arith.constant 0 : i32
    %dma_wait3A_28 = tpu.memref_slice %arg2[%dma_wait3A_26, %dma_wait3A_27] : memref<10240x128xf32, #tpu.memory_space<hbm>> -> memref<10240x128xf32, #tpu.memory_space<hbm>>
    tpu.wait_indirect_dma semaphore(%arg12 : memref<!tpu.dma_semaphore, #tpu.memory_space<semaphore_mem>>) src(%dma_wait3A_28 : memref<10240x128xf32, #tpu.memory_space<hbm>>) dst(%arg9 : memref<128x128xf32, #tpu.memory_space<vmem>>)
    %dma_wait3A_29 = arith.constant 39 : i32
    %dma_wait3A_30 = arith.constant 0 : i32
    %dma_wait3A_31 = tpu.memref_slice %arg7[%dma_wait3A_29, %dma_wait3A_30] : memref<40x128xi32, #tpu.memory_space<vmem>> -> memref<1x128xi32, #tpu.memory_space<vmem>>
    %dma_wait3A_32 = tpu.memref_squeeze %dma_wait3A_31 : memref<1x128xi32, #tpu.memory_space<vmem>> -> memref<128xi32, #tpu.memory_space<vmem>>
    %dma_wait3A_33 = arith.constant 0 : i32
    %dma_wait3A_34 = arith.constant 0 : i32
    %dma_wait3A_35 = tpu.memref_slice %arg2[%dma_wait3A_33, %dma_wait3A_34] : memref<10240x128xf32, #tpu.memory_space<hbm>> -> memref<10240x128xf32, #tpu.memory_space<hbm>>
    tpu.wait_indirect_dma semaphore(%arg13 : memref<!tpu.dma_semaphore, #tpu.memory_space<semaphore_mem>>) src(%dma_wait3A_35 : memref<10240x128xf32, #tpu.memory_space<hbm>>) dst(%arg10 : memref<128x128xf32, #tpu.memory_space<vmem>>)
    "tpu.region"() ({
      %run_scoped3A = tpu.sem_alloc : memref<!tpu.dma_semaphore, #tpu.memory_space<semaphore_mem>>
      %dma_start3A_75 = arith.constant 40 : i32
      %dma_start3A_76 = arith.constant 0 : i32
      %dma_start3A_77 = tpu.memref_slice %arg3[%add3A, %dma_start3A_75, %dma_start3A_76] : memref<32x80x128xi32, #tpu.memory_space<hbm>> -> memref<1x40x128xi32, #tpu.memory_space<hbm>>
      %dma_start3A_78 = tpu.memref_squeeze %dma_start3A_77 : memref<1x40x128xi32, #tpu.memory_space<hbm>> -> memref<40x128xi32, #tpu.memory_space<hbm>>
      %dma_start3A_79 = arith.constant 40 : i32
      %dma_start3A_80 = arith.constant 0 : i32
      %dma_start3A_81 = tpu.memref_slice %arg3[%add3A, %dma_start3A_79, %dma_start3A_80] : memref<32x80x128xi32, #tpu.memory_space<hbm>> -> memref<1x40x128xi32, #tpu.memory_space<hbm>>
      %dma_start3A_82 = tpu.memref_squeeze %dma_start3A_81 : memref<1x40x128xi32, #tpu.memory_space<hbm>> -> memref<40x128xi32, #tpu.memory_space<hbm>>
      tpu.enqueue_dma source(%dma_start3A_82 : memref<40x128xi32, #tpu.memory_space<hbm>>) target(%arg7 : memref<40x128xi32, #tpu.memory_space<vmem>>) target_semaphore(%run_scoped3A : memref<!tpu.dma_semaphore, #tpu.memory_space<semaphore_mem>>)
      %dma_wait3A_83 = arith.constant 40 : i32
      %dma_wait3A_84 = arith.constant 0 : i32
      %dma_wait3A_85 = tpu.memref_slice %arg3[%add3A, %dma_wait3A_83, %dma_wait3A_84] : memref<32x80x128xi32, #tpu.memory_space<hbm>> -> memref<1x40x128xi32, #tpu.memory_space<hbm>>
      %dma_wait3A_86 = tpu.memref_squeeze %dma_wait3A_85 : memref<1x40x128xi32, #tpu.memory_space<hbm>> -> memref<40x128xi32, #tpu.memory_space<hbm>>
      %dma_wait3A_87 = arith.constant 40 : i32
      %dma_wait3A_88 = arith.constant 0 : i32
      %dma_wait3A_89 = tpu.memref_slice %arg3[%add3A, %dma_wait3A_87, %dma_wait3A_88] : memref<32x80x128xi32, #tpu.memory_space<hbm>> -> memref<1x40x128xi32, #tpu.memory_space<hbm>>
      %dma_wait3A_90 = tpu.memref_squeeze %dma_wait3A_89 : memref<1x40x128xi32, #tpu.memory_space<hbm>> -> memref<40x128xi32, #tpu.memory_space<hbm>>
      tpu.wait_dma2 semaphore(%run_scoped3A : memref<!tpu.dma_semaphore, #tpu.memory_space<semaphore_mem>>) src(%dma_wait3A_90 : memref<40x128xi32, #tpu.memory_space<hbm>>) dst(%arg7 : memref<40x128xi32, #tpu.memory_space<vmem>>)
      tpu.yield
    }) : () -> ()
    "tpu.region"() ({
      %run_scoped3A = tpu.sem_alloc : memref<!tpu.dma_semaphore, #tpu.memory_space<semaphore_mem>>
      %dma_start3A_75 = arith.constant 40 : i32
      %dma_start3A_76 = arith.constant 0 : i32
      %dma_start3A_77 = tpu.memref_slice %arg4[%add3A, %dma_start3A_75, %dma_start3A_76] : memref<32x80x128xi32, #tpu.memory_space<hbm>> -> memref<1x40x128xi32, #tpu.memory_space<hbm>>
      %dma_start3A_78 = tpu.memref_squeeze %dma_start3A_77 : memref<1x40x128xi32, #tpu.memory_space<hbm>> -> memref<40x128xi32, #tpu.memory_space<hbm>>
      %dma_start3A_79 = arith.constant 40 : i32
      %dma_start3A_80 = arith.constant 0 : i32
      %dma_start3A_81 = tpu.memref_slice %arg4[%add3A, %dma_start3A_79, %dma_start3A_80] : memref<32x80x128xi32, #tpu.memory_space<hbm>> -> memref<1x40x128xi32, #tpu.memory_space<hbm>>
      %dma_start3A_82 = tpu.memref_squeeze %dma_start3A_81 : memref<1x40x128xi32, #tpu.memory_space<hbm>> -> memref<40x128xi32, #tpu.memory_space<hbm>>
      tpu.enqueue_dma source(%dma_start3A_82 : memref<40x128xi32, #tpu.memory_space<hbm>>) target(%arg8 : memref<40x128xi32, #tpu.memory_space<vmem>>) target_semaphore(%run_scoped3A : memref<!tpu.dma_semaphore, #tpu.memory_space<semaphore_mem>>)
      %dma_wait3A_83 = arith.constant 40 : i32
      %dma_wait3A_84 = arith.constant 0 : i32
      %dma_wait3A_85 = tpu.memref_slice %arg4[%add3A, %dma_wait3A_83, %dma_wait3A_84] : memref<32x80x128xi32, #tpu.memory_space<hbm>> -> memref<1x40x128xi32, #tpu.memory_space<hbm>>
      %dma_wait3A_86 = tpu.memref_squeeze %dma_wait3A_85 : memref<1x40x128xi32, #tpu.memory_space<hbm>> -> memref<40x128xi32, #tpu.memory_space<hbm>>
      %dma_wait3A_87 = arith.constant 40 : i32
      %dma_wait3A_88 = arith.constant 0 : i32
      %dma_wait3A_89 = tpu.memref_slice %arg4[%add3A, %dma_wait3A_87, %dma_wait3A_88] : memref<32x80x128xi32, #tpu.memory_space<hbm>> -> memref<1x40x128xi32, #tpu.memory_space<hbm>>
      %dma_wait3A_90 = tpu.memref_squeeze %dma_wait3A_89 : memref<1x40x128xi32, #tpu.memory_space<hbm>> -> memref<40x128xi32, #tpu.memory_space<hbm>>
      tpu.wait_dma2 semaphore(%run_scoped3A : memref<!tpu.dma_semaphore, #tpu.memory_space<semaphore_mem>>) src(%dma_wait3A_90 : memref<40x128xi32, #tpu.memory_space<hbm>>) dst(%arg8 : memref<40x128xi32, #tpu.memory_space<vmem>>)
      tpu.yield
    }) : () -> ()
    %dma_start3A_36 = arith.constant 0 : i32
    %dma_start3A_37 = arith.constant 0 : i32
    %dma_start3A_38 = tpu.memref_slice %arg7[%dma_start3A_36, %dma_start3A_37] : memref<40x128xi32, #tpu.memory_space<vmem>> -> memref<1x128xi32, #tpu.memory_space<vmem>>
    %dma_start3A_39 = tpu.memref_squeeze %dma_start3A_38 : memref<1x128xi32, #tpu.memory_space<vmem>> -> memref<128xi32, #tpu.memory_space<vmem>>
    %dma_start3A_40 = arith.constant 0 : i32
    %dma_start3A_41 = arith.constant 0 : i32
    %dma_start3A_42 = tpu.memref_slice %arg2[%dma_start3A_40, %dma_start3A_41] : memref<10240x128xf32, #tpu.memory_space<hbm>> -> memref<10240x128xf32, #tpu.memory_space<hbm>>
    tpu.enqueue_indirect_dma source(%dma_start3A_42 : memref<10240x128xf32, #tpu.memory_space<hbm>>) target(%arg9 : memref<128x128xf32, #tpu.memory_space<vmem>>) offsets(%dma_start3A_39 : memref<128xi32, #tpu.memory_space<vmem>>) semaphore(%arg12 : memref<!tpu.dma_semaphore, #tpu.memory_space<semaphore_mem>>)
    %dma_start3A_43 = arith.constant 1 : i32
    %dma_start3A_44 = arith.constant 0 : i32
    %dma_start3A_45 = tpu.memref_slice %arg7[%dma_start3A_43, %dma_start3A_44] : memref<40x128xi32, #tpu.memory_space<vmem>> -> memref<1x128xi32, #tpu.memory_space<vmem>>
    %dma_start3A_46 = tpu.memref_squeeze %dma_start3A_45 : memref<1x128xi32, #tpu.memory_space<vmem>> -> memref<128xi32, #tpu.memory_space<vmem>>
    %dma_start3A_47 = arith.constant 0 : i32
    %dma_start3A_48 = arith.constant 0 : i32
    %dma_start3A_49 = tpu.memref_slice %arg2[%dma_start3A_47, %dma_start3A_48] : memref<10240x128xf32, #tpu.memory_space<hbm>> -> memref<10240x128xf32, #tpu.memory_space<hbm>>
    tpu.enqueue_indirect_dma source(%dma_start3A_49 : memref<10240x128xf32, #tpu.memory_space<hbm>>) target(%arg10 : memref<128x128xf32, #tpu.memory_space<vmem>>) offsets(%dma_start3A_46 : memref<128xi32, #tpu.memory_space<vmem>>) semaphore(%arg13 : memref<!tpu.dma_semaphore, #tpu.memory_space<semaphore_mem>>)
    %scan3A_50 = arith.constant 0 : i32
    %scan3A_51 = arith.constant 0 : i32
    %scan3A_52 = arith.constant 20 : i32
    %scan3A_53 = arith.addi %scan3A_51, %scan3A_52 : i32
    %scan3A_54 = arith.constant 1 : i32
    scf.for %scan3A_75 = %scan3A_51 to %scan3A_53 step %scan3A_54  : i32 {
      %mul3A_76 = arith.constant 2 : i32
      %mul3A_77 = arith.muli %mul3A_76, %scan3A_75 : i32
      %dma_wait3A_78 = arith.constant 0 : i32
      %dma_wait3A_79 = tpu.memref_slice %arg7[%mul3A_77, %dma_wait3A_78] : memref<40x128xi32, #tpu.memory_space<vmem>> -> memref<1x128xi32, #tpu.memory_space<vmem>>
      %dma_wait3A_80 = tpu.memref_squeeze %dma_wait3A_79 : memref<1x128xi32, #tpu.memory_space<vmem>> -> memref<128xi32, #tpu.memory_space<vmem>>
      %dma_wait3A_81 = arith.constant 0 : i32
      %dma_wait3A_82 = arith.constant 0 : i32
      %dma_wait3A_83 = tpu.memref_slice %arg2[%dma_wait3A_81, %dma_wait3A_82] : memref<10240x128xf32, #tpu.memory_space<hbm>> -> memref<10240x128xf32, #tpu.memory_space<hbm>>
      tpu.wait_indirect_dma semaphore(%arg12 : memref<!tpu.dma_semaphore, #tpu.memory_space<semaphore_mem>>) src(%dma_wait3A_83 : memref<10240x128xf32, #tpu.memory_space<hbm>>) dst(%arg9 : memref<128x128xf32, #tpu.memory_space<vmem>>)
      "tpu.region"() ({
        %run_scoped3A = tpu.sem_alloc : memref<!tpu.dma_semaphore, #tpu.memory_space<semaphore_mem>>
        %dma_start3A_113 = arith.constant 0 : i32
        %dma_start3A_114 = tpu.memref_slice %arg8[%mul3A_77, %dma_start3A_113] : memref<40x128xi32, #tpu.memory_space<vmem>> -> memref<1x128xi32, #tpu.memory_space<vmem>>
        %dma_start3A_115 = tpu.memref_squeeze %dma_start3A_114 : memref<1x128xi32, #tpu.memory_space<vmem>> -> memref<128xi32, #tpu.memory_space<vmem>>
        %dma_start3A_116 = arith.constant 0 : i32
        %dma_start3A_117 = arith.constant 0 : i32
        %dma_start3A_118 = tpu.memref_slice %arg11[%dma_start3A_116, %dma_start3A_117] : memref<10240x128xf32, #tpu.memory_space<vmem_shared>> -> memref<10240x128xf32, #tpu.memory_space<vmem_shared>>
        tpu.enqueue_indirect_dma source(%arg9 : memref<128x128xf32, #tpu.memory_space<vmem>>) target(%dma_start3A_118 : memref<10240x128xf32, #tpu.memory_space<vmem_shared>>) offsets(%dma_start3A_115 : memref<128xi32, #tpu.memory_space<vmem>>) semaphore(%run_scoped3A : memref<!tpu.dma_semaphore, #tpu.memory_space<semaphore_mem>>) {add = true}
        %dma_wait3A_119 = arith.constant 0 : i32
        %dma_wait3A_120 = tpu.memref_slice %arg8[%mul3A_77, %dma_wait3A_119] : memref<40x128xi32, #tpu.memory_space<vmem>> -> memref<1x128xi32, #tpu.memory_space<vmem>>
        %dma_wait3A_121 = tpu.memref_squeeze %dma_wait3A_120 : memref<1x128xi32, #tpu.memory_space<vmem>> -> memref<128xi32, #tpu.memory_space<vmem>>
        %dma_wait3A_122 = arith.constant 0 : i32
        %dma_wait3A_123 = arith.constant 0 : i32
        %dma_wait3A_124 = tpu.memref_slice %arg11[%dma_wait3A_122, %dma_wait3A_123] : memref<10240x128xf32, #tpu.memory_space<vmem_shared>> -> memref<10240x128xf32, #tpu.memory_space<vmem_shared>>
        tpu.wait_indirect_dma semaphore(%run_scoped3A : memref<!tpu.dma_semaphore, #tpu.memory_space<semaphore_mem>>) src(%arg9 : memref<128x128xf32, #tpu.memory_space<vmem>>) dst(%dma_wait3A_124 : memref<10240x128xf32, #tpu.memory_space<vmem_shared>>)
        tpu.yield
      }) : () -> ()
      %add3A_84 = arith.constant 2 : i32
      %add3A_85 = arith.addi %mul3A_77, %add3A_84 : i32
      %min3A = arith.constant 39 : i32
      %min3A_86 = arith.minsi %add3A_85, %min3A : i32
      %dma_start3A_87 = arith.constant 0 : i32
      %dma_start3A_88 = tpu.memref_slice %arg7[%min3A_86, %dma_start3A_87] : memref<40x128xi32, #tpu.memory_space<vmem>> -> memref<1x128xi32, #tpu.memory_space<vmem>>
      %dma_start3A_89 = tpu.memref_squeeze %dma_start3A_88 : memref<1x128xi32, #tpu.memory_space<vmem>> -> memref<128xi32, #tpu.memory_space<vmem>>
      %dma_start3A_90 = arith.constant 0 : i32
      %dma_start3A_91 = arith.constant 0 : i32
      %dma_start3A_92 = tpu.memref_slice %arg2[%dma_start3A_90, %dma_start3A_91] : memref<10240x128xf32, #tpu.memory_space<hbm>> -> memref<10240x128xf32, #tpu.memory_space<hbm>>
      tpu.enqueue_indirect_dma source(%dma_start3A_92 : memref<10240x128xf32, #tpu.memory_space<hbm>>) target(%arg9 : memref<128x128xf32, #tpu.memory_space<vmem>>) offsets(%dma_start3A_89 : memref<128xi32, #tpu.memory_space<vmem>>) semaphore(%arg12 : memref<!tpu.dma_semaphore, #tpu.memory_space<semaphore_mem>>)
      %add3A_93 = arith.constant 1 : i32
      %add3A_94 = arith.addi %mul3A_77, %add3A_93 : i32
      %dma_wait3A_95 = arith.constant 0 : i32
      %dma_wait3A_96 = tpu.memref_slice %arg7[%add3A_94, %dma_wait3A_95] : memref<40x128xi32, #tpu.memory_space<vmem>> -> memref<1x128xi32, #tpu.memory_space<vmem>>
      %dma_wait3A_97 = tpu.memref_squeeze %dma_wait3A_96 : memref<1x128xi32, #tpu.memory_space<vmem>> -> memref<128xi32, #tpu.memory_space<vmem>>
      %dma_wait3A_98 = arith.constant 0 : i32
      %dma_wait3A_99 = arith.constant 0 : i32
      %dma_wait3A_100 = tpu.memref_slice %arg2[%dma_wait3A_98, %dma_wait3A_99] : memref<10240x128xf32, #tpu.memory_space<hbm>> -> memref<10240x128xf32, #tpu.memory_space<hbm>>
      tpu.wait_indirect_dma semaphore(%arg13 : memref<!tpu.dma_semaphore, #tpu.memory_space<semaphore_mem>>) src(%dma_wait3A_100 : memref<10240x128xf32, #tpu.memory_space<hbm>>) dst(%arg10 : memref<128x128xf32, #tpu.memory_space<vmem>>)
      %add3A_101 = arith.constant 1 : i32
      %add3A_102 = arith.addi %mul3A_77, %add3A_101 : i32
      "tpu.region"() ({
        %run_scoped3A = tpu.sem_alloc : memref<!tpu.dma_semaphore, #tpu.memory_space<semaphore_mem>>
        %dma_start3A_113 = arith.constant 0 : i32
        %dma_start3A_114 = tpu.memref_slice %arg8[%add3A_102, %dma_start3A_113] : memref<40x128xi32, #tpu.memory_space<vmem>> -> memref<1x128xi32, #tpu.memory_space<vmem>>
        %dma_start3A_115 = tpu.memref_squeeze %dma_start3A_114 : memref<1x128xi32, #tpu.memory_space<vmem>> -> memref<128xi32, #tpu.memory_space<vmem>>
        %dma_start3A_116 = arith.constant 0 : i32
        %dma_start3A_117 = arith.constant 0 : i32
        %dma_start3A_118 = tpu.memref_slice %arg11[%dma_start3A_116, %dma_start3A_117] : memref<10240x128xf32, #tpu.memory_space<vmem_shared>> -> memref<10240x128xf32, #tpu.memory_space<vmem_shared>>
        tpu.enqueue_indirect_dma source(%arg10 : memref<128x128xf32, #tpu.memory_space<vmem>>) target(%dma_start3A_118 : memref<10240x128xf32, #tpu.memory_space<vmem_shared>>) offsets(%dma_start3A_115 : memref<128xi32, #tpu.memory_space<vmem>>) semaphore(%run_scoped3A : memref<!tpu.dma_semaphore, #tpu.memory_space<semaphore_mem>>) {add = true}
        %dma_wait3A_119 = arith.constant 0 : i32
        %dma_wait3A_120 = tpu.memref_slice %arg8[%add3A_102, %dma_wait3A_119] : memref<40x128xi32, #tpu.memory_space<vmem>> -> memref<1x128xi32, #tpu.memory_space<vmem>>
        %dma_wait3A_121 = tpu.memref_squeeze %dma_wait3A_120 : memref<1x128xi32, #tpu.memory_space<vmem>> -> memref<128xi32, #tpu.memory_space<vmem>>
        %dma_wait3A_122 = arith.constant 0 : i32
        %dma_wait3A_123 = arith.constant 0 : i32
        %dma_wait3A_124 = tpu.memref_slice %arg11[%dma_wait3A_122, %dma_wait3A_123] : memref<10240x128xf32, #tpu.memory_space<vmem_shared>> -> memref<10240x128xf32, #tpu.memory_space<vmem_shared>>
        tpu.wait_indirect_dma semaphore(%run_scoped3A : memref<!tpu.dma_semaphore, #tpu.memory_space<semaphore_mem>>) src(%arg10 : memref<128x128xf32, #tpu.memory_space<vmem>>) dst(%dma_wait3A_124 : memref<10240x128xf32, #tpu.memory_space<vmem_shared>>)
        tpu.yield
      }) : () -> ()
      %add3A_103 = arith.constant 3 : i32
      %add3A_104 = arith.addi %mul3A_77, %add3A_103 : i32
      %min3A_105 = arith.constant 39 : i32
      %min3A_106 = arith.minsi %add3A_104, %min3A_105 : i32
      %dma_start3A_107 = arith.constant 0 : i32
      %dma_start3A_108 = tpu.memref_slice %arg7[%min3A_106, %dma_start3A_107] : memref<40x128xi32, #tpu.memory_space<vmem>> -> memref<1x128xi32, #tpu.memory_space<vmem>>
      %dma_start3A_109 = tpu.memref_squeeze %dma_start3A_108 : memref<1x128xi32, #tpu.memory_space<vmem>> -> memref<128xi32, #tpu.memory_space<vmem>>
      %dma_start3A_110 = arith.constant 0 : i32
      %dma_start3A_111 = arith.constant 0 : i32
      %dma_start3A_112 = tpu.memref_slice %arg2[%dma_start3A_110, %dma_start3A_111] : memref<10240x128xf32, #tpu.memory_space<hbm>> -> memref<10240x128xf32, #tpu.memory_space<hbm>>
      tpu.enqueue_indirect_dma source(%dma_start3A_112 : memref<10240x128xf32, #tpu.memory_space<hbm>>) target(%arg10 : memref<128x128xf32, #tpu.memory_space<vmem>>) offsets(%dma_start3A_109 : memref<128xi32, #tpu.memory_space<vmem>>) semaphore(%arg13 : memref<!tpu.dma_semaphore, #tpu.memory_space<semaphore_mem>>)
    }
    %scan3A_55 = arith.constant 20 : i32
    %dma_wait3A_56 = arith.constant 39 : i32
    %dma_wait3A_57 = arith.constant 0 : i32
    %dma_wait3A_58 = tpu.memref_slice %arg7[%dma_wait3A_56, %dma_wait3A_57] : memref<40x128xi32, #tpu.memory_space<vmem>> -> memref<1x128xi32, #tpu.memory_space<vmem>>
    %dma_wait3A_59 = tpu.memref_squeeze %dma_wait3A_58 : memref<1x128xi32, #tpu.memory_space<vmem>> -> memref<128xi32, #tpu.memory_space<vmem>>
    %dma_wait3A_60 = arith.constant 0 : i32
    %dma_wait3A_61 = arith.constant 0 : i32
    %dma_wait3A_62 = tpu.memref_slice %arg2[%dma_wait3A_60, %dma_wait3A_61] : memref<10240x128xf32, #tpu.memory_space<hbm>> -> memref<10240x128xf32, #tpu.memory_space<hbm>>
    tpu.wait_indirect_dma semaphore(%arg12 : memref<!tpu.dma_semaphore, #tpu.memory_space<semaphore_mem>>) src(%dma_wait3A_62 : memref<10240x128xf32, #tpu.memory_space<hbm>>) dst(%arg9 : memref<128x128xf32, #tpu.memory_space<vmem>>)
    %dma_wait3A_63 = arith.constant 39 : i32
    %dma_wait3A_64 = arith.constant 0 : i32
    %dma_wait3A_65 = tpu.memref_slice %arg7[%dma_wait3A_63, %dma_wait3A_64] : memref<40x128xi32, #tpu.memory_space<vmem>> -> memref<1x128xi32, #tpu.memory_space<vmem>>
    %dma_wait3A_66 = tpu.memref_squeeze %dma_wait3A_65 : memref<1x128xi32, #tpu.memory_space<vmem>> -> memref<128xi32, #tpu.memory_space<vmem>>
    %dma_wait3A_67 = arith.constant 0 : i32
    %dma_wait3A_68 = arith.constant 0 : i32
    %dma_wait3A_69 = tpu.memref_slice %arg2[%dma_wait3A_67, %dma_wait3A_68] : memref<10240x128xf32, #tpu.memory_space<hbm>> -> memref<10240x128xf32, #tpu.memory_space<hbm>>
    tpu.wait_indirect_dma semaphore(%arg13 : memref<!tpu.dma_semaphore, #tpu.memory_space<semaphore_mem>>) src(%dma_wait3A_69 : memref<10240x128xf32, #tpu.memory_space<hbm>>) dst(%arg10 : memref<128x128xf32, #tpu.memory_space<vmem>>)
    %barrier3A_70 = arith.constant 0 : index
    tpu.barrier barrier_id(%barrier3A_70)
    %mul3A_71 = arith.constant 640 : i32
    %mul3A_72 = arith.muli %arg1, %mul3A_71 : i32
    %mul3A_73 = arith.constant 640 : i32
    %mul3A_74 = arith.muli %arg1, %mul3A_73 : i32
    "tpu.region"() ({
      %run_scoped3A = tpu.sem_alloc : memref<!tpu.dma_semaphore, #tpu.memory_space<semaphore_mem>>
      %dma_start3A_75 = arith.constant 0 : i32
      %dma_start3A_76 = tpu.memref_slice %arg6[%arg0, %mul3A_74, %dma_start3A_75] : memref<2x10240x128xf32, #tpu.memory_space<hbm>> -> memref<1x640x128xf32, #tpu.memory_space<hbm>>
      %dma_start3A_77 = tpu.memref_squeeze %dma_start3A_76 : memref<1x640x128xf32, #tpu.memory_space<hbm>> -> memref<640x128xf32, #tpu.memory_space<hbm>>
      %dma_start3A_78 = arith.constant 0 : i32
      %dma_start3A_79 = tpu.memref_slice %arg11[%mul3A_72, %dma_start3A_78] : memref<10240x128xf32, #tpu.memory_space<vmem_shared>> -> memref<640x128xf32, #tpu.memory_space<vmem_shared>>
      tpu.enqueue_dma source(%dma_start3A_79 : memref<640x128xf32, #tpu.memory_space<vmem_shared>>) target(%dma_start3A_77 : memref<640x128xf32, #tpu.memory_space<hbm>>) target_semaphore(%run_scoped3A : memref<!tpu.dma_semaphore, #tpu.memory_space<semaphore_mem>>)
      %dma_wait3A_80 = arith.constant 0 : i32
      %dma_wait3A_81 = tpu.memref_slice %arg6[%arg0, %mul3A_74, %dma_wait3A_80] : memref<2x10240x128xf32, #tpu.memory_space<hbm>> -> memref<1x640x128xf32, #tpu.memory_space<hbm>>
      %dma_wait3A_82 = tpu.memref_squeeze %dma_wait3A_81 : memref<1x640x128xf32, #tpu.memory_space<hbm>> -> memref<640x128xf32, #tpu.memory_space<hbm>>
      %dma_wait3A_83 = arith.constant 0 : i32
      %dma_wait3A_84 = tpu.memref_slice %arg11[%mul3A_72, %dma_wait3A_83] : memref<10240x128xf32, #tpu.memory_space<vmem_shared>> -> memref<640x128xf32, #tpu.memory_space<vmem_shared>>
      tpu.wait_dma2 semaphore(%run_scoped3A : memref<!tpu.dma_semaphore, #tpu.memory_space<semaphore_mem>>) src(%dma_wait3A_84 : memref<640x128xf32, #tpu.memory_space<vmem_shared>>) dst(%dma_wait3A_82 : memref<640x128xf32, #tpu.memory_space<hbm>>)
      tpu.yield
    }) : () -> ()
    return
  }
}

#map = affine_map<(d0, d1) -> (0, 0)>
#map1 = affine_map<(d0, d1) -> (0, 0, 0)>
module attributes {stable_mosaic.version = 14 : i64} {
  func.func @segsum(%arg0: i32, %arg1: i32, %arg2: memref<10240x16xf32, #tpu.memory_space<hbm>>, %arg3: memref<32x80x128xi32, #tpu.memory_space<hbm>>, %arg4: memref<32x80x128xi32, #tpu.memory_space<hbm>>, %arg5: memref<10240x16xf32, #tpu.memory_space<hbm>>, %arg6: memref<2x10240x16xf32, #tpu.memory_space<hbm>>, %arg7: memref<80x128xi32, #tpu.memory_space<vmem>>, %arg8: memref<80x128xi32, #tpu.memory_space<vmem>>, %arg9: memref<128x16xf32, #tpu.memory_space<vmem>>, %arg10: memref<128x16xf32, #tpu.memory_space<vmem>>, %arg11: memref<10240x16xf32, #tpu.memory_space<vmem_shared>>, %arg12: memref<!tpu.dma_semaphore, #tpu.memory_space<semaphore_mem>>, %arg13: memref<!tpu.dma_semaphore, #tpu.memory_space<semaphore_mem>>, %arg14: memref<!tpu.dma_semaphore, #tpu.memory_space<semaphore_mem>>, %arg15: memref<!tpu.dma_semaphore, #tpu.memory_space<semaphore_mem>>) attributes {dimension_semantics = [#tpu.dimension_semantics<core_parallel>, #tpu.dimension_semantics<subcore_parallel>], iteration_bounds = array<i64: 2, 16>, scalar_prefetch = 0 : i64, scratch_operands = 9 : i64, tpu.core_type = #tpu.core_type<sc_vector_subcore>, window_params = [{transform_indices = #map}, {transform_indices = #map1}, {transform_indices = #map1}, {transform_indices = #map}, {transform_indices = #map1}]} {
    %mul3A = arith.constant 16 : i32
    %mul3A_0 = arith.muli %arg0, %mul3A : i32
    %add3A = arith.addi %mul3A_0, %arg1 : i32
    %mul3A_1 = arith.constant 640 : i32
    %mul3A_2 = arith.muli %arg1, %mul3A_1 : i32
    %mul3A_3 = arith.constant 640 : i32
    %mul3A_4 = arith.muli %arg1, %mul3A_3 : i32
    "tpu.region"() ({
      %run_scoped3A = tpu.sem_alloc : memref<!tpu.dma_semaphore, #tpu.memory_space<semaphore_mem>>
      %dma_start3A_41 = arith.constant 0 : i32
      %dma_start3A_42 = tpu.memref_slice %arg11[%mul3A_4, %dma_start3A_41] : memref<10240x16xf32, #tpu.memory_space<vmem_shared>> -> memref<640x16xf32, #tpu.memory_space<vmem_shared>>
      %dma_start3A_43 = arith.constant 0 : i32
      %dma_start3A_44 = tpu.memref_slice %arg5[%mul3A_2, %dma_start3A_43] : memref<10240x16xf32, #tpu.memory_space<hbm>> -> memref<640x16xf32, #tpu.memory_space<hbm>>
      tpu.enqueue_dma source(%dma_start3A_44 : memref<640x16xf32, #tpu.memory_space<hbm>>) target(%dma_start3A_42 : memref<640x16xf32, #tpu.memory_space<vmem_shared>>) target_semaphore(%run_scoped3A : memref<!tpu.dma_semaphore, #tpu.memory_space<semaphore_mem>>)
      %dma_wait3A_45 = arith.constant 0 : i32
      %dma_wait3A_46 = tpu.memref_slice %arg11[%mul3A_4, %dma_wait3A_45] : memref<10240x16xf32, #tpu.memory_space<vmem_shared>> -> memref<640x16xf32, #tpu.memory_space<vmem_shared>>
      %dma_wait3A_47 = arith.constant 0 : i32
      %dma_wait3A_48 = tpu.memref_slice %arg5[%mul3A_2, %dma_wait3A_47] : memref<10240x16xf32, #tpu.memory_space<hbm>> -> memref<640x16xf32, #tpu.memory_space<hbm>>
      tpu.wait_dma2 semaphore(%run_scoped3A : memref<!tpu.dma_semaphore, #tpu.memory_space<semaphore_mem>>) src(%dma_wait3A_48 : memref<640x16xf32, #tpu.memory_space<hbm>>) dst(%dma_wait3A_46 : memref<640x16xf32, #tpu.memory_space<vmem_shared>>)
      tpu.yield
    }) : () -> ()
    %barrier3A = arith.constant 0 : index
    tpu.barrier barrier_id(%barrier3A)
    "tpu.region"() ({
      %run_scoped3A = tpu.sem_alloc : memref<!tpu.dma_semaphore, #tpu.memory_space<semaphore_mem>>
      %dma_start3A_41 = arith.constant 0 : i32
      %dma_start3A_42 = arith.constant 0 : i32
      %dma_start3A_43 = tpu.memref_slice %arg3[%add3A, %dma_start3A_41, %dma_start3A_42] : memref<32x80x128xi32, #tpu.memory_space<hbm>> -> memref<1x80x128xi32, #tpu.memory_space<hbm>>
      %dma_start3A_44 = tpu.memref_squeeze %dma_start3A_43 : memref<1x80x128xi32, #tpu.memory_space<hbm>> -> memref<80x128xi32, #tpu.memory_space<hbm>>
      %dma_start3A_45 = arith.constant 0 : i32
      %dma_start3A_46 = arith.constant 0 : i32
      %dma_start3A_47 = tpu.memref_slice %arg3[%add3A, %dma_start3A_45, %dma_start3A_46] : memref<32x80x128xi32, #tpu.memory_space<hbm>> -> memref<1x80x128xi32, #tpu.memory_space<hbm>>
      %dma_start3A_48 = tpu.memref_squeeze %dma_start3A_47 : memref<1x80x128xi32, #tpu.memory_space<hbm>> -> memref<80x128xi32, #tpu.memory_space<hbm>>
      tpu.enqueue_dma source(%dma_start3A_48 : memref<80x128xi32, #tpu.memory_space<hbm>>) target(%arg7 : memref<80x128xi32, #tpu.memory_space<vmem>>) target_semaphore(%run_scoped3A : memref<!tpu.dma_semaphore, #tpu.memory_space<semaphore_mem>>)
      %dma_wait3A_49 = arith.constant 0 : i32
      %dma_wait3A_50 = arith.constant 0 : i32
      %dma_wait3A_51 = tpu.memref_slice %arg3[%add3A, %dma_wait3A_49, %dma_wait3A_50] : memref<32x80x128xi32, #tpu.memory_space<hbm>> -> memref<1x80x128xi32, #tpu.memory_space<hbm>>
      %dma_wait3A_52 = tpu.memref_squeeze %dma_wait3A_51 : memref<1x80x128xi32, #tpu.memory_space<hbm>> -> memref<80x128xi32, #tpu.memory_space<hbm>>
      %dma_wait3A_53 = arith.constant 0 : i32
      %dma_wait3A_54 = arith.constant 0 : i32
      %dma_wait3A_55 = tpu.memref_slice %arg3[%add3A, %dma_wait3A_53, %dma_wait3A_54] : memref<32x80x128xi32, #tpu.memory_space<hbm>> -> memref<1x80x128xi32, #tpu.memory_space<hbm>>
      %dma_wait3A_56 = tpu.memref_squeeze %dma_wait3A_55 : memref<1x80x128xi32, #tpu.memory_space<hbm>> -> memref<80x128xi32, #tpu.memory_space<hbm>>
      tpu.wait_dma2 semaphore(%run_scoped3A : memref<!tpu.dma_semaphore, #tpu.memory_space<semaphore_mem>>) src(%dma_wait3A_56 : memref<80x128xi32, #tpu.memory_space<hbm>>) dst(%arg7 : memref<80x128xi32, #tpu.memory_space<vmem>>)
      tpu.yield
    }) : () -> ()
    "tpu.region"() ({
      %run_scoped3A = tpu.sem_alloc : memref<!tpu.dma_semaphore, #tpu.memory_space<semaphore_mem>>
      %dma_start3A_41 = arith.constant 0 : i32
      %dma_start3A_42 = arith.constant 0 : i32
      %dma_start3A_43 = tpu.memref_slice %arg4[%add3A, %dma_start3A_41, %dma_start3A_42] : memref<32x80x128xi32, #tpu.memory_space<hbm>> -> memref<1x80x128xi32, #tpu.memory_space<hbm>>
      %dma_start3A_44 = tpu.memref_squeeze %dma_start3A_43 : memref<1x80x128xi32, #tpu.memory_space<hbm>> -> memref<80x128xi32, #tpu.memory_space<hbm>>
      %dma_start3A_45 = arith.constant 0 : i32
      %dma_start3A_46 = arith.constant 0 : i32
      %dma_start3A_47 = tpu.memref_slice %arg4[%add3A, %dma_start3A_45, %dma_start3A_46] : memref<32x80x128xi32, #tpu.memory_space<hbm>> -> memref<1x80x128xi32, #tpu.memory_space<hbm>>
      %dma_start3A_48 = tpu.memref_squeeze %dma_start3A_47 : memref<1x80x128xi32, #tpu.memory_space<hbm>> -> memref<80x128xi32, #tpu.memory_space<hbm>>
      tpu.enqueue_dma source(%dma_start3A_48 : memref<80x128xi32, #tpu.memory_space<hbm>>) target(%arg8 : memref<80x128xi32, #tpu.memory_space<vmem>>) target_semaphore(%run_scoped3A : memref<!tpu.dma_semaphore, #tpu.memory_space<semaphore_mem>>)
      %dma_wait3A_49 = arith.constant 0 : i32
      %dma_wait3A_50 = arith.constant 0 : i32
      %dma_wait3A_51 = tpu.memref_slice %arg4[%add3A, %dma_wait3A_49, %dma_wait3A_50] : memref<32x80x128xi32, #tpu.memory_space<hbm>> -> memref<1x80x128xi32, #tpu.memory_space<hbm>>
      %dma_wait3A_52 = tpu.memref_squeeze %dma_wait3A_51 : memref<1x80x128xi32, #tpu.memory_space<hbm>> -> memref<80x128xi32, #tpu.memory_space<hbm>>
      %dma_wait3A_53 = arith.constant 0 : i32
      %dma_wait3A_54 = arith.constant 0 : i32
      %dma_wait3A_55 = tpu.memref_slice %arg4[%add3A, %dma_wait3A_53, %dma_wait3A_54] : memref<32x80x128xi32, #tpu.memory_space<hbm>> -> memref<1x80x128xi32, #tpu.memory_space<hbm>>
      %dma_wait3A_56 = tpu.memref_squeeze %dma_wait3A_55 : memref<1x80x128xi32, #tpu.memory_space<hbm>> -> memref<80x128xi32, #tpu.memory_space<hbm>>
      tpu.wait_dma2 semaphore(%run_scoped3A : memref<!tpu.dma_semaphore, #tpu.memory_space<semaphore_mem>>) src(%dma_wait3A_56 : memref<80x128xi32, #tpu.memory_space<hbm>>) dst(%arg8 : memref<80x128xi32, #tpu.memory_space<vmem>>)
      tpu.yield
    }) : () -> ()
    %dma_start3A = arith.constant 0 : i32
    %dma_start3A_5 = arith.constant 0 : i32
    %dma_start3A_6 = tpu.memref_slice %arg7[%dma_start3A, %dma_start3A_5] : memref<80x128xi32, #tpu.memory_space<vmem>> -> memref<1x128xi32, #tpu.memory_space<vmem>>
    %dma_start3A_7 = tpu.memref_squeeze %dma_start3A_6 : memref<1x128xi32, #tpu.memory_space<vmem>> -> memref<128xi32, #tpu.memory_space<vmem>>
    %dma_start3A_8 = arith.constant 0 : i32
    %dma_start3A_9 = arith.constant 0 : i32
    %dma_start3A_10 = tpu.memref_slice %arg2[%dma_start3A_8, %dma_start3A_9] : memref<10240x16xf32, #tpu.memory_space<hbm>> -> memref<10240x16xf32, #tpu.memory_space<hbm>>
    tpu.enqueue_indirect_dma source(%dma_start3A_10 : memref<10240x16xf32, #tpu.memory_space<hbm>>) target(%arg9 : memref<128x16xf32, #tpu.memory_space<vmem>>) offsets(%dma_start3A_7 : memref<128xi32, #tpu.memory_space<vmem>>) semaphore(%arg12 : memref<!tpu.dma_semaphore, #tpu.memory_space<semaphore_mem>>)
    %dma_start3A_11 = arith.constant 1 : i32
    %dma_start3A_12 = arith.constant 0 : i32
    %dma_start3A_13 = tpu.memref_slice %arg7[%dma_start3A_11, %dma_start3A_12] : memref<80x128xi32, #tpu.memory_space<vmem>> -> memref<1x128xi32, #tpu.memory_space<vmem>>
    %dma_start3A_14 = tpu.memref_squeeze %dma_start3A_13 : memref<1x128xi32, #tpu.memory_space<vmem>> -> memref<128xi32, #tpu.memory_space<vmem>>
    %dma_start3A_15 = arith.constant 0 : i32
    %dma_start3A_16 = arith.constant 0 : i32
    %dma_start3A_17 = tpu.memref_slice %arg2[%dma_start3A_15, %dma_start3A_16] : memref<10240x16xf32, #tpu.memory_space<hbm>> -> memref<10240x16xf32, #tpu.memory_space<hbm>>
    tpu.enqueue_indirect_dma source(%dma_start3A_17 : memref<10240x16xf32, #tpu.memory_space<hbm>>) target(%arg10 : memref<128x16xf32, #tpu.memory_space<vmem>>) offsets(%dma_start3A_14 : memref<128xi32, #tpu.memory_space<vmem>>) semaphore(%arg13 : memref<!tpu.dma_semaphore, #tpu.memory_space<semaphore_mem>>)
    %scan3A = arith.constant 0 : i32
    %scan3A_18 = arith.constant 0 : i32
    %scan3A_19 = arith.constant 40 : i32
    %scan3A_20 = arith.addi %scan3A_18, %scan3A_19 : i32
    %scan3A_21 = arith.constant 1 : i32
    scf.for %scan3A_41 = %scan3A_18 to %scan3A_20 step %scan3A_21  : i32 {
      %mul3A_42 = arith.constant 2 : i32
      %mul3A_43 = arith.muli %mul3A_42, %scan3A_41 : i32
      %dma_wait3A_44 = arith.constant 0 : i32
      %dma_wait3A_45 = tpu.memref_slice %arg7[%mul3A_43, %dma_wait3A_44] : memref<80x128xi32, #tpu.memory_space<vmem>> -> memref<1x128xi32, #tpu.memory_space<vmem>>
      %dma_wait3A_46 = tpu.memref_squeeze %dma_wait3A_45 : memref<1x128xi32, #tpu.memory_space<vmem>> -> memref<128xi32, #tpu.memory_space<vmem>>
      %dma_wait3A_47 = arith.constant 0 : i32
      %dma_wait3A_48 = arith.constant 0 : i32
      %dma_wait3A_49 = tpu.memref_slice %arg2[%dma_wait3A_47, %dma_wait3A_48] : memref<10240x16xf32, #tpu.memory_space<hbm>> -> memref<10240x16xf32, #tpu.memory_space<hbm>>
      tpu.wait_indirect_dma semaphore(%arg12 : memref<!tpu.dma_semaphore, #tpu.memory_space<semaphore_mem>>) src(%dma_wait3A_49 : memref<10240x16xf32, #tpu.memory_space<hbm>>) dst(%arg9 : memref<128x16xf32, #tpu.memory_space<vmem>>)
      "tpu.region"() ({
        %run_scoped3A = tpu.sem_alloc : memref<!tpu.dma_semaphore, #tpu.memory_space<semaphore_mem>>
        %dma_start3A_79 = arith.constant 0 : i32
        %dma_start3A_80 = tpu.memref_slice %arg8[%mul3A_43, %dma_start3A_79] : memref<80x128xi32, #tpu.memory_space<vmem>> -> memref<1x128xi32, #tpu.memory_space<vmem>>
        %dma_start3A_81 = tpu.memref_squeeze %dma_start3A_80 : memref<1x128xi32, #tpu.memory_space<vmem>> -> memref<128xi32, #tpu.memory_space<vmem>>
        %dma_start3A_82 = arith.constant 0 : i32
        %dma_start3A_83 = arith.constant 0 : i32
        %dma_start3A_84 = tpu.memref_slice %arg11[%dma_start3A_82, %dma_start3A_83] : memref<10240x16xf32, #tpu.memory_space<vmem_shared>> -> memref<10240x16xf32, #tpu.memory_space<vmem_shared>>
        tpu.enqueue_indirect_dma source(%arg9 : memref<128x16xf32, #tpu.memory_space<vmem>>) target(%dma_start3A_84 : memref<10240x16xf32, #tpu.memory_space<vmem_shared>>) offsets(%dma_start3A_81 : memref<128xi32, #tpu.memory_space<vmem>>) semaphore(%run_scoped3A : memref<!tpu.dma_semaphore, #tpu.memory_space<semaphore_mem>>) {add = true}
        %dma_wait3A_85 = arith.constant 0 : i32
        %dma_wait3A_86 = tpu.memref_slice %arg8[%mul3A_43, %dma_wait3A_85] : memref<80x128xi32, #tpu.memory_space<vmem>> -> memref<1x128xi32, #tpu.memory_space<vmem>>
        %dma_wait3A_87 = tpu.memref_squeeze %dma_wait3A_86 : memref<1x128xi32, #tpu.memory_space<vmem>> -> memref<128xi32, #tpu.memory_space<vmem>>
        %dma_wait3A_88 = arith.constant 0 : i32
        %dma_wait3A_89 = arith.constant 0 : i32
        %dma_wait3A_90 = tpu.memref_slice %arg11[%dma_wait3A_88, %dma_wait3A_89] : memref<10240x16xf32, #tpu.memory_space<vmem_shared>> -> memref<10240x16xf32, #tpu.memory_space<vmem_shared>>
        tpu.wait_indirect_dma semaphore(%run_scoped3A : memref<!tpu.dma_semaphore, #tpu.memory_space<semaphore_mem>>) src(%arg9 : memref<128x16xf32, #tpu.memory_space<vmem>>) dst(%dma_wait3A_90 : memref<10240x16xf32, #tpu.memory_space<vmem_shared>>)
        tpu.yield
      }) : () -> ()
      %add3A_50 = arith.constant 2 : i32
      %add3A_51 = arith.addi %mul3A_43, %add3A_50 : i32
      %min3A = arith.constant 79 : i32
      %min3A_52 = arith.minsi %add3A_51, %min3A : i32
      %dma_start3A_53 = arith.constant 0 : i32
      %dma_start3A_54 = tpu.memref_slice %arg7[%min3A_52, %dma_start3A_53] : memref<80x128xi32, #tpu.memory_space<vmem>> -> memref<1x128xi32, #tpu.memory_space<vmem>>
      %dma_start3A_55 = tpu.memref_squeeze %dma_start3A_54 : memref<1x128xi32, #tpu.memory_space<vmem>> -> memref<128xi32, #tpu.memory_space<vmem>>
      %dma_start3A_56 = arith.constant 0 : i32
      %dma_start3A_57 = arith.constant 0 : i32
      %dma_start3A_58 = tpu.memref_slice %arg2[%dma_start3A_56, %dma_start3A_57] : memref<10240x16xf32, #tpu.memory_space<hbm>> -> memref<10240x16xf32, #tpu.memory_space<hbm>>
      tpu.enqueue_indirect_dma source(%dma_start3A_58 : memref<10240x16xf32, #tpu.memory_space<hbm>>) target(%arg9 : memref<128x16xf32, #tpu.memory_space<vmem>>) offsets(%dma_start3A_55 : memref<128xi32, #tpu.memory_space<vmem>>) semaphore(%arg12 : memref<!tpu.dma_semaphore, #tpu.memory_space<semaphore_mem>>)
      %add3A_59 = arith.constant 1 : i32
      %add3A_60 = arith.addi %mul3A_43, %add3A_59 : i32
      %dma_wait3A_61 = arith.constant 0 : i32
      %dma_wait3A_62 = tpu.memref_slice %arg7[%add3A_60, %dma_wait3A_61] : memref<80x128xi32, #tpu.memory_space<vmem>> -> memref<1x128xi32, #tpu.memory_space<vmem>>
      %dma_wait3A_63 = tpu.memref_squeeze %dma_wait3A_62 : memref<1x128xi32, #tpu.memory_space<vmem>> -> memref<128xi32, #tpu.memory_space<vmem>>
      %dma_wait3A_64 = arith.constant 0 : i32
      %dma_wait3A_65 = arith.constant 0 : i32
      %dma_wait3A_66 = tpu.memref_slice %arg2[%dma_wait3A_64, %dma_wait3A_65] : memref<10240x16xf32, #tpu.memory_space<hbm>> -> memref<10240x16xf32, #tpu.memory_space<hbm>>
      tpu.wait_indirect_dma semaphore(%arg13 : memref<!tpu.dma_semaphore, #tpu.memory_space<semaphore_mem>>) src(%dma_wait3A_66 : memref<10240x16xf32, #tpu.memory_space<hbm>>) dst(%arg10 : memref<128x16xf32, #tpu.memory_space<vmem>>)
      %add3A_67 = arith.constant 1 : i32
      %add3A_68 = arith.addi %mul3A_43, %add3A_67 : i32
      "tpu.region"() ({
        %run_scoped3A = tpu.sem_alloc : memref<!tpu.dma_semaphore, #tpu.memory_space<semaphore_mem>>
        %dma_start3A_79 = arith.constant 0 : i32
        %dma_start3A_80 = tpu.memref_slice %arg8[%add3A_68, %dma_start3A_79] : memref<80x128xi32, #tpu.memory_space<vmem>> -> memref<1x128xi32, #tpu.memory_space<vmem>>
        %dma_start3A_81 = tpu.memref_squeeze %dma_start3A_80 : memref<1x128xi32, #tpu.memory_space<vmem>> -> memref<128xi32, #tpu.memory_space<vmem>>
        %dma_start3A_82 = arith.constant 0 : i32
        %dma_start3A_83 = arith.constant 0 : i32
        %dma_start3A_84 = tpu.memref_slice %arg11[%dma_start3A_82, %dma_start3A_83] : memref<10240x16xf32, #tpu.memory_space<vmem_shared>> -> memref<10240x16xf32, #tpu.memory_space<vmem_shared>>
        tpu.enqueue_indirect_dma source(%arg10 : memref<128x16xf32, #tpu.memory_space<vmem>>) target(%dma_start3A_84 : memref<10240x16xf32, #tpu.memory_space<vmem_shared>>) offsets(%dma_start3A_81 : memref<128xi32, #tpu.memory_space<vmem>>) semaphore(%run_scoped3A : memref<!tpu.dma_semaphore, #tpu.memory_space<semaphore_mem>>) {add = true}
        %dma_wait3A_85 = arith.constant 0 : i32
        %dma_wait3A_86 = tpu.memref_slice %arg8[%add3A_68, %dma_wait3A_85] : memref<80x128xi32, #tpu.memory_space<vmem>> -> memref<1x128xi32, #tpu.memory_space<vmem>>
        %dma_wait3A_87 = tpu.memref_squeeze %dma_wait3A_86 : memref<1x128xi32, #tpu.memory_space<vmem>> -> memref<128xi32, #tpu.memory_space<vmem>>
        %dma_wait3A_88 = arith.constant 0 : i32
        %dma_wait3A_89 = arith.constant 0 : i32
        %dma_wait3A_90 = tpu.memref_slice %arg11[%dma_wait3A_88, %dma_wait3A_89] : memref<10240x16xf32, #tpu.memory_space<vmem_shared>> -> memref<10240x16xf32, #tpu.memory_space<vmem_shared>>
        tpu.wait_indirect_dma semaphore(%run_scoped3A : memref<!tpu.dma_semaphore, #tpu.memory_space<semaphore_mem>>) src(%arg10 : memref<128x16xf32, #tpu.memory_space<vmem>>) dst(%dma_wait3A_90 : memref<10240x16xf32, #tpu.memory_space<vmem_shared>>)
        tpu.yield
      }) : () -> ()
      %add3A_69 = arith.constant 3 : i32
      %add3A_70 = arith.addi %mul3A_43, %add3A_69 : i32
      %min3A_71 = arith.constant 79 : i32
      %min3A_72 = arith.minsi %add3A_70, %min3A_71 : i32
      %dma_start3A_73 = arith.constant 0 : i32
      %dma_start3A_74 = tpu.memref_slice %arg7[%min3A_72, %dma_start3A_73] : memref<80x128xi32, #tpu.memory_space<vmem>> -> memref<1x128xi32, #tpu.memory_space<vmem>>
      %dma_start3A_75 = tpu.memref_squeeze %dma_start3A_74 : memref<1x128xi32, #tpu.memory_space<vmem>> -> memref<128xi32, #tpu.memory_space<vmem>>
      %dma_start3A_76 = arith.constant 0 : i32
      %dma_start3A_77 = arith.constant 0 : i32
      %dma_start3A_78 = tpu.memref_slice %arg2[%dma_start3A_76, %dma_start3A_77] : memref<10240x16xf32, #tpu.memory_space<hbm>> -> memref<10240x16xf32, #tpu.memory_space<hbm>>
      tpu.enqueue_indirect_dma source(%dma_start3A_78 : memref<10240x16xf32, #tpu.memory_space<hbm>>) target(%arg10 : memref<128x16xf32, #tpu.memory_space<vmem>>) offsets(%dma_start3A_75 : memref<128xi32, #tpu.memory_space<vmem>>) semaphore(%arg13 : memref<!tpu.dma_semaphore, #tpu.memory_space<semaphore_mem>>)
    }
    %scan3A_22 = arith.constant 40 : i32
    %dma_wait3A = arith.constant 79 : i32
    %dma_wait3A_23 = arith.constant 0 : i32
    %dma_wait3A_24 = tpu.memref_slice %arg7[%dma_wait3A, %dma_wait3A_23] : memref<80x128xi32, #tpu.memory_space<vmem>> -> memref<1x128xi32, #tpu.memory_space<vmem>>
    %dma_wait3A_25 = tpu.memref_squeeze %dma_wait3A_24 : memref<1x128xi32, #tpu.memory_space<vmem>> -> memref<128xi32, #tpu.memory_space<vmem>>
    %dma_wait3A_26 = arith.constant 0 : i32
    %dma_wait3A_27 = arith.constant 0 : i32
    %dma_wait3A_28 = tpu.memref_slice %arg2[%dma_wait3A_26, %dma_wait3A_27] : memref<10240x16xf32, #tpu.memory_space<hbm>> -> memref<10240x16xf32, #tpu.memory_space<hbm>>
    tpu.wait_indirect_dma semaphore(%arg12 : memref<!tpu.dma_semaphore, #tpu.memory_space<semaphore_mem>>) src(%dma_wait3A_28 : memref<10240x16xf32, #tpu.memory_space<hbm>>) dst(%arg9 : memref<128x16xf32, #tpu.memory_space<vmem>>)
    %dma_wait3A_29 = arith.constant 79 : i32
    %dma_wait3A_30 = arith.constant 0 : i32
    %dma_wait3A_31 = tpu.memref_slice %arg7[%dma_wait3A_29, %dma_wait3A_30] : memref<80x128xi32, #tpu.memory_space<vmem>> -> memref<1x128xi32, #tpu.memory_space<vmem>>
    %dma_wait3A_32 = tpu.memref_squeeze %dma_wait3A_31 : memref<1x128xi32, #tpu.memory_space<vmem>> -> memref<128xi32, #tpu.memory_space<vmem>>
    %dma_wait3A_33 = arith.constant 0 : i32
    %dma_wait3A_34 = arith.constant 0 : i32
    %dma_wait3A_35 = tpu.memref_slice %arg2[%dma_wait3A_33, %dma_wait3A_34] : memref<10240x16xf32, #tpu.memory_space<hbm>> -> memref<10240x16xf32, #tpu.memory_space<hbm>>
    tpu.wait_indirect_dma semaphore(%arg13 : memref<!tpu.dma_semaphore, #tpu.memory_space<semaphore_mem>>) src(%dma_wait3A_35 : memref<10240x16xf32, #tpu.memory_space<hbm>>) dst(%arg10 : memref<128x16xf32, #tpu.memory_space<vmem>>)
    %barrier3A_36 = arith.constant 0 : index
    tpu.barrier barrier_id(%barrier3A_36)
    %mul3A_37 = arith.constant 640 : i32
    %mul3A_38 = arith.muli %arg1, %mul3A_37 : i32
    %mul3A_39 = arith.constant 640 : i32
    %mul3A_40 = arith.muli %arg1, %mul3A_39 : i32
    "tpu.region"() ({
      %run_scoped3A = tpu.sem_alloc : memref<!tpu.dma_semaphore, #tpu.memory_space<semaphore_mem>>
      %dma_start3A_41 = arith.constant 0 : i32
      %dma_start3A_42 = tpu.memref_slice %arg6[%arg0, %mul3A_40, %dma_start3A_41] : memref<2x10240x16xf32, #tpu.memory_space<hbm>> -> memref<1x640x16xf32, #tpu.memory_space<hbm>>
      %dma_start3A_43 = tpu.memref_squeeze %dma_start3A_42 : memref<1x640x16xf32, #tpu.memory_space<hbm>> -> memref<640x16xf32, #tpu.memory_space<hbm>>
      %dma_start3A_44 = arith.constant 0 : i32
      %dma_start3A_45 = tpu.memref_slice %arg11[%mul3A_38, %dma_start3A_44] : memref<10240x16xf32, #tpu.memory_space<vmem_shared>> -> memref<640x16xf32, #tpu.memory_space<vmem_shared>>
      tpu.enqueue_dma source(%dma_start3A_45 : memref<640x16xf32, #tpu.memory_space<vmem_shared>>) target(%dma_start3A_43 : memref<640x16xf32, #tpu.memory_space<hbm>>) target_semaphore(%run_scoped3A : memref<!tpu.dma_semaphore, #tpu.memory_space<semaphore_mem>>)
      %dma_wait3A_46 = arith.constant 0 : i32
      %dma_wait3A_47 = tpu.memref_slice %arg6[%arg0, %mul3A_40, %dma_wait3A_46] : memref<2x10240x16xf32, #tpu.memory_space<hbm>> -> memref<1x640x16xf32, #tpu.memory_space<hbm>>
      %dma_wait3A_48 = tpu.memref_squeeze %dma_wait3A_47 : memref<1x640x16xf32, #tpu.memory_space<hbm>> -> memref<640x16xf32, #tpu.memory_space<hbm>>
      %dma_wait3A_49 = arith.constant 0 : i32
      %dma_wait3A_50 = tpu.memref_slice %arg11[%mul3A_38, %dma_wait3A_49] : memref<10240x16xf32, #tpu.memory_space<vmem_shared>> -> memref<640x16xf32, #tpu.memory_space<vmem_shared>>
      tpu.wait_dma2 semaphore(%run_scoped3A : memref<!tpu.dma_semaphore, #tpu.memory_space<semaphore_mem>>) src(%dma_wait3A_50 : memref<640x16xf32, #tpu.memory_space<vmem_shared>>) dst(%dma_wait3A_48 : memref<640x16xf32, #tpu.memory_space<hbm>>)
      tpu.yield
    }) : () -> ()
    return
  }
}

#map = affine_map<(d0, d1) -> (0, 0)>
#map1 = affine_map<(d0, d1) -> (0, 0, 0)>
module attributes {stable_mosaic.version = 14 : i64} {
  func.func @degcount(%arg0: i32, %arg1: i32, %arg2: memref<10240x16xf32, #tpu.memory_space<hbm>>, %arg3: memref<32x80x128xi32, #tpu.memory_space<hbm>>, %arg4: memref<10240x16xf32, #tpu.memory_space<hbm>>, %arg5: memref<2x10240x16xf32, #tpu.memory_space<hbm>>, %arg6: memref<80x128xi32, #tpu.memory_space<vmem>>, %arg7: memref<128x16xf32, #tpu.memory_space<vmem>>, %arg8: memref<10240x16xf32, #tpu.memory_space<vmem_shared>>) attributes {dimension_semantics = [#tpu.dimension_semantics<core_parallel>, #tpu.dimension_semantics<subcore_parallel>], iteration_bounds = array<i64: 2, 16>, scalar_prefetch = 0 : i64, scratch_operands = 3 : i64, tpu.core_type = #tpu.core_type<sc_vector_subcore>, window_params = [{transform_indices = #map}, {transform_indices = #map1}, {transform_indices = #map}, {transform_indices = #map1}]} {
    %mul3A = arith.constant 16 : i32
    %mul3A_0 = arith.muli %arg0, %mul3A : i32
    %add3A = arith.addi %mul3A_0, %arg1 : i32
    %mul3A_1 = arith.constant 640 : i32
    %mul3A_2 = arith.muli %arg1, %mul3A_1 : i32
    %mul3A_3 = arith.constant 640 : i32
    %mul3A_4 = arith.muli %arg1, %mul3A_3 : i32
    "tpu.region"() ({
      %run_scoped3A = tpu.sem_alloc : memref<!tpu.dma_semaphore, #tpu.memory_space<semaphore_mem>>
      %dma_start3A = arith.constant 0 : i32
      %dma_start3A_15 = tpu.memref_slice %arg8[%mul3A_4, %dma_start3A] : memref<10240x16xf32, #tpu.memory_space<vmem_shared>> -> memref<640x16xf32, #tpu.memory_space<vmem_shared>>
      %dma_start3A_16 = arith.constant 0 : i32
      %dma_start3A_17 = tpu.memref_slice %arg4[%mul3A_2, %dma_start3A_16] : memref<10240x16xf32, #tpu.memory_space<hbm>> -> memref<640x16xf32, #tpu.memory_space<hbm>>
      tpu.enqueue_dma source(%dma_start3A_17 : memref<640x16xf32, #tpu.memory_space<hbm>>) target(%dma_start3A_15 : memref<640x16xf32, #tpu.memory_space<vmem_shared>>) target_semaphore(%run_scoped3A : memref<!tpu.dma_semaphore, #tpu.memory_space<semaphore_mem>>)
      %dma_wait3A = arith.constant 0 : i32
      %dma_wait3A_18 = tpu.memref_slice %arg8[%mul3A_4, %dma_wait3A] : memref<10240x16xf32, #tpu.memory_space<vmem_shared>> -> memref<640x16xf32, #tpu.memory_space<vmem_shared>>
      %dma_wait3A_19 = arith.constant 0 : i32
      %dma_wait3A_20 = tpu.memref_slice %arg4[%mul3A_2, %dma_wait3A_19] : memref<10240x16xf32, #tpu.memory_space<hbm>> -> memref<640x16xf32, #tpu.memory_space<hbm>>
      tpu.wait_dma2 semaphore(%run_scoped3A : memref<!tpu.dma_semaphore, #tpu.memory_space<semaphore_mem>>) src(%dma_wait3A_20 : memref<640x16xf32, #tpu.memory_space<hbm>>) dst(%dma_wait3A_18 : memref<640x16xf32, #tpu.memory_space<vmem_shared>>)
      tpu.yield
    }) : () -> ()
    "tpu.region"() ({
      %run_scoped3A = tpu.sem_alloc : memref<!tpu.dma_semaphore, #tpu.memory_space<semaphore_mem>>
      %dma_start3A = arith.constant 0 : i32
      %dma_start3A_15 = arith.constant 0 : i32
      %dma_start3A_16 = tpu.memref_slice %arg3[%add3A, %dma_start3A, %dma_start3A_15] : memref<32x80x128xi32, #tpu.memory_space<hbm>> -> memref<1x80x128xi32, #tpu.memory_space<hbm>>
      %dma_start3A_17 = tpu.memref_squeeze %dma_start3A_16 : memref<1x80x128xi32, #tpu.memory_space<hbm>> -> memref<80x128xi32, #tpu.memory_space<hbm>>
      %dma_start3A_18 = arith.constant 0 : i32
      %dma_start3A_19 = arith.constant 0 : i32
      %dma_start3A_20 = tpu.memref_slice %arg3[%add3A, %dma_start3A_18, %dma_start3A_19] : memref<32x80x128xi32, #tpu.memory_space<hbm>> -> memref<1x80x128xi32, #tpu.memory_space<hbm>>
      %dma_start3A_21 = tpu.memref_squeeze %dma_start3A_20 : memref<1x80x128xi32, #tpu.memory_space<hbm>> -> memref<80x128xi32, #tpu.memory_space<hbm>>
      tpu.enqueue_dma source(%dma_start3A_21 : memref<80x128xi32, #tpu.memory_space<hbm>>) target(%arg6 : memref<80x128xi32, #tpu.memory_space<vmem>>) target_semaphore(%run_scoped3A : memref<!tpu.dma_semaphore, #tpu.memory_space<semaphore_mem>>)
      %dma_wait3A = arith.constant 0 : i32
      %dma_wait3A_22 = arith.constant 0 : i32
      %dma_wait3A_23 = tpu.memref_slice %arg3[%add3A, %dma_wait3A, %dma_wait3A_22] : memref<32x80x128xi32, #tpu.memory_space<hbm>> -> memref<1x80x128xi32, #tpu.memory_space<hbm>>
      %dma_wait3A_24 = tpu.memref_squeeze %dma_wait3A_23 : memref<1x80x128xi32, #tpu.memory_space<hbm>> -> memref<80x128xi32, #tpu.memory_space<hbm>>
      %dma_wait3A_25 = arith.constant 0 : i32
      %dma_wait3A_26 = arith.constant 0 : i32
      %dma_wait3A_27 = tpu.memref_slice %arg3[%add3A, %dma_wait3A_25, %dma_wait3A_26] : memref<32x80x128xi32, #tpu.memory_space<hbm>> -> memref<1x80x128xi32, #tpu.memory_space<hbm>>
      %dma_wait3A_28 = tpu.memref_squeeze %dma_wait3A_27 : memref<1x80x128xi32, #tpu.memory_space<hbm>> -> memref<80x128xi32, #tpu.memory_space<hbm>>
      tpu.wait_dma2 semaphore(%run_scoped3A : memref<!tpu.dma_semaphore, #tpu.memory_space<semaphore_mem>>) src(%dma_wait3A_28 : memref<80x128xi32, #tpu.memory_space<hbm>>) dst(%arg6 : memref<80x128xi32, #tpu.memory_space<vmem>>)
      tpu.yield
    }) : () -> ()
    "tpu.region"() ({
      %run_scoped3A = tpu.sem_alloc : memref<!tpu.dma_semaphore, #tpu.memory_space<semaphore_mem>>
      %dma_start3A = arith.constant 0 : i32
      %dma_start3A_15 = arith.constant 0 : i32
      %dma_start3A_16 = tpu.memref_slice %arg2[%dma_start3A, %dma_start3A_15] : memref<10240x16xf32, #tpu.memory_space<hbm>> -> memref<128x16xf32, #tpu.memory_space<hbm>>
      %dma_start3A_17 = arith.constant 0 : i32
      %dma_start3A_18 = arith.constant 0 : i32
      %dma_start3A_19 = tpu.memref_slice %arg2[%dma_start3A_17, %dma_start3A_18] : memref<10240x16xf32, #tpu.memory_space<hbm>> -> memref<128x16xf32, #tpu.memory_space<hbm>>
      tpu.enqueue_dma source(%dma_start3A_19 : memref<128x16xf32, #tpu.memory_space<hbm>>) target(%arg7 : memref<128x16xf32, #tpu.memory_space<vmem>>) target_semaphore(%run_scoped3A : memref<!tpu.dma_semaphore, #tpu.memory_space<semaphore_mem>>)
      %dma_wait3A = arith.constant 0 : i32
      %dma_wait3A_20 = arith.constant 0 : i32
      %dma_wait3A_21 = tpu.memref_slice %arg2[%dma_wait3A, %dma_wait3A_20] : memref<10240x16xf32, #tpu.memory_space<hbm>> -> memref<128x16xf32, #tpu.memory_space<hbm>>
      %dma_wait3A_22 = arith.constant 0 : i32
      %dma_wait3A_23 = arith.constant 0 : i32
      %dma_wait3A_24 = tpu.memref_slice %arg2[%dma_wait3A_22, %dma_wait3A_23] : memref<10240x16xf32, #tpu.memory_space<hbm>> -> memref<128x16xf32, #tpu.memory_space<hbm>>
      tpu.wait_dma2 semaphore(%run_scoped3A : memref<!tpu.dma_semaphore, #tpu.memory_space<semaphore_mem>>) src(%dma_wait3A_24 : memref<128x16xf32, #tpu.memory_space<hbm>>) dst(%arg7 : memref<128x16xf32, #tpu.memory_space<vmem>>)
      tpu.yield
    }) : () -> ()
    %barrier3A = arith.constant 0 : index
    tpu.barrier barrier_id(%barrier3A)
    %scan3A = arith.constant 0 : i32
    %scan3A_5 = arith.constant 0 : i32
    %scan3A_6 = arith.constant 80 : i32
    %scan3A_7 = arith.addi %scan3A_5, %scan3A_6 : i32
    %scan3A_8 = arith.constant 1 : i32
    scf.for %scan3A_15 = %scan3A_5 to %scan3A_7 step %scan3A_8  : i32 {
      "tpu.region"() ({
        %run_scoped3A = tpu.sem_alloc : memref<!tpu.dma_semaphore, #tpu.memory_space<semaphore_mem>>
        %dma_start3A = arith.constant 0 : i32
        %dma_start3A_16 = tpu.memref_slice %arg6[%scan3A_15, %dma_start3A] : memref<80x128xi32, #tpu.memory_space<vmem>> -> memref<1x128xi32, #tpu.memory_space<vmem>>
        %dma_start3A_17 = tpu.memref_squeeze %dma_start3A_16 : memref<1x128xi32, #tpu.memory_space<vmem>> -> memref<128xi32, #tpu.memory_space<vmem>>
        %dma_start3A_18 = arith.constant 0 : i32
        %dma_start3A_19 = arith.constant 0 : i32
        %dma_start3A_20 = tpu.memref_slice %arg8[%dma_start3A_18, %dma_start3A_19] : memref<10240x16xf32, #tpu.memory_space<vmem_shared>> -> memref<10240x16xf32, #tpu.memory_space<vmem_shared>>
        tpu.enqueue_indirect_dma source(%arg7 : memref<128x16xf32, #tpu.memory_space<vmem>>) target(%dma_start3A_20 : memref<10240x16xf32, #tpu.memory_space<vmem_shared>>) offsets(%dma_start3A_17 : memref<128xi32, #tpu.memory_space<vmem>>) semaphore(%run_scoped3A : memref<!tpu.dma_semaphore, #tpu.memory_space<semaphore_mem>>) {add = true}
        %dma_wait3A = arith.constant 0 : i32
        %dma_wait3A_21 = tpu.memref_slice %arg6[%scan3A_15, %dma_wait3A] : memref<80x128xi32, #tpu.memory_space<vmem>> -> memref<1x128xi32, #tpu.memory_space<vmem>>
        %dma_wait3A_22 = tpu.memref_squeeze %dma_wait3A_21 : memref<1x128xi32, #tpu.memory_space<vmem>> -> memref<128xi32, #tpu.memory_space<vmem>>
        %dma_wait3A_23 = arith.constant 0 : i32
        %dma_wait3A_24 = arith.constant 0 : i32
        %dma_wait3A_25 = tpu.memref_slice %arg8[%dma_wait3A_23, %dma_wait3A_24] : memref<10240x16xf32, #tpu.memory_space<vmem_shared>> -> memref<10240x16xf32, #tpu.memory_space<vmem_shared>>
        tpu.wait_indirect_dma semaphore(%run_scoped3A : memref<!tpu.dma_semaphore, #tpu.memory_space<semaphore_mem>>) src(%arg7 : memref<128x16xf32, #tpu.memory_space<vmem>>) dst(%dma_wait3A_25 : memref<10240x16xf32, #tpu.memory_space<vmem_shared>>)
        tpu.yield
      }) : () -> ()
    }
    %scan3A_9 = arith.constant 80 : i32
    %barrier3A_10 = arith.constant 0 : index
    tpu.barrier barrier_id(%barrier3A_10)
    %mul3A_11 = arith.constant 640 : i32
    %mul3A_12 = arith.muli %arg1, %mul3A_11 : i32
    %mul3A_13 = arith.constant 640 : i32
    %mul3A_14 = arith.muli %arg1, %mul3A_13 : i32
    "tpu.region"() ({
      %run_scoped3A = tpu.sem_alloc : memref<!tpu.dma_semaphore, #tpu.memory_space<semaphore_mem>>
      %dma_start3A = arith.constant 0 : i32
      %dma_start3A_15 = tpu.memref_slice %arg5[%arg0, %mul3A_14, %dma_start3A] : memref<2x10240x16xf32, #tpu.memory_space<hbm>> -> memref<1x640x16xf32, #tpu.memory_space<hbm>>
      %dma_start3A_16 = tpu.memref_squeeze %dma_start3A_15 : memref<1x640x16xf32, #tpu.memory_space<hbm>> -> memref<640x16xf32, #tpu.memory_space<hbm>>
      %dma_start3A_17 = arith.constant 0 : i32
      %dma_start3A_18 = tpu.memref_slice %arg8[%mul3A_12, %dma_start3A_17] : memref<10240x16xf32, #tpu.memory_space<vmem_shared>> -> memref<640x16xf32, #tpu.memory_space<vmem_shared>>
      tpu.enqueue_dma source(%dma_start3A_18 : memref<640x16xf32, #tpu.memory_space<vmem_shared>>) target(%dma_start3A_16 : memref<640x16xf32, #tpu.memory_space<hbm>>) target_semaphore(%run_scoped3A : memref<!tpu.dma_semaphore, #tpu.memory_space<semaphore_mem>>)
      %dma_wait3A = arith.constant 0 : i32
      %dma_wait3A_19 = tpu.memref_slice %arg5[%arg0, %mul3A_14, %dma_wait3A] : memref<2x10240x16xf32, #tpu.memory_space<hbm>> -> memref<1x640x16xf32, #tpu.memory_space<hbm>>
      %dma_wait3A_20 = tpu.memref_squeeze %dma_wait3A_19 : memref<1x640x16xf32, #tpu.memory_space<hbm>> -> memref<640x16xf32, #tpu.memory_space<hbm>>
      %dma_wait3A_21 = arith.constant 0 : i32
      %dma_wait3A_22 = tpu.memref_slice %arg8[%mul3A_12, %dma_wait3A_21] : memref<10240x16xf32, #tpu.memory_space<vmem_shared>> -> memref<640x16xf32, #tpu.memory_space<vmem_shared>>
      tpu.wait_dma2 semaphore(%run_scoped3A : memref<!tpu.dma_semaphore, #tpu.memory_space<semaphore_mem>>) src(%dma_wait3A_22 : memref<640x16xf32, #tpu.memory_space<vmem_shared>>) dst(%dma_wait3A_20 : memref<640x16xf32, #tpu.memory_space<hbm>>)
      tpu.yield
    }) : () -> ()
    return
  }
}

#map = affine_map<(d0, d1) -> (0, 0)>
#map1 = affine_map<(d0, d1) -> (0, 0, 0)>
module attributes {stable_mosaic.version = 14 : i64} {
  func.func @segsum(%arg0: i32, %arg1: i32, %arg2: memref<10240x16xf32, #tpu.memory_space<hbm>>, %arg3: memref<32x80x128xi32, #tpu.memory_space<hbm>>, %arg4: memref<32x80x128xi32, #tpu.memory_space<hbm>>, %arg5: memref<10240x16xf32, #tpu.memory_space<hbm>>, %arg6: memref<2x10240x16xf32, #tpu.memory_space<hbm>>, %arg7: memref<80x128xi32, #tpu.memory_space<vmem>>, %arg8: memref<80x128xi32, #tpu.memory_space<vmem>>, %arg9: memref<128x16xf32, #tpu.memory_space<vmem>>, %arg10: memref<128x16xf32, #tpu.memory_space<vmem>>, %arg11: memref<10240x16xf32, #tpu.memory_space<vmem_shared>>, %arg12: memref<!tpu.dma_semaphore, #tpu.memory_space<semaphore_mem>>, %arg13: memref<!tpu.dma_semaphore, #tpu.memory_space<semaphore_mem>>, %arg14: memref<!tpu.dma_semaphore, #tpu.memory_space<semaphore_mem>>, %arg15: memref<!tpu.dma_semaphore, #tpu.memory_space<semaphore_mem>>) attributes {dimension_semantics = [#tpu.dimension_semantics<core_parallel>, #tpu.dimension_semantics<subcore_parallel>], iteration_bounds = array<i64: 2, 16>, scalar_prefetch = 0 : i64, scratch_operands = 9 : i64, tpu.core_type = #tpu.core_type<sc_vector_subcore>, window_params = [{transform_indices = #map}, {transform_indices = #map1}, {transform_indices = #map1}, {transform_indices = #map}, {transform_indices = #map1}]} {
    %mul3A = arith.constant 16 : i32
    %mul3A_0 = arith.muli %arg0, %mul3A : i32
    %add3A = arith.addi %mul3A_0, %arg1 : i32
    %mul3A_1 = arith.constant 640 : i32
    %mul3A_2 = arith.muli %arg1, %mul3A_1 : i32
    %mul3A_3 = arith.constant 640 : i32
    %mul3A_4 = arith.muli %arg1, %mul3A_3 : i32
    "tpu.region"() ({
      %run_scoped3A = tpu.sem_alloc : memref<!tpu.dma_semaphore, #tpu.memory_space<semaphore_mem>>
      %dma_start3A_41 = arith.constant 0 : i32
      %dma_start3A_42 = tpu.memref_slice %arg11[%mul3A_4, %dma_start3A_41] : memref<10240x16xf32, #tpu.memory_space<vmem_shared>> -> memref<640x16xf32, #tpu.memory_space<vmem_shared>>
      %dma_start3A_43 = arith.constant 0 : i32
      %dma_start3A_44 = tpu.memref_slice %arg5[%mul3A_2, %dma_start3A_43] : memref<10240x16xf32, #tpu.memory_space<hbm>> -> memref<640x16xf32, #tpu.memory_space<hbm>>
      tpu.enqueue_dma source(%dma_start3A_44 : memref<640x16xf32, #tpu.memory_space<hbm>>) target(%dma_start3A_42 : memref<640x16xf32, #tpu.memory_space<vmem_shared>>) target_semaphore(%run_scoped3A : memref<!tpu.dma_semaphore, #tpu.memory_space<semaphore_mem>>)
      %dma_wait3A_45 = arith.constant 0 : i32
      %dma_wait3A_46 = tpu.memref_slice %arg11[%mul3A_4, %dma_wait3A_45] : memref<10240x16xf32, #tpu.memory_space<vmem_shared>> -> memref<640x16xf32, #tpu.memory_space<vmem_shared>>
      %dma_wait3A_47 = arith.constant 0 : i32
      %dma_wait3A_48 = tpu.memref_slice %arg5[%mul3A_2, %dma_wait3A_47] : memref<10240x16xf32, #tpu.memory_space<hbm>> -> memref<640x16xf32, #tpu.memory_space<hbm>>
      tpu.wait_dma2 semaphore(%run_scoped3A : memref<!tpu.dma_semaphore, #tpu.memory_space<semaphore_mem>>) src(%dma_wait3A_48 : memref<640x16xf32, #tpu.memory_space<hbm>>) dst(%dma_wait3A_46 : memref<640x16xf32, #tpu.memory_space<vmem_shared>>)
      tpu.yield
    }) : () -> ()
    %barrier3A = arith.constant 0 : index
    tpu.barrier barrier_id(%barrier3A)
    "tpu.region"() ({
      %run_scoped3A = tpu.sem_alloc : memref<!tpu.dma_semaphore, #tpu.memory_space<semaphore_mem>>
      %dma_start3A_41 = arith.constant 0 : i32
      %dma_start3A_42 = arith.constant 0 : i32
      %dma_start3A_43 = tpu.memref_slice %arg3[%add3A, %dma_start3A_41, %dma_start3A_42] : memref<32x80x128xi32, #tpu.memory_space<hbm>> -> memref<1x80x128xi32, #tpu.memory_space<hbm>>
      %dma_start3A_44 = tpu.memref_squeeze %dma_start3A_43 : memref<1x80x128xi32, #tpu.memory_space<hbm>> -> memref<80x128xi32, #tpu.memory_space<hbm>>
      %dma_start3A_45 = arith.constant 0 : i32
      %dma_start3A_46 = arith.constant 0 : i32
      %dma_start3A_47 = tpu.memref_slice %arg3[%add3A, %dma_start3A_45, %dma_start3A_46] : memref<32x80x128xi32, #tpu.memory_space<hbm>> -> memref<1x80x128xi32, #tpu.memory_space<hbm>>
      %dma_start3A_48 = tpu.memref_squeeze %dma_start3A_47 : memref<1x80x128xi32, #tpu.memory_space<hbm>> -> memref<80x128xi32, #tpu.memory_space<hbm>>
      tpu.enqueue_dma source(%dma_start3A_48 : memref<80x128xi32, #tpu.memory_space<hbm>>) target(%arg7 : memref<80x128xi32, #tpu.memory_space<vmem>>) target_semaphore(%run_scoped3A : memref<!tpu.dma_semaphore, #tpu.memory_space<semaphore_mem>>)
      %dma_wait3A_49 = arith.constant 0 : i32
      %dma_wait3A_50 = arith.constant 0 : i32
      %dma_wait3A_51 = tpu.memref_slice %arg3[%add3A, %dma_wait3A_49, %dma_wait3A_50] : memref<32x80x128xi32, #tpu.memory_space<hbm>> -> memref<1x80x128xi32, #tpu.memory_space<hbm>>
      %dma_wait3A_52 = tpu.memref_squeeze %dma_wait3A_51 : memref<1x80x128xi32, #tpu.memory_space<hbm>> -> memref<80x128xi32, #tpu.memory_space<hbm>>
      %dma_wait3A_53 = arith.constant 0 : i32
      %dma_wait3A_54 = arith.constant 0 : i32
      %dma_wait3A_55 = tpu.memref_slice %arg3[%add3A, %dma_wait3A_53, %dma_wait3A_54] : memref<32x80x128xi32, #tpu.memory_space<hbm>> -> memref<1x80x128xi32, #tpu.memory_space<hbm>>
      %dma_wait3A_56 = tpu.memref_squeeze %dma_wait3A_55 : memref<1x80x128xi32, #tpu.memory_space<hbm>> -> memref<80x128xi32, #tpu.memory_space<hbm>>
      tpu.wait_dma2 semaphore(%run_scoped3A : memref<!tpu.dma_semaphore, #tpu.memory_space<semaphore_mem>>) src(%dma_wait3A_56 : memref<80x128xi32, #tpu.memory_space<hbm>>) dst(%arg7 : memref<80x128xi32, #tpu.memory_space<vmem>>)
      tpu.yield
    }) : () -> ()
    "tpu.region"() ({
      %run_scoped3A = tpu.sem_alloc : memref<!tpu.dma_semaphore, #tpu.memory_space<semaphore_mem>>
      %dma_start3A_41 = arith.constant 0 : i32
      %dma_start3A_42 = arith.constant 0 : i32
      %dma_start3A_43 = tpu.memref_slice %arg4[%add3A, %dma_start3A_41, %dma_start3A_42] : memref<32x80x128xi32, #tpu.memory_space<hbm>> -> memref<1x80x128xi32, #tpu.memory_space<hbm>>
      %dma_start3A_44 = tpu.memref_squeeze %dma_start3A_43 : memref<1x80x128xi32, #tpu.memory_space<hbm>> -> memref<80x128xi32, #tpu.memory_space<hbm>>
      %dma_start3A_45 = arith.constant 0 : i32
      %dma_start3A_46 = arith.constant 0 : i32
      %dma_start3A_47 = tpu.memref_slice %arg4[%add3A, %dma_start3A_45, %dma_start3A_46] : memref<32x80x128xi32, #tpu.memory_space<hbm>> -> memref<1x80x128xi32, #tpu.memory_space<hbm>>
      %dma_start3A_48 = tpu.memref_squeeze %dma_start3A_47 : memref<1x80x128xi32, #tpu.memory_space<hbm>> -> memref<80x128xi32, #tpu.memory_space<hbm>>
      tpu.enqueue_dma source(%dma_start3A_48 : memref<80x128xi32, #tpu.memory_space<hbm>>) target(%arg8 : memref<80x128xi32, #tpu.memory_space<vmem>>) target_semaphore(%run_scoped3A : memref<!tpu.dma_semaphore, #tpu.memory_space<semaphore_mem>>)
      %dma_wait3A_49 = arith.constant 0 : i32
      %dma_wait3A_50 = arith.constant 0 : i32
      %dma_wait3A_51 = tpu.memref_slice %arg4[%add3A, %dma_wait3A_49, %dma_wait3A_50] : memref<32x80x128xi32, #tpu.memory_space<hbm>> -> memref<1x80x128xi32, #tpu.memory_space<hbm>>
      %dma_wait3A_52 = tpu.memref_squeeze %dma_wait3A_51 : memref<1x80x128xi32, #tpu.memory_space<hbm>> -> memref<80x128xi32, #tpu.memory_space<hbm>>
      %dma_wait3A_53 = arith.constant 0 : i32
      %dma_wait3A_54 = arith.constant 0 : i32
      %dma_wait3A_55 = tpu.memref_slice %arg4[%add3A, %dma_wait3A_53, %dma_wait3A_54] : memref<32x80x128xi32, #tpu.memory_space<hbm>> -> memref<1x80x128xi32, #tpu.memory_space<hbm>>
      %dma_wait3A_56 = tpu.memref_squeeze %dma_wait3A_55 : memref<1x80x128xi32, #tpu.memory_space<hbm>> -> memref<80x128xi32, #tpu.memory_space<hbm>>
      tpu.wait_dma2 semaphore(%run_scoped3A : memref<!tpu.dma_semaphore, #tpu.memory_space<semaphore_mem>>) src(%dma_wait3A_56 : memref<80x128xi32, #tpu.memory_space<hbm>>) dst(%arg8 : memref<80x128xi32, #tpu.memory_space<vmem>>)
      tpu.yield
    }) : () -> ()
    %dma_start3A = arith.constant 0 : i32
    %dma_start3A_5 = arith.constant 0 : i32
    %dma_start3A_6 = tpu.memref_slice %arg7[%dma_start3A, %dma_start3A_5] : memref<80x128xi32, #tpu.memory_space<vmem>> -> memref<1x128xi32, #tpu.memory_space<vmem>>
    %dma_start3A_7 = tpu.memref_squeeze %dma_start3A_6 : memref<1x128xi32, #tpu.memory_space<vmem>> -> memref<128xi32, #tpu.memory_space<vmem>>
    %dma_start3A_8 = arith.constant 0 : i32
    %dma_start3A_9 = arith.constant 0 : i32
    %dma_start3A_10 = tpu.memref_slice %arg2[%dma_start3A_8, %dma_start3A_9] : memref<10240x16xf32, #tpu.memory_space<hbm>> -> memref<10240x16xf32, #tpu.memory_space<hbm>>
    tpu.enqueue_indirect_dma source(%dma_start3A_10 : memref<10240x16xf32, #tpu.memory_space<hbm>>) target(%arg9 : memref<128x16xf32, #tpu.memory_space<vmem>>) offsets(%dma_start3A_7 : memref<128xi32, #tpu.memory_space<vmem>>) semaphore(%arg12 : memref<!tpu.dma_semaphore, #tpu.memory_space<semaphore_mem>>)
    %dma_start3A_11 = arith.constant 1 : i32
    %dma_start3A_12 = arith.constant 0 : i32
    %dma_start3A_13 = tpu.memref_slice %arg7[%dma_start3A_11, %dma_start3A_12] : memref<80x128xi32, #tpu.memory_space<vmem>> -> memref<1x128xi32, #tpu.memory_space<vmem>>
    %dma_start3A_14 = tpu.memref_squeeze %dma_start3A_13 : memref<1x128xi32, #tpu.memory_space<vmem>> -> memref<128xi32, #tpu.memory_space<vmem>>
    %dma_start3A_15 = arith.constant 0 : i32
    %dma_start3A_16 = arith.constant 0 : i32
    %dma_start3A_17 = tpu.memref_slice %arg2[%dma_start3A_15, %dma_start3A_16] : memref<10240x16xf32, #tpu.memory_space<hbm>> -> memref<10240x16xf32, #tpu.memory_space<hbm>>
    tpu.enqueue_indirect_dma source(%dma_start3A_17 : memref<10240x16xf32, #tpu.memory_space<hbm>>) target(%arg10 : memref<128x16xf32, #tpu.memory_space<vmem>>) offsets(%dma_start3A_14 : memref<128xi32, #tpu.memory_space<vmem>>) semaphore(%arg13 : memref<!tpu.dma_semaphore, #tpu.memory_space<semaphore_mem>>)
    %scan3A = arith.constant 0 : i32
    %scan3A_18 = arith.constant 0 : i32
    %scan3A_19 = arith.constant 40 : i32
    %scan3A_20 = arith.addi %scan3A_18, %scan3A_19 : i32
    %scan3A_21 = arith.constant 1 : i32
    scf.for %scan3A_41 = %scan3A_18 to %scan3A_20 step %scan3A_21  : i32 {
      %mul3A_42 = arith.constant 2 : i32
      %mul3A_43 = arith.muli %mul3A_42, %scan3A_41 : i32
      %dma_wait3A_44 = arith.constant 0 : i32
      %dma_wait3A_45 = tpu.memref_slice %arg7[%mul3A_43, %dma_wait3A_44] : memref<80x128xi32, #tpu.memory_space<vmem>> -> memref<1x128xi32, #tpu.memory_space<vmem>>
      %dma_wait3A_46 = tpu.memref_squeeze %dma_wait3A_45 : memref<1x128xi32, #tpu.memory_space<vmem>> -> memref<128xi32, #tpu.memory_space<vmem>>
      %dma_wait3A_47 = arith.constant 0 : i32
      %dma_wait3A_48 = arith.constant 0 : i32
      %dma_wait3A_49 = tpu.memref_slice %arg2[%dma_wait3A_47, %dma_wait3A_48] : memref<10240x16xf32, #tpu.memory_space<hbm>> -> memref<10240x16xf32, #tpu.memory_space<hbm>>
      tpu.wait_indirect_dma semaphore(%arg12 : memref<!tpu.dma_semaphore, #tpu.memory_space<semaphore_mem>>) src(%dma_wait3A_49 : memref<10240x16xf32, #tpu.memory_space<hbm>>) dst(%arg9 : memref<128x16xf32, #tpu.memory_space<vmem>>)
      "tpu.region"() ({
        %run_scoped3A = tpu.sem_alloc : memref<!tpu.dma_semaphore, #tpu.memory_space<semaphore_mem>>
        %dma_start3A_79 = arith.constant 0 : i32
        %dma_start3A_80 = tpu.memref_slice %arg8[%mul3A_43, %dma_start3A_79] : memref<80x128xi32, #tpu.memory_space<vmem>> -> memref<1x128xi32, #tpu.memory_space<vmem>>
        %dma_start3A_81 = tpu.memref_squeeze %dma_start3A_80 : memref<1x128xi32, #tpu.memory_space<vmem>> -> memref<128xi32, #tpu.memory_space<vmem>>
        %dma_start3A_82 = arith.constant 0 : i32
        %dma_start3A_83 = arith.constant 0 : i32
        %dma_start3A_84 = tpu.memref_slice %arg11[%dma_start3A_82, %dma_start3A_83] : memref<10240x16xf32, #tpu.memory_space<vmem_shared>> -> memref<10240x16xf32, #tpu.memory_space<vmem_shared>>
        tpu.enqueue_indirect_dma source(%arg9 : memref<128x16xf32, #tpu.memory_space<vmem>>) target(%dma_start3A_84 : memref<10240x16xf32, #tpu.memory_space<vmem_shared>>) offsets(%dma_start3A_81 : memref<128xi32, #tpu.memory_space<vmem>>) semaphore(%run_scoped3A : memref<!tpu.dma_semaphore, #tpu.memory_space<semaphore_mem>>) {add = true}
        %dma_wait3A_85 = arith.constant 0 : i32
        %dma_wait3A_86 = tpu.memref_slice %arg8[%mul3A_43, %dma_wait3A_85] : memref<80x128xi32, #tpu.memory_space<vmem>> -> memref<1x128xi32, #tpu.memory_space<vmem>>
        %dma_wait3A_87 = tpu.memref_squeeze %dma_wait3A_86 : memref<1x128xi32, #tpu.memory_space<vmem>> -> memref<128xi32, #tpu.memory_space<vmem>>
        %dma_wait3A_88 = arith.constant 0 : i32
        %dma_wait3A_89 = arith.constant 0 : i32
        %dma_wait3A_90 = tpu.memref_slice %arg11[%dma_wait3A_88, %dma_wait3A_89] : memref<10240x16xf32, #tpu.memory_space<vmem_shared>> -> memref<10240x16xf32, #tpu.memory_space<vmem_shared>>
        tpu.wait_indirect_dma semaphore(%run_scoped3A : memref<!tpu.dma_semaphore, #tpu.memory_space<semaphore_mem>>) src(%arg9 : memref<128x16xf32, #tpu.memory_space<vmem>>) dst(%dma_wait3A_90 : memref<10240x16xf32, #tpu.memory_space<vmem_shared>>)
        tpu.yield
      }) : () -> ()
      %add3A_50 = arith.constant 2 : i32
      %add3A_51 = arith.addi %mul3A_43, %add3A_50 : i32
      %min3A = arith.constant 79 : i32
      %min3A_52 = arith.minsi %add3A_51, %min3A : i32
      %dma_start3A_53 = arith.constant 0 : i32
      %dma_start3A_54 = tpu.memref_slice %arg7[%min3A_52, %dma_start3A_53] : memref<80x128xi32, #tpu.memory_space<vmem>> -> memref<1x128xi32, #tpu.memory_space<vmem>>
      %dma_start3A_55 = tpu.memref_squeeze %dma_start3A_54 : memref<1x128xi32, #tpu.memory_space<vmem>> -> memref<128xi32, #tpu.memory_space<vmem>>
      %dma_start3A_56 = arith.constant 0 : i32
      %dma_start3A_57 = arith.constant 0 : i32
      %dma_start3A_58 = tpu.memref_slice %arg2[%dma_start3A_56, %dma_start3A_57] : memref<10240x16xf32, #tpu.memory_space<hbm>> -> memref<10240x16xf32, #tpu.memory_space<hbm>>
      tpu.enqueue_indirect_dma source(%dma_start3A_58 : memref<10240x16xf32, #tpu.memory_space<hbm>>) target(%arg9 : memref<128x16xf32, #tpu.memory_space<vmem>>) offsets(%dma_start3A_55 : memref<128xi32, #tpu.memory_space<vmem>>) semaphore(%arg12 : memref<!tpu.dma_semaphore, #tpu.memory_space<semaphore_mem>>)
      %add3A_59 = arith.constant 1 : i32
      %add3A_60 = arith.addi %mul3A_43, %add3A_59 : i32
      %dma_wait3A_61 = arith.constant 0 : i32
      %dma_wait3A_62 = tpu.memref_slice %arg7[%add3A_60, %dma_wait3A_61] : memref<80x128xi32, #tpu.memory_space<vmem>> -> memref<1x128xi32, #tpu.memory_space<vmem>>
      %dma_wait3A_63 = tpu.memref_squeeze %dma_wait3A_62 : memref<1x128xi32, #tpu.memory_space<vmem>> -> memref<128xi32, #tpu.memory_space<vmem>>
      %dma_wait3A_64 = arith.constant 0 : i32
      %dma_wait3A_65 = arith.constant 0 : i32
      %dma_wait3A_66 = tpu.memref_slice %arg2[%dma_wait3A_64, %dma_wait3A_65] : memref<10240x16xf32, #tpu.memory_space<hbm>> -> memref<10240x16xf32, #tpu.memory_space<hbm>>
      tpu.wait_indirect_dma semaphore(%arg13 : memref<!tpu.dma_semaphore, #tpu.memory_space<semaphore_mem>>) src(%dma_wait3A_66 : memref<10240x16xf32, #tpu.memory_space<hbm>>) dst(%arg10 : memref<128x16xf32, #tpu.memory_space<vmem>>)
      %add3A_67 = arith.constant 1 : i32
      %add3A_68 = arith.addi %mul3A_43, %add3A_67 : i32
      "tpu.region"() ({
        %run_scoped3A = tpu.sem_alloc : memref<!tpu.dma_semaphore, #tpu.memory_space<semaphore_mem>>
        %dma_start3A_79 = arith.constant 0 : i32
        %dma_start3A_80 = tpu.memref_slice %arg8[%add3A_68, %dma_start3A_79] : memref<80x128xi32, #tpu.memory_space<vmem>> -> memref<1x128xi32, #tpu.memory_space<vmem>>
        %dma_start3A_81 = tpu.memref_squeeze %dma_start3A_80 : memref<1x128xi32, #tpu.memory_space<vmem>> -> memref<128xi32, #tpu.memory_space<vmem>>
        %dma_start3A_82 = arith.constant 0 : i32
        %dma_start3A_83 = arith.constant 0 : i32
        %dma_start3A_84 = tpu.memref_slice %arg11[%dma_start3A_82, %dma_start3A_83] : memref<10240x16xf32, #tpu.memory_space<vmem_shared>> -> memref<10240x16xf32, #tpu.memory_space<vmem_shared>>
        tpu.enqueue_indirect_dma source(%arg10 : memref<128x16xf32, #tpu.memory_space<vmem>>) target(%dma_start3A_84 : memref<10240x16xf32, #tpu.memory_space<vmem_shared>>) offsets(%dma_start3A_81 : memref<128xi32, #tpu.memory_space<vmem>>) semaphore(%run_scoped3A : memref<!tpu.dma_semaphore, #tpu.memory_space<semaphore_mem>>) {add = true}
        %dma_wait3A_85 = arith.constant 0 : i32
        %dma_wait3A_86 = tpu.memref_slice %arg8[%add3A_68, %dma_wait3A_85] : memref<80x128xi32, #tpu.memory_space<vmem>> -> memref<1x128xi32, #tpu.memory_space<vmem>>
        %dma_wait3A_87 = tpu.memref_squeeze %dma_wait3A_86 : memref<1x128xi32, #tpu.memory_space<vmem>> -> memref<128xi32, #tpu.memory_space<vmem>>
        %dma_wait3A_88 = arith.constant 0 : i32
        %dma_wait3A_89 = arith.constant 0 : i32
        %dma_wait3A_90 = tpu.memref_slice %arg11[%dma_wait3A_88, %dma_wait3A_89] : memref<10240x16xf32, #tpu.memory_space<vmem_shared>> -> memref<10240x16xf32, #tpu.memory_space<vmem_shared>>
        tpu.wait_indirect_dma semaphore(%run_scoped3A : memref<!tpu.dma_semaphore, #tpu.memory_space<semaphore_mem>>) src(%arg10 : memref<128x16xf32, #tpu.memory_space<vmem>>) dst(%dma_wait3A_90 : memref<10240x16xf32, #tpu.memory_space<vmem_shared>>)
        tpu.yield
      }) : () -> ()
      %add3A_69 = arith.constant 3 : i32
      %add3A_70 = arith.addi %mul3A_43, %add3A_69 : i32
      %min3A_71 = arith.constant 79 : i32
      %min3A_72 = arith.minsi %add3A_70, %min3A_71 : i32
      %dma_start3A_73 = arith.constant 0 : i32
      %dma_start3A_74 = tpu.memref_slice %arg7[%min3A_72, %dma_start3A_73] : memref<80x128xi32, #tpu.memory_space<vmem>> -> memref<1x128xi32, #tpu.memory_space<vmem>>
      %dma_start3A_75 = tpu.memref_squeeze %dma_start3A_74 : memref<1x128xi32, #tpu.memory_space<vmem>> -> memref<128xi32, #tpu.memory_space<vmem>>
      %dma_start3A_76 = arith.constant 0 : i32
      %dma_start3A_77 = arith.constant 0 : i32
      %dma_start3A_78 = tpu.memref_slice %arg2[%dma_start3A_76, %dma_start3A_77] : memref<10240x16xf32, #tpu.memory_space<hbm>> -> memref<10240x16xf32, #tpu.memory_space<hbm>>
      tpu.enqueue_indirect_dma source(%dma_start3A_78 : memref<10240x16xf32, #tpu.memory_space<hbm>>) target(%arg10 : memref<128x16xf32, #tpu.memory_space<vmem>>) offsets(%dma_start3A_75 : memref<128xi32, #tpu.memory_space<vmem>>) semaphore(%arg13 : memref<!tpu.dma_semaphore, #tpu.memory_space<semaphore_mem>>)
    }
    %scan3A_22 = arith.constant 40 : i32
    %dma_wait3A = arith.constant 79 : i32
    %dma_wait3A_23 = arith.constant 0 : i32
    %dma_wait3A_24 = tpu.memref_slice %arg7[%dma_wait3A, %dma_wait3A_23] : memref<80x128xi32, #tpu.memory_space<vmem>> -> memref<1x128xi32, #tpu.memory_space<vmem>>
    %dma_wait3A_25 = tpu.memref_squeeze %dma_wait3A_24 : memref<1x128xi32, #tpu.memory_space<vmem>> -> memref<128xi32, #tpu.memory_space<vmem>>
    %dma_wait3A_26 = arith.constant 0 : i32
    %dma_wait3A_27 = arith.constant 0 : i32
    %dma_wait3A_28 = tpu.memref_slice %arg2[%dma_wait3A_26, %dma_wait3A_27] : memref<10240x16xf32, #tpu.memory_space<hbm>> -> memref<10240x16xf32, #tpu.memory_space<hbm>>
    tpu.wait_indirect_dma semaphore(%arg12 : memref<!tpu.dma_semaphore, #tpu.memory_space<semaphore_mem>>) src(%dma_wait3A_28 : memref<10240x16xf32, #tpu.memory_space<hbm>>) dst(%arg9 : memref<128x16xf32, #tpu.memory_space<vmem>>)
    %dma_wait3A_29 = arith.constant 79 : i32
    %dma_wait3A_30 = arith.constant 0 : i32
    %dma_wait3A_31 = tpu.memref_slice %arg7[%dma_wait3A_29, %dma_wait3A_30] : memref<80x128xi32, #tpu.memory_space<vmem>> -> memref<1x128xi32, #tpu.memory_space<vmem>>
    %dma_wait3A_32 = tpu.memref_squeeze %dma_wait3A_31 : memref<1x128xi32, #tpu.memory_space<vmem>> -> memref<128xi32, #tpu.memory_space<vmem>>
    %dma_wait3A_33 = arith.constant 0 : i32
    %dma_wait3A_34 = arith.constant 0 : i32
    %dma_wait3A_35 = tpu.memref_slice %arg2[%dma_wait3A_33, %dma_wait3A_34] : memref<10240x16xf32, #tpu.memory_space<hbm>> -> memref<10240x16xf32, #tpu.memory_space<hbm>>
    tpu.wait_indirect_dma semaphore(%arg13 : memref<!tpu.dma_semaphore, #tpu.memory_space<semaphore_mem>>) src(%dma_wait3A_35 : memref<10240x16xf32, #tpu.memory_space<hbm>>) dst(%arg10 : memref<128x16xf32, #tpu.memory_space<vmem>>)
    %barrier3A_36 = arith.constant 0 : index
    tpu.barrier barrier_id(%barrier3A_36)
    %mul3A_37 = arith.constant 640 : i32
    %mul3A_38 = arith.muli %arg1, %mul3A_37 : i32
    %mul3A_39 = arith.constant 640 : i32
    %mul3A_40 = arith.muli %arg1, %mul3A_39 : i32
    "tpu.region"() ({
      %run_scoped3A = tpu.sem_alloc : memref<!tpu.dma_semaphore, #tpu.memory_space<semaphore_mem>>
      %dma_start3A_41 = arith.constant 0 : i32
      %dma_start3A_42 = tpu.memref_slice %arg6[%arg0, %mul3A_40, %dma_start3A_41] : memref<2x10240x16xf32, #tpu.memory_space<hbm>> -> memref<1x640x16xf32, #tpu.memory_space<hbm>>
      %dma_start3A_43 = tpu.memref_squeeze %dma_start3A_42 : memref<1x640x16xf32, #tpu.memory_space<hbm>> -> memref<640x16xf32, #tpu.memory_space<hbm>>
      %dma_start3A_44 = arith.constant 0 : i32
      %dma_start3A_45 = tpu.memref_slice %arg11[%mul3A_38, %dma_start3A_44] : memref<10240x16xf32, #tpu.memory_space<vmem_shared>> -> memref<640x16xf32, #tpu.memory_space<vmem_shared>>
      tpu.enqueue_dma source(%dma_start3A_45 : memref<640x16xf32, #tpu.memory_space<vmem_shared>>) target(%dma_start3A_43 : memref<640x16xf32, #tpu.memory_space<hbm>>) target_semaphore(%run_scoped3A : memref<!tpu.dma_semaphore, #tpu.memory_space<semaphore_mem>>)
      %dma_wait3A_46 = arith.constant 0 : i32
      %dma_wait3A_47 = tpu.memref_slice %arg6[%arg0, %mul3A_40, %dma_wait3A_46] : memref<2x10240x16xf32, #tpu.memory_space<hbm>> -> memref<1x640x16xf32, #tpu.memory_space<hbm>>
      %dma_wait3A_48 = tpu.memref_squeeze %dma_wait3A_47 : memref<1x640x16xf32, #tpu.memory_space<hbm>> -> memref<640x16xf32, #tpu.memory_space<hbm>>
      %dma_wait3A_49 = arith.constant 0 : i32
      %dma_wait3A_50 = tpu.memref_slice %arg11[%mul3A_38, %dma_wait3A_49] : memref<10240x16xf32, #tpu.memory_space<vmem_shared>> -> memref<640x16xf32, #tpu.memory_space<vmem_shared>>
      tpu.wait_dma2 semaphore(%run_scoped3A : memref<!tpu.dma_semaphore, #tpu.memory_space<semaphore_mem>>) src(%dma_wait3A_50 : memref<640x16xf32, #tpu.memory_space<vmem_shared>>) dst(%dma_wait3A_48 : memref<640x16xf32, #tpu.memory_space<hbm>>)
      tpu.yield
    }) : () -> ()
    return
  }
}

module attributes {stable_mosaic.version = 14 : i64} {
  func.func @body(%arg0: i32, %arg1: memref<256x128xf32, #tpu.memory_space<vmem>>, %arg2: memref<128x128xf32, #tpu.memory_space<vmem>>, %arg3: memref<2x256x16xf32, #tpu.memory_space<vmem>>, %arg4: memref<256x128xf32, #tpu.memory_space<vmem>>) attributes {dimension_semantics = [#tpu.dimension_semantics<arbitrary>], iteration_bounds = array<i64: 40>, scalar_prefetch = 0 : i64, scratch_operands = 0 : i64, tpu.core_type = #tpu.core_type<tc>, window_params = [{transform_indices = @transform_0, window_bounds = array<i64: 256, 128>}, {pipeline_mode = #tpu.pipeline_mode<synchronous>, transform_indices = @transform_1, window_bounds = array<i64: 128, 128>}, {transform_indices = @transform_2, window_bounds = array<i64: 2, 256, 16>}, {transform_indices = @transform_3, window_bounds = array<i64: 256, 128>}]} {
    %get3A = arith.constant 0 : index
    %get3A_0 = arith.constant 0 : index
    %get3A_1 = arith.constant 0 : index
    %get3A_2 = vector.load %arg3[%get3A, %get3A_0, %get3A_1] : memref<2x256x16xf32, #tpu.memory_space<vmem>>, vector<1x256x1xf32>
    %get3A_3 = vector.shape_cast %get3A_2 : vector<1x256x1xf32> to vector<256x1xf32>
    %get3A_4 = arith.constant 1 : index
    %get3A_5 = arith.constant 0 : index
    %get3A_6 = arith.constant 0 : index
    %get3A_7 = vector.load %arg3[%get3A_4, %get3A_5, %get3A_6] : memref<2x256x16xf32, #tpu.memory_space<vmem>>, vector<1x256x1xf32>
    %get3A_8 = vector.shape_cast %get3A_7 : vector<1x256x1xf32> to vector<256x1xf32>
    %add3A = arith.addf %get3A_3, %get3A_8 : vector<256x1xf32>
    %add3A_9 = arith.constant 1.000000e+00 : f32
    %add3A_10 = vector.broadcast %add3A_9 : f32 to vector<256x1xf32>
    %add3A_11 = arith.addf %add3A, %add3A_10 : vector<256x1xf32>
    %rsqrt3A = math.rsqrt %add3A_11 : vector<256x1xf32>
    %get3A_12 = arith.constant 0 : index
    %get3A_13 = arith.constant 0 : index
    %get3A_14 = vector.load %arg1[%get3A_12, %get3A_13] : memref<256x128xf32, #tpu.memory_space<vmem>>, vector<256x128xf32>
    %get3A_15 = arith.constant 0 : index
    %get3A_16 = arith.constant 0 : index
    %get3A_17 = vector.load %arg2[%get3A_15, %get3A_16] : memref<128x128xf32, #tpu.memory_space<vmem>>, vector<128x128xf32>
    %dot_general3A = arith.constant dense<0.000000e+00> : vector<256x128xf32>
    %dot_general3A_18 = tpu.matmul %get3A_14, %get3A_17, %dot_general3A {dimension_numbers = #tpu.dot_dimension_numbers<[1], [0], [0], [1], [0, 0, 1, 1], [], []>, transpose_lhs_hint = false} : vector<256x128xf32>, vector<128x128xf32>, vector<256x128xf32> -> vector<256x128xf32>
    %mul3A = vector.broadcast %rsqrt3A : vector<256x1xf32> to vector<256x128xf32>
    %mul3A_19 = arith.mulf %dot_general3A_18, %mul3A : vector<256x128xf32>
    %swap3A = arith.constant 0 : index
    %swap3A_20 = arith.constant 0 : index
    %swap3A_21 = vector.load %arg4[%swap3A, %swap3A_20] : memref<256x128xf32, #tpu.memory_space<vmem>>, vector<256x128xf32>
    tpu.vector_store %arg4[%swap3A, %swap3A_20], %mul3A_19 {strides = array<i32>} : memref<256x128xf32, #tpu.memory_space<vmem>>, vector<256x128xf32>,
    return
  }
  func.func @transform_0(%arg0: i32) -> (i32, i32) {
    %c0_i32 = arith.constant 0 : i32
    %c0_i32_0 = arith.constant 0 : i32
    return %arg0, %c0_i32 : i32, i32
  }
  func.func @transform_1(%arg0: i32) -> (i32, i32) {
    %c0_i32 = arith.constant 0 : i32
    %c0_i32_0 = arith.constant 0 : i32
    %c0_i32_1 = arith.constant 0 : i32
    return %c0_i32, %c0_i32_0 : i32, i32
  }
  func.func @transform_2(%arg0: i32) -> (i32, i32, i32) {
    %c0_i32 = arith.constant 0 : i32
    %c0_i32_0 = arith.constant 0 : i32
    %c0_i32_1 = arith.constant 0 : i32
    return %c0_i32, %arg0, %c0_i32_0 : i32, i32, i32
  }
  func.func @transform_3(%arg0: i32) -> (i32, i32) {
    %c0_i32 = arith.constant 0 : i32
    %c0_i32_0 = arith.constant 0 : i32
    return %arg0, %c0_i32 : i32, i32
  }
}

module attributes {stable_mosaic.version = 14 : i64} {
  func.func @body(%arg0: i32, %arg1: memref<2x256x128xf32, #tpu.memory_space<vmem>>, %arg2: memref<256x128xf32, #tpu.memory_space<vmem>>, %arg3: memref<2x256x16xf32, #tpu.memory_space<vmem>>, %arg4: memref<1x128xf32, #tpu.memory_space<vmem>>, %arg5: memref<128x16xf32, #tpu.memory_space<vmem>>, %arg6: memref<256x16xf32, #tpu.memory_space<vmem>>) attributes {dimension_semantics = [#tpu.dimension_semantics<arbitrary>], iteration_bounds = array<i64: 40>, scalar_prefetch = 0 : i64, scratch_operands = 0 : i64, tpu.core_type = #tpu.core_type<tc>, window_params = [{transform_indices = @transform_0, window_bounds = array<i64: 2, 256, 128>}, {transform_indices = @transform_1, window_bounds = array<i64: 256, 128>}, {transform_indices = @transform_2, window_bounds = array<i64: 2, 256, 16>}, {pipeline_mode = #tpu.pipeline_mode<synchronous>, transform_indices = @transform_3, window_bounds = array<i64: 1, 128>}, {pipeline_mode = #tpu.pipeline_mode<synchronous>, transform_indices = @transform_4, window_bounds = array<i64: 128, 16>}, {transform_indices = @transform_5, window_bounds = array<i64: 256, 16>}]} {
    %get3A = arith.constant 0 : index
    %get3A_0 = arith.constant 0 : index
    %get3A_1 = arith.constant 0 : index
    %get3A_2 = vector.load %arg3[%get3A, %get3A_0, %get3A_1] : memref<2x256x16xf32, #tpu.memory_space<vmem>>, vector<1x256x1xf32>
    %get3A_3 = vector.shape_cast %get3A_2 : vector<1x256x1xf32> to vector<256x1xf32>
    %get3A_4 = arith.constant 1 : index
    %get3A_5 = arith.constant 0 : index
    %get3A_6 = arith.constant 0 : index
    %get3A_7 = vector.load %arg3[%get3A_4, %get3A_5, %get3A_6] : memref<2x256x16xf32, #tpu.memory_space<vmem>>, vector<1x256x1xf32>
    %get3A_8 = vector.shape_cast %get3A_7 : vector<1x256x1xf32> to vector<256x1xf32>
    %add3A = arith.addf %get3A_3, %get3A_8 : vector<256x1xf32>
    %add3A_9 = arith.constant 1.000000e+00 : f32
    %add3A_10 = vector.broadcast %add3A_9 : f32 to vector<256x1xf32>
    %add3A_11 = arith.addf %add3A, %add3A_10 : vector<256x1xf32>
    %rsqrt3A = math.rsqrt %add3A_11 : vector<256x1xf32>
    %get3A_12 = arith.constant 0 : index
    %get3A_13 = arith.constant 0 : index
    %get3A_14 = arith.constant 0 : index
    %get3A_15 = vector.load %arg1[%get3A_12, %get3A_13, %get3A_14] : memref<2x256x128xf32, #tpu.memory_space<vmem>>, vector<1x256x128xf32>
    %get3A_16 = vector.shape_cast %get3A_15 : vector<1x256x128xf32> to vector<256x128xf32>
    %get3A_17 = arith.constant 1 : index
    %get3A_18 = arith.constant 0 : index
    %get3A_19 = arith.constant 0 : index
    %get3A_20 = vector.load %arg1[%get3A_17, %get3A_18, %get3A_19] : memref<2x256x128xf32, #tpu.memory_space<vmem>>, vector<1x256x128xf32>
    %get3A_21 = vector.shape_cast %get3A_20 : vector<1x256x128xf32> to vector<256x128xf32>
    %add3A_22 = arith.addf %get3A_16, %get3A_21 : vector<256x128xf32>
    %get3A_23 = arith.constant 0 : index
    %get3A_24 = arith.constant 0 : index
    %get3A_25 = vector.load %arg2[%get3A_23, %get3A_24] : memref<256x128xf32, #tpu.memory_space<vmem>>, vector<256x128xf32>
    %add3A_26 = arith.addf %add3A_22, %get3A_25 : vector<256x128xf32>
    %mul3A = vector.broadcast %rsqrt3A : vector<256x1xf32> to vector<256x128xf32>
    %mul3A_27 = arith.mulf %mul3A, %add3A_26 : vector<256x128xf32>
    %get3A_28 = arith.constant 0 : index
    %get3A_29 = arith.constant 0 : index
    %get3A_30 = vector.load %arg4[%get3A_28, %get3A_29] : memref<1x128xf32, #tpu.memory_space<vmem>>, vector<1x128xf32>
    %add3A_31 = vector.broadcast %get3A_30 : vector<1x128xf32> to vector<256x128xf32>
    %add3A_32 = arith.addf %mul3A_27, %add3A_31 : vector<256x128xf32>
    %gt3A = arith.constant 0.000000e+00 : f32
    %gt3A_33 = vector.broadcast %gt3A : f32 to vector<256x128xf32>
    %gt3A_34 = arith.cmpf ogt, %add3A_32, %gt3A_33 : vector<256x128xf32>
    %exp3A = math.exp %add3A_32 : vector<256x128xf32>
    %sub3A = arith.constant 1.000000e+00 : f32
    %sub3A_35 = vector.broadcast %sub3A : f32 to vector<256x128xf32>
    %sub3A_36 = arith.subf %exp3A, %sub3A_35 : vector<256x128xf32>
    %select_n3A = arith.select %gt3A_34, %add3A_32, %sub3A_36 : vector<256x128xi1>, vector<256x128xf32>
    %get3A_37 = arith.constant 0 : index
    %get3A_38 = arith.constant 0 : index
    %get3A_39 = vector.load %arg5[%get3A_37, %get3A_38] : memref<128x16xf32, #tpu.memory_space<vmem>>, vector<128x16xf32>
    %dot_general3A = arith.constant dense<0.000000e+00> : vector<256x16xf32>
    %dot_general3A_40 = tpu.matmul %select_n3A, %get3A_39, %dot_general3A {dimension_numbers = #tpu.dot_dimension_numbers<[1], [0], [0], [1], [0, 0, 1, 1], [], []>, transpose_lhs_hint = false} : vector<256x128xf32>, vector<128x16xf32>, vector<256x16xf32> -> vector<256x16xf32>
    %mul3A_41 = vector.broadcast %rsqrt3A : vector<256x1xf32> to vector<256x16xf32>
    %mul3A_42 = arith.mulf %dot_general3A_40, %mul3A_41 : vector<256x16xf32>
    %swap3A = arith.constant 0 : index
    %swap3A_43 = arith.constant 0 : index
    %swap3A_44 = vector.load %arg6[%swap3A, %swap3A_43] : memref<256x16xf32, #tpu.memory_space<vmem>>, vector<256x16xf32>
    tpu.vector_store %arg6[%swap3A, %swap3A_43], %mul3A_42 {strides = array<i32>} : memref<256x16xf32, #tpu.memory_space<vmem>>, vector<256x16xf32>,
    return
  }
  func.func @transform_0(%arg0: i32) -> (i32, i32, i32) {
    %c0_i32 = arith.constant 0 : i32
    %c0_i32_0 = arith.constant 0 : i32
    %c0_i32_1 = arith.constant 0 : i32
    return %c0_i32, %arg0, %c0_i32_0 : i32, i32, i32
  }
  func.func @transform_1(%arg0: i32) -> (i32, i32) {
    %c0_i32 = arith.constant 0 : i32
    %c0_i32_0 = arith.constant 0 : i32
    return %arg0, %c0_i32 : i32, i32
  }
  func.func @transform_2(%arg0: i32) -> (i32, i32, i32) {
    %c0_i32 = arith.constant 0 : i32
    %c0_i32_0 = arith.constant 0 : i32
    %c0_i32_1 = arith.constant 0 : i32
    return %c0_i32, %arg0, %c0_i32_0 : i32, i32, i32
  }
  func.func @transform_3(%arg0: i32) -> (i32, i32) {
    %c0_i32 = arith.constant 0 : i32
    %c0_i32_0 = arith.constant 0 : i32
    %c0_i32_1 = arith.constant 0 : i32
    return %c0_i32, %c0_i32_0 : i32, i32
  }
  func.func @transform_4(%arg0: i32) -> (i32, i32) {
    %c0_i32 = arith.constant 0 : i32
    %c0_i32_0 = arith.constant 0 : i32
    %c0_i32_1 = arith.constant 0 : i32
    return %c0_i32, %c0_i32_0 : i32, i32
  }
  func.func @transform_5(%arg0: i32) -> (i32, i32) {
    %c0_i32 = arith.constant 0 : i32
    %c0_i32_0 = arith.constant 0 : i32
    return %arg0, %c0_i32 : i32, i32
  }
}

module attributes {stable_mosaic.version = 14 : i64} {
  func.func @body(%arg0: i32, %arg1: memref<2x256x16xf32, #tpu.memory_space<vmem>>, %arg2: memref<256x16xf32, #tpu.memory_space<vmem>>, %arg3: memref<2x256x16xf32, #tpu.memory_space<vmem>>, %arg4: memref<1x16xf32, #tpu.memory_space<vmem>>, %arg5: memref<16x16xf32, #tpu.memory_space<vmem>>, %arg6: memref<256x16xf32, #tpu.memory_space<vmem>>, %arg7: memref<256x16xf32, #tpu.memory_space<vmem>>) attributes {dimension_semantics = [#tpu.dimension_semantics<arbitrary>], iteration_bounds = array<i64: 40>, scalar_prefetch = 0 : i64, scratch_operands = 0 : i64, tpu.core_type = #tpu.core_type<tc>, window_params = [{transform_indices = @transform_0, window_bounds = array<i64: 2, 256, 16>}, {transform_indices = @transform_1, window_bounds = array<i64: 256, 16>}, {transform_indices = @transform_2, window_bounds = array<i64: 2, 256, 16>}, {pipeline_mode = #tpu.pipeline_mode<synchronous>, transform_indices = @transform_3, window_bounds = array<i64: 1, 16>}, {pipeline_mode = #tpu.pipeline_mode<synchronous>, transform_indices = @transform_4, window_bounds = array<i64: 16, 16>}, {transform_indices = @transform_5, window_bounds = array<i64: 256, 16>}, {transform_indices = @transform_6, window_bounds = array<i64: 256, 16>}]} {
    %get3A = arith.constant 0 : index
    %get3A_0 = arith.constant 0 : index
    %get3A_1 = arith.constant 0 : index
    %get3A_2 = vector.load %arg3[%get3A, %get3A_0, %get3A_1] : memref<2x256x16xf32, #tpu.memory_space<vmem>>, vector<1x256x1xf32>
    %get3A_3 = vector.shape_cast %get3A_2 : vector<1x256x1xf32> to vector<256x1xf32>
    %get3A_4 = arith.constant 1 : index
    %get3A_5 = arith.constant 0 : index
    %get3A_6 = arith.constant 0 : index
    %get3A_7 = vector.load %arg3[%get3A_4, %get3A_5, %get3A_6] : memref<2x256x16xf32, #tpu.memory_space<vmem>>, vector<1x256x1xf32>
    %get3A_8 = vector.shape_cast %get3A_7 : vector<1x256x1xf32> to vector<256x1xf32>
    %add3A = arith.addf %get3A_3, %get3A_8 : vector<256x1xf32>
    %add3A_9 = arith.constant 1.000000e+00 : f32
    %add3A_10 = vector.broadcast %add3A_9 : f32 to vector<256x1xf32>
    %add3A_11 = arith.addf %add3A, %add3A_10 : vector<256x1xf32>
    %rsqrt3A = math.rsqrt %add3A_11 : vector<256x1xf32>
    %get3A_12 = arith.constant 0 : index
    %get3A_13 = arith.constant 0 : index
    %get3A_14 = arith.constant 0 : index
    %get3A_15 = vector.load %arg1[%get3A_12, %get3A_13, %get3A_14] : memref<2x256x16xf32, #tpu.memory_space<vmem>>, vector<1x256x16xf32>
    %get3A_16 = vector.shape_cast %get3A_15 : vector<1x256x16xf32> to vector<256x16xf32>
    %get3A_17 = arith.constant 1 : index
    %get3A_18 = arith.constant 0 : index
    %get3A_19 = arith.constant 0 : index
    %get3A_20 = vector.load %arg1[%get3A_17, %get3A_18, %get3A_19] : memref<2x256x16xf32, #tpu.memory_space<vmem>>, vector<1x256x16xf32>
    %get3A_21 = vector.shape_cast %get3A_20 : vector<1x256x16xf32> to vector<256x16xf32>
    %add3A_22 = arith.addf %get3A_16, %get3A_21 : vector<256x16xf32>
    %get3A_23 = arith.constant 0 : index
    %get3A_24 = arith.constant 0 : index
    %get3A_25 = vector.load %arg2[%get3A_23, %get3A_24] : memref<256x16xf32, #tpu.memory_space<vmem>>, vector<256x16xf32>
    %add3A_26 = arith.addf %add3A_22, %get3A_25 : vector<256x16xf32>
    %mul3A = vector.broadcast %rsqrt3A : vector<256x1xf32> to vector<256x16xf32>
    %mul3A_27 = arith.mulf %mul3A, %add3A_26 : vector<256x16xf32>
    %get3A_28 = arith.constant 0 : index
    %get3A_29 = arith.constant 0 : index
    %get3A_30 = vector.load %arg4[%get3A_28, %get3A_29] : memref<1x16xf32, #tpu.memory_space<vmem>>, vector<1x16xf32>
    %add3A_31 = vector.broadcast %get3A_30 : vector<1x16xf32> to vector<256x16xf32>
    %add3A_32 = arith.addf %mul3A_27, %add3A_31 : vector<256x16xf32>
    %iota3A = tpu.iota {dimensions = array<i32: 1>} : vector<256x16xi32>
    %lt3A = arith.constant 8 : i32
    %lt3A_33 = vector.broadcast %lt3A : i32 to vector<256x16xi32>
    %lt3A_34 = arith.cmpi slt, %iota3A, %lt3A_33 : vector<256x16xi32>
    %jit3A = arith.constant -1.000000e+30 : f32
    %broadcast_in_dim3A = vector.broadcast %jit3A : f32 to vector<256x16xf32>
    %select_n3A = arith.select %lt3A_34, %add3A_32, %broadcast_in_dim3A : vector<256x16xi1>, vector<256x16xf32>
    %reduce_max3A = arith.constant dense<0xFF800000> : vector<256xf32>
    %reduce_max3A_35 = vector.multi_reduction <maximumf>, %select_n3A, %reduce_max3A [1] : vector<256x16xf32> to vector<256xf32>
    %broadcast_in_dim3A_36 = vector.shape_cast %reduce_max3A_35 : vector<256xf32> to vector<256x1xf32>
    %sub3A = vector.broadcast %broadcast_in_dim3A_36 : vector<256x1xf32> to vector<256x16xf32>
    %sub3A_37 = arith.subf %add3A_32, %sub3A : vector<256x16xf32>
    %exp3A = math.exp %sub3A_37 : vector<256x16xf32>
    %jit3A_38 = arith.constant 0.000000e+00 : f32
    %broadcast_in_dim3A_39 = vector.broadcast %jit3A_38 : f32 to vector<256x16xf32>
    %select_n3A_40 = arith.select %lt3A_34, %exp3A, %broadcast_in_dim3A_39 : vector<256x16xi1>, vector<256x16xf32>
    %reduce_sum3A = arith.constant dense<0.000000e+00> : vector<256xf32>
    %reduce_sum3A_41 = vector.multi_reduction <add>, %select_n3A_40, %reduce_sum3A [1] : vector<256x16xf32> to vector<256xf32>
    %broadcast_in_dim3A_42 = vector.shape_cast %reduce_sum3A_41 : vector<256xf32> to vector<256x1xf32>
    %div3A = vector.broadcast %broadcast_in_dim3A_42 : vector<256x1xf32> to vector<256x16xf32>
    %div3A_43 = arith.divf %select_n3A_40, %div3A : vector<256x16xf32>
    %swap3A = arith.constant 0 : index
    %swap3A_44 = arith.constant 0 : index
    %swap3A_45 = vector.load %arg6[%swap3A, %swap3A_44] : memref<256x16xf32, #tpu.memory_space<vmem>>, vector<256x16xf32>
    tpu.vector_store %arg6[%swap3A, %swap3A_44], %div3A_43 {strides = array<i32>} : memref<256x16xf32, #tpu.memory_space<vmem>>, vector<256x16xf32>,
    %get3A_46 = arith.constant 0 : index
    %get3A_47 = arith.constant 0 : index
    %get3A_48 = vector.load %arg5[%get3A_46, %get3A_47] : memref<16x16xf32, #tpu.memory_space<vmem>>, vector<16x16xf32>
    %max3A = arith.constant 0.000000e+00 : f32
    %max3A_49 = vector.broadcast %max3A : f32 to vector<16x16xf32>
    %max3A_50 = arith.maximumf %get3A_48, %max3A_49 : vector<16x16xf32>
    %dot_general3A = arith.constant dense<0.000000e+00> : vector<256x16xf32>
    %dot_general3A_51 = tpu.matmul %div3A_43, %max3A_50, %dot_general3A {dimension_numbers = #tpu.dot_dimension_numbers<[1], [0], [0], [1], [0, 0, 1, 1], [], []>, transpose_lhs_hint = false} : vector<256x16xf32>, vector<16x16xf32>, vector<256x16xf32> -> vector<256x16xf32>
    %swap3A_52 = arith.constant 0 : index
    %swap3A_53 = arith.constant 0 : index
    %swap3A_54 = vector.load %arg7[%swap3A_52, %swap3A_53] : memref<256x16xf32, #tpu.memory_space<vmem>>, vector<256x16xf32>
    tpu.vector_store %arg7[%swap3A_52, %swap3A_53], %dot_general3A_51 {strides = array<i32>} : memref<256x16xf32, #tpu.memory_space<vmem>>, vector<256x16xf32>,
    return
  }
  func.func @transform_0(%arg0: i32) -> (i32, i32, i32) {
    %c0_i32 = arith.constant 0 : i32
    %c0_i32_0 = arith.constant 0 : i32
    %c0_i32_1 = arith.constant 0 : i32
    return %c0_i32, %arg0, %c0_i32_0 : i32, i32, i32
  }
  func.func @transform_1(%arg0: i32) -> (i32, i32) {
    %c0_i32 = arith.constant 0 : i32
    %c0_i32_0 = arith.constant 0 : i32
    return %arg0, %c0_i32 : i32, i32
  }
  func.func @transform_2(%arg0: i32) -> (i32, i32, i32) {
    %c0_i32 = arith.constant 0 : i32
    %c0_i32_0 = arith.constant 0 : i32
    %c0_i32_1 = arith.constant 0 : i32
    return %c0_i32, %arg0, %c0_i32_0 : i32, i32, i32
  }
  func.func @transform_3(%arg0: i32) -> (i32, i32) {
    %c0_i32 = arith.constant 0 : i32
    %c0_i32_0 = arith.constant 0 : i32
    %c0_i32_1 = arith.constant 0 : i32
    return %c0_i32, %c0_i32_0 : i32, i32
  }
  func.func @transform_4(%arg0: i32) -> (i32, i32) {
    %c0_i32 = arith.constant 0 : i32
    %c0_i32_0 = arith.constant 0 : i32
    %c0_i32_1 = arith.constant 0 : i32
    return %c0_i32, %c0_i32_0 : i32, i32
  }
  func.func @transform_5(%arg0: i32) -> (i32, i32) {
    %c0_i32 = arith.constant 0 : i32
    %c0_i32_0 = arith.constant 0 : i32
    return %arg0, %c0_i32 : i32, i32
  }
  func.func @transform_6(%arg0: i32) -> (i32, i32) {
    %c0_i32 = arith.constant 0 : i32
    %c0_i32_0 = arith.constant 0 : i32
    return %arg0, %c0_i32 : i32, i32
  }
}

module attributes {stable_mosaic.version = 14 : i64} {
  func.func @body(%arg0: i32, %arg1: memref<1x1xf32, #tpu.memory_space<smem>>, %arg2: memref<256x16xf32, #tpu.memory_space<vmem>>, %arg3: memref<2x256x16xf32, #tpu.memory_space<vmem>>, %arg4: memref<256x16xf32, #tpu.memory_space<vmem>>) attributes {dimension_semantics = [#tpu.dimension_semantics<arbitrary>], iteration_bounds = array<i64: 40>, scalar_prefetch = 0 : i64, scratch_operands = 0 : i64, tpu.core_type = #tpu.core_type<tc>, window_params = [{transform_indices = @transform_0, window_bounds = array<i64: 1, 1>}, {transform_indices = @transform_1, window_bounds = array<i64: 256, 16>}, {transform_indices = @transform_2, window_bounds = array<i64: 2, 256, 16>}, {transform_indices = @transform_3, window_bounds = array<i64: 256, 16>}]} {
    %get3A = arith.constant 0 : index
    %get3A_0 = arith.constant 0 : index
    %get3A_1 = memref.load %arg1[%get3A, %get3A_0] : memref<1x1xf32, #tpu.memory_space<smem>>
    %sub3A = arith.constant 1.000000e+00 : f32
    %sub3A_2 = arith.subf %sub3A, %get3A_1 : f32
    %get3A_3 = arith.constant 0 : index
    %get3A_4 = arith.constant 0 : index
    %get3A_5 = vector.load %arg2[%get3A_3, %get3A_4] : memref<256x16xf32, #tpu.memory_space<vmem>>, vector<256x16xf32>
    %mul3A = vector.broadcast %sub3A_2 : f32 to vector<256x16xf32>
    %mul3A_6 = arith.mulf %mul3A, %get3A_5 : vector<256x16xf32>
    %get3A_7 = arith.constant 0 : index
    %get3A_8 = arith.constant 0 : index
    %get3A_9 = arith.constant 0 : index
    %get3A_10 = vector.load %arg3[%get3A_7, %get3A_8, %get3A_9] : memref<2x256x16xf32, #tpu.memory_space<vmem>>, vector<1x256x16xf32>
    %get3A_11 = vector.shape_cast %get3A_10 : vector<1x256x16xf32> to vector<256x16xf32>
    %get3A_12 = arith.constant 1 : index
    %get3A_13 = arith.constant 0 : index
    %get3A_14 = arith.constant 0 : index
    %get3A_15 = vector.load %arg3[%get3A_12, %get3A_13, %get3A_14] : memref<2x256x16xf32, #tpu.memory_space<vmem>>, vector<1x256x16xf32>
    %get3A_16 = vector.shape_cast %get3A_15 : vector<1x256x16xf32> to vector<256x16xf32>
    %add3A = arith.addf %get3A_11, %get3A_16 : vector<256x16xf32>
    %mul3A_17 = vector.broadcast %get3A_1 : f32 to vector<256x16xf32>
    %mul3A_18 = arith.mulf %mul3A_17, %add3A : vector<256x16xf32>
    %add3A_19 = arith.addf %mul3A_6, %mul3A_18 : vector<256x16xf32>
    %swap3A = arith.constant 0 : index
    %swap3A_20 = arith.constant 0 : index
    %swap3A_21 = vector.load %arg4[%swap3A, %swap3A_20] : memref<256x16xf32, #tpu.memory_space<vmem>>, vector<256x16xf32>
    tpu.vector_store %arg4[%swap3A, %swap3A_20], %add3A_19 {strides = array<i32>} : memref<256x16xf32, #tpu.memory_space<vmem>>, vector<256x16xf32>,
    return
  }
  func.func @transform_0(%arg0: i32) -> (i32, i32) {
    %c0_i32 = arith.constant 0 : i32
    %c0_i32_0 = arith.constant 0 : i32
    %c0_i32_1 = arith.constant 0 : i32
    return %c0_i32, %c0_i32_0 : i32, i32
  }
  func.func @transform_1(%arg0: i32) -> (i32, i32) {
    %c0_i32 = arith.constant 0 : i32
    %c0_i32_0 = arith.constant 0 : i32
    return %arg0, %c0_i32 : i32, i32
  }
  func.func @transform_2(%arg0: i32) -> (i32, i32, i32) {
    %c0_i32 = arith.constant 0 : i32
    %c0_i32_0 = arith.constant 0 : i32
    %c0_i32_1 = arith.constant 0 : i32
    return %c0_i32, %arg0, %c0_i32_0 : i32, i32, i32
  }
  func.func @transform_3(%arg0: i32) -> (i32, i32) {
    %c0_i32 = arith.constant 0 : i32
    %c0_i32_0 = arith.constant 0 : i32
    return %arg0, %c0_i32 : i32, i32
  }
}

</mosaic_0001>

<sc_bundles>
// kernel: kernel.10.cloned.1.call-start
scs
__scs_entry_jumppad:
0x0: {  	(pc) =	sbr.rel $0x88, $3  }
0x1: {  	(tag) =	ssettag $0x0;
	lr =	simm.s32 $0x1  }
0x2: {  	[smem:$0x3F98] =	sst lr;
	_ =	strace $0xD0000000  }
0x3: {  	_ = 	snop  }
0x4: {  	_ = 	snop  }
0x5: {  	_ = 	snop  }
0x6: {  	_ = 	snop  }
0x7: {  	_ = 	snop  }
__scs_overlays_trampoline_lowered:
0x8: {  	[smem:$0x3FA7] =	sst s0  }
0x9: {  	[smem:$0x3FA8] =	sst s1  }
0xa: {  	[smem:$0x3FA9] =	sst s2  }
0xb: {  	[smem:$0x3FAA] =	sst s3  }
0xc: {  	[smem:$0x3FAB] =	sst s4  }
0xd: {  	[smem:$0x3FAC] =	sst s5  }
0xe: {  	[smem:$0x3FAD] =	sst s6  }
0xf: {  	[smem:$0x3FAE] =	sst s7  }
0x10: {  	[smem:$0x3FAF] =	sst s8  }
0x11: {  	[smem:$0x3FB0] =	sst s9;
	s0 =	simm.s32 @!p0 $0x0  }
0x12: {  	s1 =	sld [smem:$0x3F96];
	s0 =	simm.s32 @p0 $0x1  }
0x13: {  	[smem:$0x3FB1] =	sst s0;
	s0 =	simm.s32 @!p1 $0x0  }
0x14: {  	s2 =	sld [smem:$0x3F95];
	s0 =	simm.s32 @p1 $0x1  }
0x15: {  	[smem:$0x3FB2] =	sst s0;
	s0 =	simm.s32 @!p2 $0x0  }
0x16: {  	s3 =	sld [smem:$0x3FDB];
	s0 =	simm.s32 @p2 $0x1  }
0x17: {  	s4 =	simm.s32 $0x1BF5;
	[smem:$0x3FB4] =	sst s0  }
0x18: {  	s0 =	sld [smem:$0x3F97];
	_ =	swait.ge [sflag:s4], $0x0  }
0x19: {  	s7 =	sld [smem:$0x3F98]  }
0x1a: {  	s8 =	sadd.s32 $0xFFFFE003, lr  }
0x1b: {  	s9 =	sadd.s32 $0xFFFFFEF7, lr;
	s5 =	simm.s32 $0xFFFFFFFF;
	p2 =	slt.u32 s8, $0xFFFFF086  }
0x1c: {  	p1 =	slt.u32 s9, $0xF7A;
	s5 =	simm.s32 @!p2 $0x0  }
0x1d: {  	s5 =	simm.s32 @p1 $0x1;
	p0 =	seq.s32 s7, s2  }
0x1e: {  	s7 =	smul.u32 @!p0 $0xF7A, s2;
	p2 =	seq.s32 @!p0 s5, $0x0  }
0x1f: {  	s9 =	smul.u32 $0xF7A, s1;
	s8 =	simm.s32 @!p0 $0x1BF5;
	p2 =	por !p2, p0  }
0x20: {  	[sflag:s8] =	ssyncset.s32 @!p0 $0xFFFFF086;
	s6 =	sadd.s32 @!p0 s3, s7;
	s7 =	simm.s32 @!p0 $0x108  }
0x21: {  	s3 =	sadd.s32 s3, s9;
	s6 =	sadd.s32 @!p0 $0x88, s6;
	s7 =	simm.s32 @p2 $0x1082  }
0x22: {  	[simem:s7], [sflag:s8] =	dma.local @!p0 [hbm:s6], $0xF7A  }
0x23: {  	s9 =	sor.u32 $0xD0000000, s2;
	s6 =	simm.s32 $0x108;
	_ =	swait.ge @!p0 [sflag:s8], $0x0  }
0x24: {  	s3 =	sadd.s32 $0x88, s3;
	s6 =	simm.s32 @!p1 $0x1082;
	[sflag:s4] =	ssyncset.s32 $0xFFFFF086  }
0x25: {  	[simem:s6], [sflag:s4] =	dma.local [hbm:s3], $0xF7A  }
0x26: {  	[smem:$0x3F98] =	sst s1;
	(tag) =	ssettag s2;
	_ =	strace s9  }
0x27: {  	s1 =	sld [smem:$0x3FA8]  }
0x28: {  	s2 =	sld [smem:$0x3FA9]  }
0x29: {  	s4 =	sld [smem:$0x3FAB]  }
0x2a: {  	p0 =	seq.s32 s5, $0x0;
	s5 =	sld [smem:$0x3FAC]  }
0x2b: {  	s6 =	sld [smem:$0x3FAD]  }
0x2c: {  	s7 =	sld [smem:$0x3FAE]  }
0x2d: {  	s3 =	simm.s32 $0x108;
	s8 =	sld [smem:$0x3FAF]  }
0x2e: {  	s3 =	simm.s32 @!p0 $0x1082;
	s9 =	sld [smem:$0x3FB0]  }
0x2f: {  	lr =	sadd.s32 s0, s3;
	s0 =	sld [smem:$0x3FA7]  }
0x30: {  	s3 =	sld [smem:$0x3FAA]  }
0x31: {  	[smem:$0x3FB3] =	sst s10  }
0x32: {  	s10 =	sld [smem:$0x3FB1];
	_ =	sdelay $0x3  }
0x33: {  	p0 =	seq.s32 s10, $0x1;
	s10 =	sld [smem:$0x3FB3];
	_ =	sdelay $0x3  }
0x34: {  	[smem:$0x3FB3] =	sst s10  }
0x35: {  	s10 =	sld [smem:$0x3FB2];
	_ =	sdelay $0x3  }
0x36: {  	p1 =	seq.s32 s10, $0x1;
	s10 =	sld [smem:$0x3FB3];
	_ =	sdelay $0x3  }
0x37: {  	[smem:$0x3FB3] =	sst s10  }
0x38: {  	s10 =	sld [smem:$0x3FB4]  }
0x39: {  	_ = 	snop;
	(pc) =	sbr.ind lr, $3  }
0x3a: {  	_ = 	snop  }
0x3b: {  	_ = 	snop  }
0x3c: {  	p2 =	seq.s32 s10, $0x1;
	s10 =	sld [smem:$0x3FB3]  }
0x3d: {  	_ =	shalt  }
0x3e: {  	_ =	shalt  }
0x3f: {  	_ =	shalt  }
0x40: {  	_ =	shalt  }
0x41: {  	_ =	shalt  }
0x42: {  	_ =	shalt  }
0x43: {  	_ =	shalt  }
0x44: {  	_ =	shalt  }
0x45: {  	_ =	shalt  }
0x46: {  	_ =	shalt  }
0x47: {  	_ =	shalt  }
0x48: {  	_ =	shalt  }
0x49: {  	_ =	shalt  }
0x4a: {  	_ =	shalt  }
0x4b: {  	_ =	shalt  }
0x4c: {  	_ =	shalt  }
0x4d: {  	_ =	shalt  }
0x4e: {  	_ =	shalt  }
0x4f: {  	_ =	shalt  }
0x50: {  	_ =	shalt  }
0x51: {  	_ =	shalt  }
0x52: {  	_ =	shalt  }
0x53: {  	_ =	shalt  }
0x54: {  	_ =	shalt  }
0x55: {  	_ =	shalt  }
0x56: {  	_ =	shalt  }
0x57: {  	_ =	shalt  }
0x58: {  	_ =	shalt  }
0x59: {  	_ =	shalt  }
0x5a: {  	_ =	shalt  }
0x5b: {  	_ =	shalt  }
0x5c: {  	_ =	shalt  }
0x5d: {  	_ =	shalt  }
0x5e: {  	_ =	shalt  }
0x5f: {  	_ =	shalt  }
0x60: {  	_ =	shalt  }
0x61: {  	_ =	shalt  }
0x62: {  	_ =	shalt  }
0x63: {  	_ =	shalt  }
0x64: {  	_ =	shalt  }
0x65: {  	_ =	shalt  }
0x66: {  	_ =	shalt  }
0x67: {  	_ =	shalt  }
0x68: {  	_ =	shalt  }
0x69: {  	_ =	shalt  }
0x6a: {  	_ =	shalt  }
0x6b: {  	_ =	shalt  }
0x6c: {  	_ =	shalt  }
0x6d: {  	_ =	shalt  }
0x6e: {  	_ =	shalt  }
0x6f: {  	_ =	shalt  }
0x70: {  	_ =	shalt  }
0x71: {  	_ =	shalt  }
0x72: {  	_ =	shalt  }
0x73: {  	_ =	shalt  }
0x74: {  	_ =	shalt  }
0x75: {  	_ =	shalt  }
0x76: {  	_ =	shalt  }
0x77: {  	_ =	shalt  }
0x78: {  	_ =	shalt  }
0x79: {  	_ =	shalt  }
0x7a: {  	_ =	shalt  }
0x7b: {  	_ =	shalt  }
0x7c: {  	_ =	shalt  }
0x7d: {  	_ =	shalt  }
0x7e: {  	_ =	shalt  }
0x7f: {  	_ =	shalt  }
0x80: {  	_ =	shalt  }
0x81: {  	_ =	shalt  }
0x82: {  	_ =	shalt  }
0x83: {  	_ =	shalt  }
0x84: {  	_ =	shalt  }
0x85: {  	_ =	shalt  }
0x86: {  	_ =	shalt  }
0x87: {  	_ =	shalt  }
.Lfunc_end0:
.L_simem_size_0:
called_computation_lowered:
.L_overlay_start_0:
0x88: {  	s2 =	sld [smem:$0x3FD9]  }
0x89: {  	s3 =	sld [smem:$0x3FFE];
	_ =	sdelay $0x1  }
0x8a: {  	s1 =	srdreg.scid  }
0x8b: {  	s0 =	sand.u32 $0x1, s1  }
0x8c: {  	s16 =	sshll.u32 s0, $0xA;
	s2 =	sadd.s32 s3, s2  }
0x8d: {  	s2 =	sadd.s32 s2, s16  }
0x8e: {  	[smem:$0x3FBF] =	sst s2  }
0x8f: {  	_ = 	snop  }
0x90: {  	(tm) =	ssettm $0x1  }
0x91: {  	s17 =	sld [smem:$0x3FFB];
	_ =	sdelay $0x3  }
0x92: {  	_ =	strace s17  }
0x93: {  	s2 =	sld [smem:$0x3FFC];
	_ =	sdelay $0x3  }
0x94: {  	_ =	strace s2  }
0x95: {  	s2 =	sld [smem:$0x3FFD];
	_ =	sdelay $0x3  }
0x96: {  	_ =	strace s2  }
0x97: {  	_ =	strace $0x8FFFFFFF  }
0x98: {  	s18 =	sld [smem:$0x3FDB];
	_ =	sdelay $0x1  }
0x99: {  	s19 =	simm.s32 $_scs_section_size  }
0x9a: {  	s4 =	simm.s32 $_size__tile_overlayer_lowered;
	s5 =	simm.s32 $_tile_overlayer_lowered  }
0x9b: {  	s22 =	simm.s32 $0x1BFF;
	s21 =	sshll.u32 s5, $0x1;
	s2 =	sadd.s32 s19, s18  }
0x9c: {  	s6 =	simm.s32 $0x0;
	s20 =	sshll.u32 s4, $0x1;
	s4 =	sadd.s32 s21, s2  }
0x9d: {  	[timem:s6], [sflag:s22] =	dma.local [hbm:s4], s20  }
0x9e: {  	_ =	swait.ge [sflag:s22], s20  }
0x9f: {  	s3 =	ssub.s32 $0x0, s20;
	[sflag:s22] =	ssyncset.done $0x0  }
0xa0: {  	[sflag:s22] =	ssyncadd.s32 s3;
	_ =	sdelay $0x1  }
0xa1: {  	s23 =	simm.s32 $0x1B8B  }
0xa2: {  	_ =	swait.ge [sflag:s23], $0x1  }
0xa3: {  	[sflag:s23] =	ssyncset.done $0x0  }
0xa4: {  	s25 =	simm.s32 $0x1B8E;
	s24 =	sld [smem:$0x3FFE];
	[sflag:s23] =	ssyncadd.s32 $0xFFFFFFFF  }
0xa5: {  	s26 =	simm.s32 $execute0_lowered;
	[smem:$0x3FD2] =	sst s25  }
0xa6: {  	s4 =	sshll.u32 s26, $0x1;
	_ =	strace $0x80000046;
	[dreg:$0x1] =	wrdreg $0xFFFFFFFF  }
0xa7: {  	s28 =	simm.s32 $_size_execute0_lowered;
	s2 =	sadd.s32 s2, s4;
	[dreg:$0x0] =	wrdreg $0x0  }
0xa8: {  	s4 =	sshll.u32 s28, $0x1;
	[dreg:$0x2] =	wrdreg s2  }
0xa9: {  	[dreg:$0x3] =	wrdreg s4  }
0xaa: {  	[dreg:$0x4] =	wrdreg $0xC0  }
0xab: {  	_ =	task [dreg:s6], $0x5FFFF  }
0xac: {  	[dreg:$0x1] =	wrdreg $0xFFFFFFFF  }
0xad: {  	[dreg:$0x0] =	wrdreg $0x60  }
0xae: {  	[dreg:$0x2] =	wrdreg s24  }
0xaf: {  	[dreg:$0x3] =	wrdreg $0x30000  }
0xb0: {  	[dreg:$0x4] =	wrdreg $0x9  }
0xb1: {  	_ =	task.clear_ibuf [dreg:s6], $0x5FFFF;
	_ =	strace $0x90000046  }
0xb2: {  	s29 =	simm.s32 $0x9;
	_ =	strace $0x80000048  }
0xb3: {  	_ =	swait.ge [sflag:s29], $0x1  }
0xb4: {  	[sflag:s29] =	ssyncadd.s32 $0xFFFFFFFF  }
0xb5: {  	_ =	strace $0x90000048  }
0xb6: {  	_ =	sfence  }
0xb7: {  	s30 =	sld [smem:$0x0];
	_ =	sdelay $0x2  }
0xb8: {  	s31 =	sshll.u32 s1, $0xD;
	s1 =	sshrl.u32 s1, $0x2  }
0xb9: {  	s3 =	sand.u32 $0x4000, s31;
	s1 =	sadd.s32 s1, s30  }
0xba: {  	s0 =	sor.u32 s3, s0;
	s1 =	sshll.u32 s1, $0x11  }
0xbb: {  	s0 =	sor.u32 s1, s0  }
0xbc: {  	s0 =	sadd.s32 $0x8F2B, s0  }
0xbd: {  	[sflag:s0] =	ssyncadd.remote.s32 $0x1  }
0xbe: {  	_ =	sfence.sel $0xFFFF  }
0xbf: {  	[dreg:$0x0] =	wrdreg $0xFFFFFFFF;
	(pc) =	sbr.abs _section_cstart, $3  }
0xc0: {  	[dreg:$0x1] =	wrdreg $0xFFFFFFFF  }
0xc1: {  	_ =	task.clear_ibuf [dreg:s6], $0x2FFFF;
	_ =	strace $0x9FFFFFFF  }
0xc2: {  	(tm) =	ssettm $0x7FFFFFFF  }
0xc3: {  	_ =	shalt  }
tec
execute0_lowered:
.L_overlay_start_1:
0x0: {  	(tag) =	ssettag $0x1  }
0x1: {  	s6 =	rddreg [dreg:$0x0]  }
0x2: {  	s0 =	srdreg.scid;
	s2 =	rddreg [dreg:$0x1]  }
0x3: {  	s3 =	simm.s32 $0x0;
	s13 =	simm.s32 $0x80;
	s14 =	simm.s32 $0x0  }
0x4: {  	s5 =	sand.u32 $0x1, s0;
	s0 =	stileid.u32;
	[smem:$0x7FF] =	sst s3  }
0x5: {  	s4 =	sadd.s32 $0x2EA00, s6;
	s1 =	sshll.u32 s5, $0x4;
	s8 =	smul.u32 $0x2800, s0  }
0x6: {  	s9 =	smul.u32 $0x28000, s5;
	s5 =	ssub.s32 $0x2, s5;
	s1 =	sor.u32 s0, s1  }
0x7: {  	s31 =	sshll.u32 s0, $0x6;
	s11 =	sshrl.u32 s5, $0x1;
	s7 =	smul.u32 $0x500, s1  }
0x8: {  	s1 =	rddreg [dreg:$0x2];
	_ =	strace $0x80000047;
	s9 =	sadd.s32 s8, s9  }
0x9: {  	s10 =	sshrl.u32 s8, $0x3;
	s11 =	ssub.s32 s5, s11;
	s12 =	sadd.s32 s8, s2  }
0xa: {  	s9 =	sshrl.u32 s9, $0x3;
	s10 =	sadd.s32 s10, s6;
	s7 =	sadd.s32 s7, s6  }
0xb: {  	s9 =	sadd.s32 s9, s6;
	s5 =	sadd.s32 $0x29A00, s10;
	s6 =	sor.u32 $0x1C01, s31  }
0xc: {  	s10 =	sshrl.u32 s12, $0x3;
	s12 =	simm.s32 $0x2800;
	s7 =	sadd.s32 $0xBA00, s7  }
0xd: {  	s8 =	sadd.s32 $0x33A00, s9;
	s9 =	smax.u32 s11, $0x1;
	s11 =	simm.s32 $0x1  }
.LBB2_1:
0xe: {  	[spmem:s10], [sflag:s6] =	dma.local [hbm:s5], $0x500  }
0xf: {  	_ =	swait.ge [sflag:s11], $0x500  }
0x10: {  	[sflag:s11] =	ssyncset.done $0x0  }
0x11: {  	[sflag:s11] =	ssyncadd.s32 $0xFFFFFB00  }
0x12: {  	[tilespmem:s3], [sflag:$0x1] =	stream.linear.gather [hbm4b:s7+s3], $0x2800, $0x38;
	[tilespmem:$0x5800] =	vst v63  }
0x13: {  	_ =	swait.ge [sflag:s11], $0x2800  }
0x14: {  	[sflag:s11] =	ssyncset.done $0x0  }
0x15: {  	[sflag:s11] =	ssyncadd.s32 $0xFFFFD800  }
0x16: {  	[tilespmem:s12], [sflag:$0x1] =	stream.linear.gather [hbm4b:s4+s3], $0x800, $0x38;
	[tilespmem:$0x5800] =	vst v63  }
0x17: {  	_ =	swait.ge [sflag:s11], $0x800  }
0x18: {  	[sflag:s11] =	ssyncset.done $0x0  }
0x19: {  	[sflag:s11] =	ssyncadd.s32 $0xFFFFF800  }
0x1a: {  	s15 =	simm.s32 $0x0;
	[bflag:$0x0] =	sbarrier.arrive $0xFFFF  }
0x1b: {  	[spmem:s2] =	stream.indirect.scatter.add.f32 [tilespmem:s12], [sflag:$0x1], $0x10, s15, s13, $0xb8;
	[tilespmem:$0x5800] =	vst v63  }
0x1c: {  	_ =	swait.ge [sflag:s11], $0x800  }
0x1d: {  	s15 =	simm.s32 $0x200;
	[sflag:s11] =	ssyncset.done $0x0  }
.LBB2_2:
0x1e: {  	s16 =	sshra.s32 s15, $0x2;
	[sflag:s11] =	ssyncadd.s32 $0xFFFFF800;
	p0 =	sne.s32 s15, $0x9E00  }
0x1f: {  	[spmem:s2] =	stream.indirect.scatter.add.f32 [tilespmem:s12], [sflag:$0x1], $0x10, s16, s13, $0xb8;
	[tilespmem:$0x5800] =	vst v63  }
.Ltmp0:
0x20: {  	_ = 	snop;
	(pc) =	sbr.rel @p0 .LBB2_2-.Ltmp0, $4  }
0x21: {  	_ = 	snop  }
0x22: {  	s15 =	sadd.s32 $0x200, s15  }
0x23: {  	_ =	swait.ge [sflag:s11], $0x800  }
0x24: {  	[sflag:s11] =	ssyncset.done $0x0  }
0x25: {  	s14 =	sadd.s32 $0x1, s14  }
0x26: {  	[sflag:s11] =	ssyncadd.s32 $0xFFFFF800;
	p0 =	sne.s32 s14, s9  }
.Ltmp1:
0x27: {  	[bflag:$0x0] =	sbarrier.arrive $0xFFFF;
	(pc) =	sbr.rel @p0 .LBB2_1-.Ltmp1, $4  }
0x28: {  	[hbm:s8], [sflag:s6] =	dma.local [spmem:s10], $0x500  }
0x29: {  	_ =	swait.ge [sflag:s11], $0x500  }
0x2a: {  	[sflag:s11] =	ssyncset.done $0x0  }
0x2b: {  	[sflag:s11] =	ssyncadd.s32 $0xFFFFFB00  }
0x2c: {  	_ =	sfence.sel $0x180000  }
0x2d: {  	[bflag:$0x0] =	sbarrier.arrive $0xFFFF  }
0x2e: {  	p0 =	sne.s32 s0, $0x0;
	_ =	strace $0x90000047  }
0x2f: {  	s0 =	sadd.s32 @!p0 $0x100000, s1;
	[bflag:$0x2] =	sbarrier.arrive $0xFFFF  }
0x30: {  	[sflag:s0] =	ssyncadd.tile.s32 @!p0 $0x1;
	_ =	shalt  }
.Lfunc_end2:
_tile_overlayer_lowered:
.L_overlay_start_2:
0x31: {  	(tag) =	ssettag $0x2  }
0x32: {  	s0 =	rddreg [dreg:$0x0];
	s2 =	stileid.u32  }
0x33: {  	s1 =	rddreg [dreg:$0x1];
	p0 =	sne.s32 s2, $0x0  }
0x34: {  	s3 =	rddreg [dreg:$0x2];
	[bflag:$0x3] =	sbarrier.arrive $0xFFFF;
	s2 =	simm.s32 @!p0 $0x1C01  }
0x35: {  	[timem:s3], [sflag:s2] =	dma.local @!p0 [hbm:s0], s1  }
0x36: {  	s0 =	simm.s32 @!p0 $0x1  }
0x37: {  	_ =	swait.ge @!p0 [sflag:s0], s1  }
0x38: {  	s1 =	ssub.s32 @!p0 $0x0, s1;
	[sflag:s0] =	ssyncset.done @!p0 $0x0  }
0x39: {  	[sflag:s0] =	ssyncadd.s32 @!p0 s1  }
0x3a: {  	[bflag:$0x3] =	sbarrier.arrive $0xFFFF  }
0x3b: {  	_ =	shalt  }

// kernel: kernel.13.cloned.1.call-start
scs
__scs_entry_jumppad:
0x0: {  	(pc) =	sbr.rel $0x88, $3  }
0x1: {  	(tag) =	ssettag $0x0;
	lr =	simm.s32 $0x1  }
0x2: {  	[smem:$0x3F98] =	sst lr;
	_ =	strace $0xD0000000  }
0x3: {  	_ = 	snop  }
0x4: {  	_ = 	snop  }
0x5: {  	_ = 	snop  }
0x6: {  	_ = 	snop  }
0x7: {  	_ = 	snop  }
__scs_overlays_trampoline_lowered:
0x8: {  	[smem:$0x3FA7] =	sst s0  }
0x9: {  	[smem:$0x3FA8] =	sst s1  }
0xa: {  	[smem:$0x3FA9] =	sst s2  }
0xb: {  	[smem:$0x3FAA] =	sst s3  }
0xc: {  	[smem:$0x3FAB] =	sst s4  }
0xd: {  	[smem:$0x3FAC] =	sst s5  }
0xe: {  	[smem:$0x3FAD] =	sst s6  }
0xf: {  	[smem:$0x3FAE] =	sst s7  }
0x10: {  	[smem:$0x3FAF] =	sst s8  }
0x11: {  	[smem:$0x3FB0] =	sst s9;
	s0 =	simm.s32 @!p0 $0x0  }
0x12: {  	s1 =	sld [smem:$0x3F96];
	s0 =	simm.s32 @p0 $0x1  }
0x13: {  	[smem:$0x3FB1] =	sst s0;
	s0 =	simm.s32 @!p1 $0x0  }
0x14: {  	s2 =	sld [smem:$0x3F95];
	s0 =	simm.s32 @p1 $0x1  }
0x15: {  	[smem:$0x3FB2] =	sst s0;
	s0 =	simm.s32 @!p2 $0x0  }
0x16: {  	s3 =	sld [smem:$0x3FDB];
	s0 =	simm.s32 @p2 $0x1  }
0x17: {  	s4 =	simm.s32 $0x1BF5;
	[smem:$0x3FB4] =	sst s0  }
0x18: {  	s0 =	sld [smem:$0x3F97];
	_ =	swait.ge [sflag:s4], $0x0  }
0x19: {  	s7 =	sld [smem:$0x3F98]  }
0x1a: {  	s8 =	sadd.s32 $0xFFFFE003, lr  }
0x1b: {  	s9 =	sadd.s32 $0xFFFFFEF7, lr;
	s5 =	simm.s32 $0xFFFFFFFF;
	p2 =	slt.u32 s8, $0xFFFFF086  }
0x1c: {  	p1 =	slt.u32 s9, $0xF7A;
	s5 =	simm.s32 @!p2 $0x0  }
0x1d: {  	s5 =	simm.s32 @p1 $0x1;
	p0 =	seq.s32 s7, s2  }
0x1e: {  	s7 =	smul.u32 @!p0 $0xF7A, s2;
	p2 =	seq.s32 @!p0 s5, $0x0  }
0x1f: {  	s9 =	smul.u32 $0xF7A, s1;
	s8 =	simm.s32 @!p0 $0x1BF5;
	p2 =	por !p2, p0  }
0x20: {  	[sflag:s8] =	ssyncset.s32 @!p0 $0xFFFFF086;
	s6 =	sadd.s32 @!p0 s3, s7;
	s7 =	simm.s32 @!p0 $0x108  }
0x21: {  	s3 =	sadd.s32 s3, s9;
	s6 =	sadd.s32 @!p0 $0x88, s6;
	s7 =	simm.s32 @p2 $0x1082  }
0x22: {  	[simem:s7], [sflag:s8] =	dma.local @!p0 [hbm:s6], $0xF7A  }
0x23: {  	s9 =	sor.u32 $0xD0000000, s2;
	s6 =	simm.s32 $0x108;
	_ =	swait.ge @!p0 [sflag:s8], $0x0  }
0x24: {  	s3 =	sadd.s32 $0x88, s3;
	s6 =	simm.s32 @!p1 $0x1082;
	[sflag:s4] =	ssyncset.s32 $0xFFFFF086  }
0x25: {  	[simem:s6], [sflag:s4] =	dma.local [hbm:s3], $0xF7A  }
0x26: {  	[smem:$0x3F98] =	sst s1;
	(tag) =	ssettag s2;
	_ =	strace s9  }
0x27: {  	s1 =	sld [smem:$0x3FA8]  }
0x28: {  	s2 =	sld [smem:$0x3FA9]  }
0x29: {  	s4 =	sld [smem:$0x3FAB]  }
0x2a: {  	p0 =	seq.s32 s5, $0x0;
	s5 =	sld [smem:$0x3FAC]  }
0x2b: {  	s6 =	sld [smem:$0x3FAD]  }
0x2c: {  	s7 =	sld [smem:$0x3FAE]  }
0x2d: {  	s3 =	simm.s32 $0x108;
	s8 =	sld [smem:$0x3FAF]  }
0x2e: {  	s3 =	simm.s32 @!p0 $0x1082;
	s9 =	sld [smem:$0x3FB0]  }
0x2f: {  	lr =	sadd.s32 s0, s3;
	s0 =	sld [smem:$0x3FA7]  }
0x30: {  	s3 =	sld [smem:$0x3FAA]  }
0x31: {  	[smem:$0x3FB3] =	sst s10  }
0x32: {  	s10 =	sld [smem:$0x3FB1];
	_ =	sdelay $0x3  }
0x33: {  	p0 =	seq.s32 s10, $0x1;
	s10 =	sld [smem:$0x3FB3];
	_ =	sdelay $0x3  }
0x34: {  	[smem:$0x3FB3] =	sst s10  }
0x35: {  	s10 =	sld [smem:$0x3FB2];
	_ =	sdelay $0x3  }
0x36: {  	p1 =	seq.s32 s10, $0x1;
	s10 =	sld [smem:$0x3FB3];
	_ =	sdelay $0x3  }
0x37: {  	[smem:$0x3FB3] =	sst s10  }
0x38: {  	s10 =	sld [smem:$0x3FB4]  }
0x39: {  	_ = 	snop;
	(pc) =	sbr.ind lr, $3  }
0x3a: {  	_ = 	snop  }
0x3b: {  	_ = 	snop  }
0x3c: {  	p2 =	seq.s32 s10, $0x1;
	s10 =	sld [smem:$0x3FB3]  }
0x3d: {  	_ =	shalt  }
0x3e: {  	_ =	shalt  }
0x3f: {  	_ =	shalt  }
0x40: {  	_ =	shalt  }
0x41: {  	_ =	shalt  }
0x42: {  	_ =	shalt  }
0x43: {  	_ =	shalt  }
0x44: {  	_ =	shalt  }
0x45: {  	_ =	shalt  }
0x46: {  	_ =	shalt  }
0x47: {  	_ =	shalt  }
0x48: {  	_ =	shalt  }
0x49: {  	_ =	shalt  }
0x4a: {  	_ =	shalt  }
0x4b: {  	_ =	shalt  }
0x4c: {  	_ =	shalt  }
0x4d: {  	_ =	shalt  }
0x4e: {  	_ =	shalt  }
0x4f: {  	_ =	shalt  }
0x50: {  	_ =	shalt  }
0x51: {  	_ =	shalt  }
0x52: {  	_ =	shalt  }
0x53: {  	_ =	shalt  }
0x54: {  	_ =	shalt  }
0x55: {  	_ =	shalt  }
0x56: {  	_ =	shalt  }
0x57: {  	_ =	shalt  }
0x58: {  	_ =	shalt  }
0x59: {  	_ =	shalt  }
0x5a: {  	_ =	shalt  }
0x5b: {  	_ =	shalt  }
0x5c: {  	_ =	shalt  }
0x5d: {  	_ =	shalt  }
0x5e: {  	_ =	shalt  }
0x5f: {  	_ =	shalt  }
0x60: {  	_ =	shalt  }
0x61: {  	_ =	shalt  }
0x62: {  	_ =	shalt  }
0x63: {  	_ =	shalt  }
0x64: {  	_ =	shalt  }
0x65: {  	_ =	shalt  }
0x66: {  	_ =	shalt  }
0x67: {  	_ =	shalt  }
0x68: {  	_ =	shalt  }
0x69: {  	_ =	shalt  }
0x6a: {  	_ =	shalt  }
0x6b: {  	_ =	shalt  }
0x6c: {  	_ =	shalt  }
0x6d: {  	_ =	shalt  }
0x6e: {  	_ =	shalt  }
0x6f: {  	_ =	shalt  }
0x70: {  	_ =	shalt  }
0x71: {  	_ =	shalt  }
0x72: {  	_ =	shalt  }
0x73: {  	_ =	shalt  }
0x74: {  	_ =	shalt  }
0x75: {  	_ =	shalt  }
0x76: {  	_ =	shalt  }
0x77: {  	_ =	shalt  }
0x78: {  	_ =	shalt  }
0x79: {  	_ =	shalt  }
0x7a: {  	_ =	shalt  }
0x7b: {  	_ =	shalt  }
0x7c: {  	_ =	shalt  }
0x7d: {  	_ =	shalt  }
0x7e: {  	_ =	shalt  }
0x7f: {  	_ =	shalt  }
0x80: {  	_ =	shalt  }
0x81: {  	_ =	shalt  }
0x82: {  	_ =	shalt  }
0x83: {  	_ =	shalt  }
0x84: {  	_ =	shalt  }
0x85: {  	_ =	shalt  }
0x86: {  	_ =	shalt  }
0x87: {  	_ =	shalt  }
.Lfunc_end0:
.L_simem_size_0:
called_computation.1_lowered:
.L_overlay_start_0:
0x88: {  	s2 =	sld [smem:$0x3FD9]  }
0x89: {  	s3 =	sld [smem:$0x3FFE];
	_ =	sdelay $0x1  }
0x8a: {  	s1 =	srdreg.scid  }
0x8b: {  	s0 =	sand.u32 $0x1, s1  }
0x8c: {  	s16 =	sshll.u32 s0, $0xA;
	s2 =	sadd.s32 s3, s2  }
0x8d: {  	s2 =	sadd.s32 s2, s16  }
0x8e: {  	[smem:$0x3FBF] =	sst s2  }
0x8f: {  	_ = 	snop  }
0x90: {  	(tm) =	ssettm $0x1  }
0x91: {  	s17 =	sld [smem:$0x3FFB];
	_ =	sdelay $0x3  }
0x92: {  	_ =	strace s17  }
0x93: {  	s2 =	sld [smem:$0x3FFC];
	_ =	sdelay $0x3  }
0x94: {  	_ =	strace s2  }
0x95: {  	s2 =	sld [smem:$0x3FFD];
	_ =	sdelay $0x3  }
0x96: {  	_ =	strace s2  }
0x97: {  	_ =	strace $0x8FFFFFFF  }
0x98: {  	s18 =	sld [smem:$0x3FDB];
	_ =	sdelay $0x1  }
0x99: {  	s19 =	simm.s32 $_scs_section_size  }
0x9a: {  	s4 =	simm.s32 $_size__tile_overlayer_lowered;
	s5 =	simm.s32 $_tile_overlayer_lowered  }
0x9b: {  	s22 =	simm.s32 $0x1BFF;
	s21 =	sshll.u32 s5, $0x1;
	s2 =	sadd.s32 s19, s18  }
0x9c: {  	s6 =	simm.s32 $0x0;
	s20 =	sshll.u32 s4, $0x1;
	s4 =	sadd.s32 s21, s2  }
0x9d: {  	[timem:s6], [sflag:s22] =	dma.local [hbm:s4], s20  }
0x9e: {  	_ =	swait.ge [sflag:s22], s20  }
0x9f: {  	s3 =	ssub.s32 $0x0, s20;
	[sflag:s22] =	ssyncset.done $0x0  }
0xa0: {  	[sflag:s22] =	ssyncadd.s32 s3;
	_ =	sdelay $0x1  }
0xa1: {  	s23 =	simm.s32 $0x1B8B  }
0xa2: {  	_ =	swait.ge [sflag:s23], $0x1  }
0xa3: {  	[sflag:s23] =	ssyncset.done $0x0  }
0xa4: {  	s25 =	simm.s32 $0x1B8E;
	s24 =	sld [smem:$0x3FFE];
	[sflag:s23] =	ssyncadd.s32 $0xFFFFFFFF  }
0xa5: {  	s26 =	simm.s32 $execute0_lowered;
	[smem:$0x3FD2] =	sst s25  }
0xa6: {  	s4 =	sshll.u32 s26, $0x1;
	_ =	strace $0x80000049;
	[dreg:$0x1] =	wrdreg $0xFFFFFFFF  }
0xa7: {  	s28 =	simm.s32 $_size_execute0_lowered;
	s2 =	sadd.s32 s2, s4;
	[dreg:$0x0] =	wrdreg $0x0  }
0xa8: {  	s4 =	sshll.u32 s28, $0x1;
	[dreg:$0x2] =	wrdreg s2  }
0xa9: {  	[dreg:$0x3] =	wrdreg s4  }
0xaa: {  	[dreg:$0x4] =	wrdreg $0xC0  }
0xab: {  	_ =	task [dreg:s6], $0x5FFFF  }
0xac: {  	[dreg:$0x1] =	wrdreg $0xFFFFFFFF  }
0xad: {  	[dreg:$0x0] =	wrdreg $0x60  }
0xae: {  	[dreg:$0x2] =	wrdreg s24  }
0xaf: {  	[dreg:$0x3] =	wrdreg $0xA8000  }
0xb0: {  	[dreg:$0x4] =	wrdreg $0x9  }
0xb1: {  	_ =	task.clear_ibuf [dreg:s6], $0x5FFFF;
	_ =	strace $0x90000049  }
0xb2: {  	s29 =	simm.s32 $0x9;
	_ =	strace $0x8000004B  }
0xb3: {  	_ =	swait.ge [sflag:s29], $0x1  }
0xb4: {  	[sflag:s29] =	ssyncadd.s32 $0xFFFFFFFF  }
0xb5: {  	_ =	strace $0x9000004B  }
0xb6: {  	_ =	sfence  }
0xb7: {  	s30 =	sld [smem:$0x0];
	_ =	sdelay $0x2  }
0xb8: {  	s31 =	sshll.u32 s1, $0xD;
	s1 =	sshrl.u32 s1, $0x2  }
0xb9: {  	s3 =	sand.u32 $0x4000, s31;
	s1 =	sadd.s32 s1, s30  }
0xba: {  	s0 =	sor.u32 s3, s0;
	s1 =	sshll.u32 s1, $0x11  }
0xbb: {  	s0 =	sor.u32 s1, s0  }
0xbc: {  	s0 =	sadd.s32 $0x8F2B, s0  }
0xbd: {  	[sflag:s0] =	ssyncadd.remote.s32 $0x1  }
0xbe: {  	_ =	sfence.sel $0xFFFF  }
0xbf: {  	[dreg:$0x0] =	wrdreg $0xFFFFFFFF;
	(pc) =	sbr.abs _section_cstart, $3  }
0xc0: {  	[dreg:$0x1] =	wrdreg $0xFFFFFFFF  }
0xc1: {  	_ =	task.clear_ibuf [dreg:s6], $0x2FFFF;
	_ =	strace $0x9FFFFFFF  }
0xc2: {  	(tm) =	ssettm $0x7FFFFFFF  }
0xc3: {  	_ =	shalt  }
tec
execute0_lowered:
.L_overlay_start_1:
0x0: {  	(tag) =	ssettag $0x1  }
0x1: {  	s5 =	rddreg [dreg:$0x0]  }
0x2: {  	s2 =	rddreg [dreg:$0x1]  }
0x3: {  	s0 =	rddreg [dreg:$0x2];
	s3 =	simm.s32 $0x0  }
0x4: {  	s1 =	stileid.u32;
	s4 =	srdreg.scid;
	s16 =	simm.s32 $0x80  }
0x5: {  	s17 =	simm.s32 $0x2800;
	s18 =	simm.s32 $0x6800;
	s19 =	simm.s32 $0x1  }
0x6: {  	s20 =	simm.s32 $0x2;
	s21 =	simm.s32 $0x2600;
	s22 =	simm.s32 $0x1300  }
0x7: {  	s23 =	simm.s32 $0x2680;
	s24 =	simm.s32 $0x1380;
	s25 =	simm.s32 $0x2700  }
0x8: {  	s26 =	simm.s32 $0x2780;
	s28 =	simm.s32 $0x0;
	[smem:$0x7FF] =	sst s3  }
0x9: {  	s6 =	smul.u32 $0x14000, s1;
	s7 =	sand.u32 $0x1, s4;
	s4 =	sadd.s32 $0x7EA00, s5  }
0xa: {  	s9 =	sadd.s32 $0x1A00, s5;
	s10 =	sadd.s32 $0xBA00, s5;
	s29 =	sshll.u32 s1, $0x6  }
0xb: {  	_ =	strace $0x8000004A;
	s8 =	smul.u32 $0x140000, s7;
	s12 =	sshll.u32 s7, $0x4  }
0xc: {  	s7 =	ssub.s32 $0x2, s7;
	s11 =	sshrl.u32 s6, $0x3;
	s12 =	sor.u32 s1, s12  }
0xd: {  	s13 =	sshrl.u32 s7, $0x1;
	s15 =	sadd.s32 s6, s2;
	s8 =	sadd.s32 s6, s8  }
0xe: {  	s12 =	smul.u32 $0x2800, s12;
	s11 =	sadd.s32 s11, s5;
	s8 =	sshrl.u32 s8, $0x3  }
0xf: {  	s13 =	ssub.s32 s7, s13;
	s6 =	sor.u32 $0x1C03, s29;
	s14 =	sadd.s32 s8, s5  }
0x10: {  	s30 =	sshrl.u32 s12, $0x3;
	s5 =	sadd.s32 $0xA6A00, s11;
	s12 =	smax.u32 s13, $0x1  }
0x11: {  	s13 =	sshrl.u32 s15, $0x3;
	s15 =	simm.s32 $0x1400;
	s31 =	sadd.s32 $0x280, s30  }
0x12: {  	s7 =	sadd.s32 s9, s30;
	s8 =	sadd.s32 s10, s30;
	s11 =	sadd.s32 $0xCEA00, s14  }
0x13: {  	s14 =	simm.s32 $0x3;
	s9 =	sadd.s32 s9, s31;
	s10 =	sadd.s32 s10, s31  }
.LBB2_1:
0x14: {  	[spmem:s13], [sflag:s6] =	dma.local [hbm:s5], $0x2800  }
0x15: {  	_ =	swait.ge [sflag:s14], $0x2800  }
0x16: {  	[sflag:s14] =	ssyncset.done $0x0  }
0x17: {  	[sflag:s14] =	ssyncadd.s32 $0xFFFFD800  }
0x18: {  	[bflag:$0x0] =	sbarrier.arrive $0xFFFF  }
0x19: {  	[tilespmem:s3], [sflag:$0x3] =	stream.linear.gather [hbm4b:s7+s3], $0x1400, $0x38;
	[tilespmem:$0x1E800] =	vst v63  }
0x1a: {  	_ =	swait.ge [sflag:s14], $0x1400  }
0x1b: {  	[sflag:s14] =	ssyncset.done $0x0  }
0x1c: {  	[sflag:s14] =	ssyncadd.s32 $0xFFFFEC00  }
0x1d: {  	[tilespmem:s15], [sflag:$0x3] =	stream.linear.gather [hbm4b:s8+s3], $0x1400, $0x38;
	[tilespmem:$0x1E800] =	vst v63  }
0x1e: {  	_ =	swait.ge [sflag:s14], $0x1400  }
0x1f: {  	[sflag:s14] =	ssyncset.done $0x0  }
0x20: {  	[sflag:s14] =	ssyncadd.s32 $0xFFFFEC00  }
0x21: {  	[tilespmem:s17], [sflag:$0x1] =	stream.indirect.gather [hbm4b:s4+s16], $0x80, s3, s16, $0xb8;
	[tilespmem:$0x1E800] =	vst v63  }
0x22: {  	_ = 	snop  }
0x23: {  	[tilespmem:s18], [sflag:$0x2] =	stream.indirect.gather [hbm4b:s4+s16], $0x80, s16, s16, $0xb8;
	[tilespmem:$0x1E800] =	vst v63  }
0x24: {  	_ =	swait.ge [sflag:s19], $0x4000  }
0x25: {  	[sflag:s19] =	ssyncset.done $0x0  }
0x26: {  	s29 =	simm.s32 $0x1400;
	[sflag:s19] =	ssyncadd.s32 $0xFFFFC000  }
0x27: {  	[spmem:s2] =	stream.indirect.scatter.add.f32 [tilespmem:s17], [sflag:$0x3], $0x80, s29, s16, $0xb8;
	[tilespmem:$0x1E800] =	vst v63  }
0x28: {  	_ =	swait.ge [sflag:s14], $0x4000  }
0x29: {  	[sflag:s14] =	ssyncset.done $0x0  }
0x2a: {  	s29 =	simm.s32 $0x100;
	[sflag:s14] =	ssyncadd.s32 $0xFFFFC000  }
0x2b: {  	[tilespmem:s17], [sflag:$0x1] =	stream.indirect.gather [hbm4b:s4+s16], $0x80, s29, s16, $0xb8;
	[tilespmem:$0x1E800] =	vst v63  }
0x2c: {  	_ =	swait.ge [sflag:s20], $0x4000  }
0x2d: {  	[sflag:s20] =	ssyncset.done $0x0  }
0x2e: {  	s29 =	simm.s32 $0x1480;
	[sflag:s20] =	ssyncadd.s32 $0xFFFFC000  }
0x2f: {  	[spmem:s2] =	stream.indirect.scatter.add.f32 [tilespmem:s18], [sflag:$0x3], $0x80, s29, s16, $0xb8;
	[tilespmem:$0x1E800] =	vst v63  }
0x30: {  	_ =	swait.ge [sflag:s14], $0x4000  }
0x31: {  	[sflag:s14] =	ssyncset.done $0x0  }
0x32: {  	s30 =	simm.s32 $0x180;
	s29 =	simm.s32 $0x400;
	[sflag:s14] =	ssyncadd.s32 $0xFFFFC000  }
.LBB2_2:
0x33: {  	[tilespmem:s18], [sflag:$0x2] =	stream.indirect.gather [hbm4b:s4+s16], $0x80, s30, s16, $0xb8;
	[tilespmem:$0x1E800] =	vst v63  }
0x34: {  	s30 =	smov.u32 s29  }
0x35: {  	p0 =	sne.s32 s29, $0x4400;
	s29 =	sadd.s32 $0x400, s29;
	_ =	swait.ge [sflag:s19], $0x4000  }
0x36: {  	s30 =	sshra.s32 s30, $0x2;
	[sflag:s19] =	ssyncset.done $0x0  }
0x37: {  	s31 =	sadd.s32 $0x1400, s30;
	[sflag:s19] =	ssyncadd.s32 $0xFFFFC000  }
0x38: {  	[spmem:s2] =	stream.indirect.scatter.add.f32 [tilespmem:s17], [sflag:$0x3], $0x80, s31, s16, $0xb8;
	[tilespmem:$0x1E800] =	vst v63  }
0x39: {  	_ =	swait.ge [sflag:s14], $0x4000  }
0x3a: {  	[sflag:s14] =	ssyncset.done $0x0  }
0x3b: {  	s31 =	sadd.s32 $0x100, s30;
	[sflag:s14] =	ssyncadd.s32 $0xFFFFC000  }
0x3c: {  	[tilespmem:s17], [sflag:$0x1] =	stream.indirect.gather [hbm4b:s4+s16], $0x80, s31, s16, $0xb8;
	[tilespmem:$0x1E800] =	vst v63  }
0x3d: {  	_ =	swait.ge [sflag:s20], $0x4000  }
0x3e: {  	[sflag:s20] =	ssyncset.done $0x0  }
.Ltmp0:
0x3f: {  	s31 =	sadd.s32 $0x1480, s30;
	[sflag:s20] =	ssyncadd.s32 $0xFFFFC000;
	(pc) =	sbr.rel @p0 .LBB2_2-.Ltmp0, $4  }
0x40: {  	[spmem:s2] =	stream.indirect.scatter.add.f32 [tilespmem:s18], [sflag:$0x3], $0x80, s31, s16, $0xb8;
	[tilespmem:$0x1E800] =	vst v63  }
0x41: {  	_ =	swait.ge [sflag:s14], $0x4000  }
0x42: {  	[sflag:s14] =	ssyncset.done $0x0  }
0x43: {  	s30 =	sadd.s32 $0x180, s30;
	[sflag:s14] =	ssyncadd.s32 $0xFFFFC000  }
0x44: {  	[tilespmem:s18], [sflag:$0x2] =	stream.indirect.gather [hbm4b:s4+s16], $0x80, s30, s16, $0xb8;
	[tilespmem:$0x1E800] =	vst v63  }
0x45: {  	_ =	swait.ge [sflag:s19], $0x4000  }
0x46: {  	[sflag:s19] =	ssyncset.done $0x0  }
0x47: {  	[sflag:s19] =	ssyncadd.s32 $0xFFFFC000  }
0x48: {  	[spmem:s2] =	stream.indirect.scatter.add.f32 [tilespmem:s17], [sflag:$0x3], $0x80, s21, s16, $0xb8;
	[tilespmem:$0x1E800] =	vst v63  }
0x49: {  	_ =	swait.ge [sflag:s14], $0x4000  }
0x4a: {  	[sflag:s14] =	ssyncset.done $0x0  }
0x4b: {  	[sflag:s14] =	ssyncadd.s32 $0xFFFFC000  }
0x4c: {  	[tilespmem:s17], [sflag:$0x1] =	stream.indirect.gather [hbm4b:s4+s16], $0x80, s22, s16, $0xb8;
	[tilespmem:$0x1E800] =	vst v63  }
0x4d: {  	_ =	swait.ge [sflag:s20], $0x4000  }
0x4e: {  	[sflag:s20] =	ssyncset.done $0x0  }
0x4f: {  	[sflag:s20] =	ssyncadd.s32 $0xFFFFC000  }
0x50: {  	[spmem:s2] =	stream.indirect.scatter.add.f32 [tilespmem:s18], [sflag:$0x3], $0x80, s23, s16, $0xb8;
	[tilespmem:$0x1E800] =	vst v63  }
0x51: {  	_ =	swait.ge [sflag:s14], $0x4000  }
0x52: {  	[sflag:s14] =	ssyncset.done $0x0  }
0x53: {  	[sflag:s14] =	ssyncadd.s32 $0xFFFFC000  }
0x54: {  	[tilespmem:s18], [sflag:$0x2] =	stream.indirect.gather [hbm4b:s4+s16], $0x80, s24, s16, $0xb8;
	[tilespmem:$0x1E800] =	vst v63  }
0x55: {  	_ =	swait.ge [sflag:s19], $0x4000  }
0x56: {  	[sflag:s19] =	ssyncset.done $0x0  }
0x57: {  	[sflag:s19] =	ssyncadd.s32 $0xFFFFC000  }
0x58: {  	[spmem:s2] =	stream.indirect.scatter.add.f32 [tilespmem:s17], [sflag:$0x3], $0x80, s25, s16, $0xb8;
	[tilespmem:$0x1E800] =	vst v63  }
0x59: {  	_ =	swait.ge [sflag:s14], $0x4000  }
0x5a: {  	[sflag:s14] =	ssyncset.done $0x0  }
0x5b: {  	[sflag:s14] =	ssyncadd.s32 $0xFFFFC000  }
0x5c: {  	[tilespmem:s17], [sflag:$0x1] =	stream.indirect.gather [hbm4b:s4+s16], $0x80, s24, s16, $0xb8;
	[tilespmem:$0x1E800] =	vst v63  }
0x5d: {  	_ =	swait.ge [sflag:s20], $0x4000  }
0x5e: {  	[sflag:s20] =	ssyncset.done $0x0  }
0x5f: {  	[sflag:s20] =	ssyncadd.s32 $0xFFFFC000  }
0x60: {  	[spmem:s2] =	stream.indirect.scatter.add.f32 [tilespmem:s18], [sflag:$0x3], $0x80, s26, s16, $0xb8;
	[tilespmem:$0x1E800] =	vst v63  }
0x61: {  	_ =	swait.ge [sflag:s14], $0x4000  }
0x62: {  	[sflag:s14] =	ssyncset.done $0x0  }
0x63: {  	[sflag:s14] =	ssyncadd.s32 $0xFFFFC000  }
0x64: {  	[tilespmem:s18], [sflag:$0x2] =	stream.indirect.gather [hbm4b:s4+s16], $0x80, s24, s16, $0xb8;
	[tilespmem:$0x1E800] =	vst v63  }
0x65: {  	_ =	swait.ge [sflag:s19], $0x4000  }
0x66: {  	[sflag:s19] =	ssyncset.done $0x0  }
0x67: {  	[sflag:s19] =	ssyncadd.s32 $0xFFFFC000  }
0x68: {  	_ =	swait.ge [sflag:s20], $0x4000  }
0x69: {  	[sflag:s20] =	ssyncset.done $0x0  }
0x6a: {  	s29 =	simm.s32 $0x0;
	[sflag:s20] =	ssyncadd.s32 $0xFFFFC000  }
0x6b: {  	[tilespmem:s29], [sflag:$0x3] =	stream.linear.gather [hbm4b:s9+s29], $0x1400, $0x38;
	[tilespmem:$0x1E800] =	vst v63  }
0x6c: {  	_ =	swait.ge [sflag:s14], $0x1400  }
0x6d: {  	[sflag:s14] =	ssyncset.done $0x0  }
0x6e: {  	[sflag:s14] =	ssyncadd.s32 $0xFFFFEC00  }
0x6f: {  	[tilespmem:s15], [sflag:$0x3] =	stream.linear.gather [hbm4b:s10+s29], $0x1400, $0x38;
	[tilespmem:$0x1E800] =	vst v63  }
0x70: {  	_ =	swait.ge [sflag:s14], $0x1400  }
0x71: {  	[sflag:s14] =	ssyncset.done $0x0  }
0x72: {  	[sflag:s14] =	ssyncadd.s32 $0xFFFFEC00  }
0x73: {  	[tilespmem:s17], [sflag:$0x1] =	stream.indirect.gather [hbm4b:s4+s16], $0x80, s29, s16, $0xb8;
	[tilespmem:$0x1E800] =	vst v63  }
0x74: {  	_ = 	snop  }
0x75: {  	[tilespmem:s18], [sflag:$0x2] =	stream.indirect.gather [hbm4b:s4+s16], $0x80, s16, s16, $0xb8;
	[tilespmem:$0x1E800] =	vst v63  }
0x76: {  	_ =	swait.ge [sflag:s19], $0x4000  }
0x77: {  	[sflag:s19] =	ssyncset.done $0x0  }
0x78: {  	s29 =	simm.s32 $0x1400;
	[sflag:s19] =	ssyncadd.s32 $0xFFFFC000  }
0x79: {  	[spmem:s2] =	stream.indirect.scatter.add.f32 [tilespmem:s17], [sflag:$0x3], $0x80, s29, s16, $0xb8;
	[tilespmem:$0x1E800] =	vst v63  }
0x7a: {  	_ =	swait.ge [sflag:s14], $0x4000  }
0x7b: {  	[sflag:s14] =	ssyncset.done $0x0  }
0x7c: {  	s29 =	simm.s32 $0x100;
	[sflag:s14] =	ssyncadd.s32 $0xFFFFC000  }
0x7d: {  	[tilespmem:s17], [sflag:$0x1] =	stream.indirect.gather [hbm4b:s4+s16], $0x80, s29, s16, $0xb8;
	[tilespmem:$0x1E800] =	vst v63  }
0x7e: {  	_ =	swait.ge [sflag:s20], $0x4000  }
0x7f: {  	[sflag:s20] =	ssyncset.done $0x0  }
0x80: {  	s29 =	simm.s32 $0x1480;
	[sflag:s20] =	ssyncadd.s32 $0xFFFFC000  }
0x81: {  	[spmem:s2] =	stream.indirect.scatter.add.f32 [tilespmem:s18], [sflag:$0x3], $0x80, s29, s16, $0xb8;
	[tilespmem:$0x1E800] =	vst v63  }
0x82: {  	_ =	swait.ge [sflag:s14], $0x4000  }
0x83: {  	[sflag:s14] =	ssyncset.done $0x0  }
0x84: {  	s30 =	simm.s32 $0x180;
	s29 =	simm.s32 $0x400;
	[sflag:s14] =	ssyncadd.s32 $0xFFFFC000  }
.LBB2_4:
0x85: {  	[tilespmem:s18], [sflag:$0x2] =	stream.indirect.gather [hbm4b:s4+s16], $0x80, s30, s16, $0xb8;
	[tilespmem:$0x1E800] =	vst v63  }
0x86: {  	s30 =	smov.u32 s29  }
0x87: {  	p0 =	sne.s32 s29, $0x4400;
	s29 =	sadd.s32 $0x400, s29;
	_ =	swait.ge [sflag:s19], $0x4000  }
0x88: {  	s30 =	sshra.s32 s30, $0x2;
	[sflag:s19] =	ssyncset.done $0x0  }
0x89: {  	s31 =	sadd.s32 $0x1400, s30;
	[sflag:s19] =	ssyncadd.s32 $0xFFFFC000  }
0x8a: {  	[spmem:s2] =	stream.indirect.scatter.add.f32 [tilespmem:s17], [sflag:$0x3], $0x80, s31, s16, $0xb8;
	[tilespmem:$0x1E800] =	vst v63  }
0x8b: {  	_ =	swait.ge [sflag:s14], $0x4000  }
0x8c: {  	[sflag:s14] =	ssyncset.done $0x0  }
0x8d: {  	s31 =	sadd.s32 $0x100, s30;
	[sflag:s14] =	ssyncadd.s32 $0xFFFFC000  }
0x8e: {  	[tilespmem:s17], [sflag:$0x1] =	stream.indirect.gather [hbm4b:s4+s16], $0x80, s31, s16, $0xb8;
	[tilespmem:$0x1E800] =	vst v63  }
0x8f: {  	_ =	swait.ge [sflag:s20], $0x4000  }
0x90: {  	[sflag:s20] =	ssyncset.done $0x0  }
.Ltmp1:
0x91: {  	s31 =	sadd.s32 $0x1480, s30;
	[sflag:s20] =	ssyncadd.s32 $0xFFFFC000;
	(pc) =	sbr.rel @p0 .LBB2_4-.Ltmp1, $4  }
0x92: {  	[spmem:s2] =	stream.indirect.scatter.add.f32 [tilespmem:s18], [sflag:$0x3], $0x80, s31, s16, $0xb8;
	[tilespmem:$0x1E800] =	vst v63  }
0x93: {  	_ =	swait.ge [sflag:s14], $0x4000  }
0x94: {  	[sflag:s14] =	ssyncset.done $0x0  }
0x95: {  	s30 =	sadd.s32 $0x180, s30;
	[sflag:s14] =	ssyncadd.s32 $0xFFFFC000  }
0x96: {  	[tilespmem:s18], [sflag:$0x2] =	stream.indirect.gather [hbm4b:s4+s16], $0x80, s30, s16, $0xb8;
	[tilespmem:$0x1E800] =	vst v63  }
0x97: {  	_ =	swait.ge [sflag:s19], $0x4000  }
0x98: {  	[sflag:s19] =	ssyncset.done $0x0  }
0x99: {  	[sflag:s19] =	ssyncadd.s32 $0xFFFFC000  }
0x9a: {  	[spmem:s2] =	stream.indirect.scatter.add.f32 [tilespmem:s17], [sflag:$0x3], $0x80, s21, s16, $0xb8;
	[tilespmem:$0x1E800] =	vst v63  }
0x9b: {  	_ =	swait.ge [sflag:s14], $0x4000  }
0x9c: {  	[sflag:s14] =	ssyncset.done $0x0  }
0x9d: {  	[sflag:s14] =	ssyncadd.s32 $0xFFFFC000  }
0x9e: {  	[tilespmem:s17], [sflag:$0x1] =	stream.indirect.gather [hbm4b:s4+s16], $0x80, s22, s16, $0xb8;
	[tilespmem:$0x1E800] =	vst v63  }
0x9f: {  	_ =	swait.ge [sflag:s20], $0x4000  }
0xa0: {  	[sflag:s20] =	ssyncset.done $0x0  }
0xa1: {  	[sflag:s20] =	ssyncadd.s32 $0xFFFFC000  }
0xa2: {  	[spmem:s2] =	stream.indirect.scatter.add.f32 [tilespmem:s18], [sflag:$0x3], $0x80, s23, s16, $0xb8;
	[tilespmem:$0x1E800] =	vst v63  }
0xa3: {  	_ =	swait.ge [sflag:s14], $0x4000  }
0xa4: {  	[sflag:s14] =	ssyncset.done $0x0  }
0xa5: {  	[sflag:s14] =	ssyncadd.s32 $0xFFFFC000  }
0xa6: {  	[tilespmem:s18], [sflag:$0x2] =	stream.indirect.gather [hbm4b:s4+s16], $0x80, s24, s16, $0xb8;
	[tilespmem:$0x1E800] =	vst v63  }
0xa7: {  	_ =	swait.ge [sflag:s19], $0x4000  }
0xa8: {  	[sflag:s19] =	ssyncset.done $0x0  }
0xa9: {  	[sflag:s19] =	ssyncadd.s32 $0xFFFFC000  }
0xaa: {  	[spmem:s2] =	stream.indirect.scatter.add.f32 [tilespmem:s17], [sflag:$0x3], $0x80, s25, s16, $0xb8;
	[tilespmem:$0x1E800] =	vst v63  }
0xab: {  	_ =	swait.ge [sflag:s14], $0x4000  }
0xac: {  	[sflag:s14] =	ssyncset.done $0x0  }
0xad: {  	[sflag:s14] =	ssyncadd.s32 $0xFFFFC000  }
0xae: {  	[tilespmem:s17], [sflag:$0x1] =	stream.indirect.gather [hbm4b:s4+s16], $0x80, s24, s16, $0xb8;
	[tilespmem:$0x1E800] =	vst v63  }
0xaf: {  	_ =	swait.ge [sflag:s20], $0x4000  }
0xb0: {  	[sflag:s20] =	ssyncset.done $0x0  }
0xb1: {  	[sflag:s20] =	ssyncadd.s32 $0xFFFFC000  }
0xb2: {  	[spmem:s2] =	stream.indirect.scatter.add.f32 [tilespmem:s18], [sflag:$0x3], $0x80, s26, s16, $0xb8;
	[tilespmem:$0x1E800] =	vst v63  }
0xb3: {  	_ =	swait.ge [sflag:s14], $0x4000  }
0xb4: {  	[sflag:s14] =	ssyncset.done $0x0  }
0xb5: {  	[sflag:s14] =	ssyncadd.s32 $0xFFFFC000  }
0xb6: {  	[tilespmem:s18], [sflag:$0x2] =	stream.indirect.gather [hbm4b:s4+s16], $0x80, s24, s16, $0xb8;
	[tilespmem:$0x1E800] =	vst v63  }
0xb7: {  	_ =	swait.ge [sflag:s19], $0x4000  }
0xb8: {  	[sflag:s19] =	ssyncset.done $0x0  }
0xb9: {  	[sflag:s19] =	ssyncadd.s32 $0xFFFFC000  }
0xba: {  	_ =	swait.ge [sflag:s20], $0x4000  }
0xbb: {  	s28 =	sadd.s32 $0x1, s28;
	[sflag:s20] =	ssyncset.done $0x0  }
0xbc: {  	p0 =	sne.s32 s28, s12;
	[sflag:s20] =	ssyncadd.s32 $0xFFFFC000  }
.Ltmp2:
0xbd: {  	[bflag:$0x0] =	sbarrier.arrive $0xFFFF;
	(pc) =	sbr.rel @p0 .LBB2_1-.Ltmp2, $4  }
0xbe: {  	[hbm:s11], [sflag:s6] =	dma.local [spmem:s13], $0x2800  }
0xbf: {  	_ =	swait.ge [sflag:s14], $0x2800  }
0xc0: {  	[sflag:s14] =	ssyncset.done $0x0  }
0xc1: {  	[sflag:s14] =	ssyncadd.s32 $0xFFFFD800  }
0xc2: {  	_ =	sfence.sel $0x180000  }
0xc3: {  	[bflag:$0x0] =	sbarrier.arrive $0xFFFF  }
0xc4: {  	p0 =	sne.s32 s1, $0x0;
	_ =	strace $0x9000004A  }
0xc5: {  	s0 =	sadd.s32 @!p0 $0x100000, s0;
	[bflag:$0x2] =	sbarrier.arrive $0xFFFF  }
0xc6: {  	[sflag:s0] =	ssyncadd.tile.s32 @!p0 $0x1;
	_ =	shalt  }
.Lfunc_end2:
_tile_overlayer_lowered:
.L_overlay_start_2:
0xc7: {  	(tag) =	ssettag $0x2  }
0xc8: {  	s0 =	rddreg [dreg:$0x0];
	s2 =	stileid.u32  }
0xc9: {  	s1 =	rddreg [dreg:$0x1];
	p0 =	sne.s32 s2, $0x0  }
0xca: {  	s3 =	rddreg [dreg:$0x2];
	[bflag:$0x3] =	sbarrier.arrive $0xFFFF;
	s2 =	simm.s32 @!p0 $0x1C03  }
0xcb: {  	[timem:s3], [sflag:s2] =	dma.local @!p0 [hbm:s0], s1  }
0xcc: {  	s0 =	simm.s32 @!p0 $0x3  }
0xcd: {  	_ =	swait.ge @!p0 [sflag:s0], s1  }
0xce: {  	s1 =	ssub.s32 @!p0 $0x0, s1;
	[sflag:s0] =	ssyncset.done @!p0 $0x0  }
0xcf: {  	[sflag:s0] =	ssyncadd.s32 @!p0 s1  }
0xd0: {  	[bflag:$0x3] =	sbarrier.arrive $0xFFFF  }
0xd1: {  	_ =	shalt  }

// kernel: kernel.16.cloned.1.call-start
scs
__scs_entry_jumppad:
0x0: {  	(pc) =	sbr.rel $0x88, $3  }
0x1: {  	(tag) =	ssettag $0x0;
	lr =	simm.s32 $0x1  }
0x2: {  	[smem:$0x3F98] =	sst lr;
	_ =	strace $0xD0000000  }
0x3: {  	_ = 	snop  }
0x4: {  	_ = 	snop  }
0x5: {  	_ = 	snop  }
0x6: {  	_ = 	snop  }
0x7: {  	_ = 	snop  }
__scs_overlays_trampoline_lowered:
0x8: {  	[smem:$0x3FA7] =	sst s0  }
0x9: {  	[smem:$0x3FA8] =	sst s1  }
0xa: {  	[smem:$0x3FA9] =	sst s2  }
0xb: {  	[smem:$0x3FAA] =	sst s3  }
0xc: {  	[smem:$0x3FAB] =	sst s4  }
0xd: {  	[smem:$0x3FAC] =	sst s5  }
0xe: {  	[smem:$0x3FAD] =	sst s6  }
0xf: {  	[smem:$0x3FAE] =	sst s7  }
0x10: {  	[smem:$0x3FAF] =	sst s8  }
0x11: {  	[smem:$0x3FB0] =	sst s9;
	s0 =	simm.s32 @!p0 $0x0  }
0x12: {  	s1 =	sld [smem:$0x3F96];
	s0 =	simm.s32 @p0 $0x1  }
0x13: {  	[smem:$0x3FB1] =	sst s0;
	s0 =	simm.s32 @!p1 $0x0  }
0x14: {  	s2 =	sld [smem:$0x3F95];
	s0 =	simm.s32 @p1 $0x1  }
0x15: {  	[smem:$0x3FB2] =	sst s0;
	s0 =	simm.s32 @!p2 $0x0  }
0x16: {  	s3 =	sld [smem:$0x3FDB];
	s0 =	simm.s32 @p2 $0x1  }
0x17: {  	s4 =	simm.s32 $0x1BF5;
	[smem:$0x3FB4] =	sst s0  }
0x18: {  	s0 =	sld [smem:$0x3F97];
	_ =	swait.ge [sflag:s4], $0x0  }
0x19: {  	s7 =	sld [smem:$0x3F98]  }
0x1a: {  	s8 =	sadd.s32 $0xFFFFE003, lr  }
0x1b: {  	s9 =	sadd.s32 $0xFFFFFEF7, lr;
	s5 =	simm.s32 $0xFFFFFFFF;
	p2 =	slt.u32 s8, $0xFFFFF086  }
0x1c: {  	p1 =	slt.u32 s9, $0xF7A;
	s5 =	simm.s32 @!p2 $0x0  }
0x1d: {  	s5 =	simm.s32 @p1 $0x1;
	p0 =	seq.s32 s7, s2  }
0x1e: {  	s7 =	smul.u32 @!p0 $0xF7A, s2;
	p2 =	seq.s32 @!p0 s5, $0x0  }
0x1f: {  	s9 =	smul.u32 $0xF7A, s1;
	s8 =	simm.s32 @!p0 $0x1BF5;
	p2 =	por !p2, p0  }
0x20: {  	[sflag:s8] =	ssyncset.s32 @!p0 $0xFFFFF086;
	s6 =	sadd.s32 @!p0 s3, s7;
	s7 =	simm.s32 @!p0 $0x108  }
0x21: {  	s3 =	sadd.s32 s3, s9;
	s6 =	sadd.s32 @!p0 $0x88, s6;
	s7 =	simm.s32 @p2 $0x1082  }
0x22: {  	[simem:s7], [sflag:s8] =	dma.local @!p0 [hbm:s6], $0xF7A  }
0x23: {  	s9 =	sor.u32 $0xD0000000, s2;
	s6 =	simm.s32 $0x108;
	_ =	swait.ge @!p0 [sflag:s8], $0x0  }
0x24: {  	s3 =	sadd.s32 $0x88, s3;
	s6 =	simm.s32 @!p1 $0x1082;
	[sflag:s4] =	ssyncset.s32 $0xFFFFF086  }
0x25: {  	[simem:s6], [sflag:s4] =	dma.local [hbm:s3], $0xF7A  }
0x26: {  	[smem:$0x3F98] =	sst s1;
	(tag) =	ssettag s2;
	_ =	strace s9  }
0x27: {  	s1 =	sld [smem:$0x3FA8]  }
0x28: {  	s2 =	sld [smem:$0x3FA9]  }
0x29: {  	s4 =	sld [smem:$0x3FAB]  }
0x2a: {  	p0 =	seq.s32 s5, $0x0;
	s5 =	sld [smem:$0x3FAC]  }
0x2b: {  	s6 =	sld [smem:$0x3FAD]  }
0x2c: {  	s7 =	sld [smem:$0x3FAE]  }
0x2d: {  	s3 =	simm.s32 $0x108;
	s8 =	sld [smem:$0x3FAF]  }
0x2e: {  	s3 =	simm.s32 @!p0 $0x1082;
	s9 =	sld [smem:$0x3FB0]  }
0x2f: {  	lr =	sadd.s32 s0, s3;
	s0 =	sld [smem:$0x3FA7]  }
0x30: {  	s3 =	sld [smem:$0x3FAA]  }
0x31: {  	[smem:$0x3FB3] =	sst s10  }
0x32: {  	s10 =	sld [smem:$0x3FB1];
	_ =	sdelay $0x3  }
0x33: {  	p0 =	seq.s32 s10, $0x1;
	s10 =	sld [smem:$0x3FB3];
	_ =	sdelay $0x3  }
0x34: {  	[smem:$0x3FB3] =	sst s10  }
0x35: {  	s10 =	sld [smem:$0x3FB2];
	_ =	sdelay $0x3  }
0x36: {  	p1 =	seq.s32 s10, $0x1;
	s10 =	sld [smem:$0x3FB3];
	_ =	sdelay $0x3  }
0x37: {  	[smem:$0x3FB3] =	sst s10  }
0x38: {  	s10 =	sld [smem:$0x3FB4]  }
0x39: {  	_ = 	snop;
	(pc) =	sbr.ind lr, $3  }
0x3a: {  	_ = 	snop  }
0x3b: {  	_ = 	snop  }
0x3c: {  	p2 =	seq.s32 s10, $0x1;
	s10 =	sld [smem:$0x3FB3]  }
0x3d: {  	_ =	shalt  }
0x3e: {  	_ =	shalt  }
0x3f: {  	_ =	shalt  }
0x40: {  	_ =	shalt  }
0x41: {  	_ =	shalt  }
0x42: {  	_ =	shalt  }
0x43: {  	_ =	shalt  }
0x44: {  	_ =	shalt  }
0x45: {  	_ =	shalt  }
0x46: {  	_ =	shalt  }
0x47: {  	_ =	shalt  }
0x48: {  	_ =	shalt  }
0x49: {  	_ =	shalt  }
0x4a: {  	_ =	shalt  }
0x4b: {  	_ =	shalt  }
0x4c: {  	_ =	shalt  }
0x4d: {  	_ =	shalt  }
0x4e: {  	_ =	shalt  }
0x4f: {  	_ =	shalt  }
0x50: {  	_ =	shalt  }
0x51: {  	_ =	shalt  }
0x52: {  	_ =	shalt  }
0x53: {  	_ =	shalt  }
0x54: {  	_ =	shalt  }
0x55: {  	_ =	shalt  }
0x56: {  	_ =	shalt  }
0x57: {  	_ =	shalt  }
0x58: {  	_ =	shalt  }
0x59: {  	_ =	shalt  }
0x5a: {  	_ =	shalt  }
0x5b: {  	_ =	shalt  }
0x5c: {  	_ =	shalt  }
0x5d: {  	_ =	shalt  }
0x5e: {  	_ =	shalt  }
0x5f: {  	_ =	shalt  }
0x60: {  	_ =	shalt  }
0x61: {  	_ =	shalt  }
0x62: {  	_ =	shalt  }
0x63: {  	_ =	shalt  }
0x64: {  	_ =	shalt  }
0x65: {  	_ =	shalt  }
0x66: {  	_ =	shalt  }
0x67: {  	_ =	shalt  }
0x68: {  	_ =	shalt  }
0x69: {  	_ =	shalt  }
0x6a: {  	_ =	shalt  }
0x6b: {  	_ =	shalt  }
0x6c: {  	_ =	shalt  }
0x6d: {  	_ =	shalt  }
0x6e: {  	_ =	shalt  }
0x6f: {  	_ =	shalt  }
0x70: {  	_ =	shalt  }
0x71: {  	_ =	shalt  }
0x72: {  	_ =	shalt  }
0x73: {  	_ =	shalt  }
0x74: {  	_ =	shalt  }
0x75: {  	_ =	shalt  }
0x76: {  	_ =	shalt  }
0x77: {  	_ =	shalt  }
0x78: {  	_ =	shalt  }
0x79: {  	_ =	shalt  }
0x7a: {  	_ =	shalt  }
0x7b: {  	_ =	shalt  }
0x7c: {  	_ =	shalt  }
0x7d: {  	_ =	shalt  }
0x7e: {  	_ =	shalt  }
0x7f: {  	_ =	shalt  }
0x80: {  	_ =	shalt  }
0x81: {  	_ =	shalt  }
0x82: {  	_ =	shalt  }
0x83: {  	_ =	shalt  }
0x84: {  	_ =	shalt  }
0x85: {  	_ =	shalt  }
0x86: {  	_ =	shalt  }
0x87: {  	_ =	shalt  }
.Lfunc_end0:
.L_simem_size_0:
called_computation.2_lowered:
.L_overlay_start_0:
0x88: {  	s2 =	sld [smem:$0x3FD9]  }
0x89: {  	s3 =	sld [smem:$0x3FFE];
	_ =	sdelay $0x1  }
0x8a: {  	s1 =	srdreg.scid  }
0x8b: {  	s0 =	sand.u32 $0x1, s1  }
0x8c: {  	s16 =	sshll.u32 s0, $0xA;
	s2 =	sadd.s32 s3, s2  }
0x8d: {  	s2 =	sadd.s32 s2, s16  }
0x8e: {  	[smem:$0x3FBF] =	sst s2  }
0x8f: {  	_ = 	snop  }
0x90: {  	(tm) =	ssettm $0x1  }
0x91: {  	s17 =	sld [smem:$0x3FFB];
	_ =	sdelay $0x3  }
0x92: {  	_ =	strace s17  }
0x93: {  	s2 =	sld [smem:$0x3FFC];
	_ =	sdelay $0x3  }
0x94: {  	_ =	strace s2  }
0x95: {  	s2 =	sld [smem:$0x3FFD];
	_ =	sdelay $0x3  }
0x96: {  	_ =	strace s2  }
0x97: {  	_ =	strace $0x8FFFFFFF  }
0x98: {  	s18 =	sld [smem:$0x3FDB];
	_ =	sdelay $0x1  }
0x99: {  	s19 =	simm.s32 $_scs_section_size  }
0x9a: {  	s4 =	simm.s32 $_size__tile_overlayer_lowered;
	s5 =	simm.s32 $_tile_overlayer_lowered  }
0x9b: {  	s22 =	simm.s32 $0x1BFF;
	s21 =	sshll.u32 s5, $0x1;
	s2 =	sadd.s32 s19, s18  }
0x9c: {  	s6 =	simm.s32 $0x0;
	s20 =	sshll.u32 s4, $0x1;
	s4 =	sadd.s32 s21, s2  }
0x9d: {  	[timem:s6], [sflag:s22] =	dma.local [hbm:s4], s20  }
0x9e: {  	_ =	swait.ge [sflag:s22], s20  }
0x9f: {  	s3 =	ssub.s32 $0x0, s20;
	[sflag:s22] =	ssyncset.done $0x0  }
0xa0: {  	[sflag:s22] =	ssyncadd.s32 s3;
	_ =	sdelay $0x1  }
0xa1: {  	s23 =	simm.s32 $0x1B8B  }
0xa2: {  	_ =	swait.ge [sflag:s23], $0x1  }
0xa3: {  	[sflag:s23] =	ssyncset.done $0x0  }
0xa4: {  	s25 =	simm.s32 $0x1B8E;
	s24 =	sld [smem:$0x3FFE];
	[sflag:s23] =	ssyncadd.s32 $0xFFFFFFFF  }
0xa5: {  	s26 =	simm.s32 $execute0_lowered;
	[smem:$0x3FD2] =	sst s25  }
0xa6: {  	s4 =	sshll.u32 s26, $0x1;
	_ =	strace $0x8000004C;
	[dreg:$0x1] =	wrdreg $0xFFFFFFFF  }
0xa7: {  	s28 =	simm.s32 $_size_execute0_lowered;
	s2 =	sadd.s32 s2, s4;
	[dreg:$0x0] =	wrdreg $0x0  }
0xa8: {  	s4 =	sshll.u32 s28, $0x1;
	[dreg:$0x2] =	wrdreg s2  }
0xa9: {  	[dreg:$0x3] =	wrdreg s4  }
0xaa: {  	[dreg:$0x4] =	wrdreg $0xC0  }
0xab: {  	_ =	task [dreg:s6], $0x5FFFF  }
0xac: {  	[dreg:$0x1] =	wrdreg $0xFFFFFFFF  }
0xad: {  	[dreg:$0x0] =	wrdreg $0x60  }
0xae: {  	[dreg:$0x2] =	wrdreg s24  }
0xaf: {  	[dreg:$0x3] =	wrdreg $0x60000  }
0xb0: {  	[dreg:$0x4] =	wrdreg $0x9  }
0xb1: {  	_ =	task.clear_ibuf [dreg:s6], $0x5FFFF;
	_ =	strace $0x9000004C  }
0xb2: {  	s29 =	simm.s32 $0x9;
	_ =	strace $0x8000004E  }
0xb3: {  	_ =	swait.ge [sflag:s29], $0x1  }
0xb4: {  	[sflag:s29] =	ssyncadd.s32 $0xFFFFFFFF  }
0xb5: {  	_ =	strace $0x9000004E  }
0xb6: {  	_ =	sfence  }
0xb7: {  	s30 =	sld [smem:$0x0];
	_ =	sdelay $0x2  }
0xb8: {  	s31 =	sshll.u32 s1, $0xD;
	s1 =	sshrl.u32 s1, $0x2  }
0xb9: {  	s3 =	sand.u32 $0x4000, s31;
	s1 =	sadd.s32 s1, s30  }
0xba: {  	s0 =	sor.u32 s3, s0;
	s1 =	sshll.u32 s1, $0x11  }
0xbb: {  	s0 =	sor.u32 s1, s0  }
0xbc: {  	s0 =	sadd.s32 $0x8F2B, s0  }
0xbd: {  	[sflag:s0] =	ssyncadd.remote.s32 $0x1  }
0xbe: {  	_ =	sfence.sel $0xFFFF  }
0xbf: {  	[dreg:$0x0] =	wrdreg $0xFFFFFFFF;
	(pc) =	sbr.abs _section_cstart, $3  }
0xc0: {  	[dreg:$0x1] =	wrdreg $0xFFFFFFFF  }
0xc1: {  	_ =	task.clear_ibuf [dreg:s6], $0x2FFFF;
	_ =	strace $0x9FFFFFFF  }
0xc2: {  	(tm) =	ssettm $0x7FFFFFFF  }
0xc3: {  	_ =	shalt  }
tec
execute0_lowered:
.L_overlay_start_1:
0x0: {  	(tag) =	ssettag $0x1  }
0x1: {  	s0 =	srdreg.scid;
	s6 =	rddreg [dreg:$0x0]  }
0x2: {  	s2 =	rddreg [dreg:$0x1];
	s3 =	simm.s32 $0x0;
	s14 =	simm.s32 $0x80  }
0x3: {  	s15 =	simm.s32 $0x5000;
	s16 =	simm.s32 $0x5800;
	s17 =	simm.s32 $0x1  }
0x4: {  	s18 =	simm.s32 $0x2;
	s19 =	simm.s32 $0x4E00;
	s20 =	simm.s32 $0x2700  }
0x5: {  	s21 =	simm.s32 $0x4E80;
	s22 =	simm.s32 $0x2780;
	s23 =	simm.s32 $0x4F00  }
0x6: {  	s24 =	simm.s32 $0x4F80;
	s5 =	sand.u32 $0x1, s0;
	s0 =	stileid.u32  }
0x7: {  	s25 =	simm.s32 $0x0;
	[smem:$0x7FF] =	sst s3;
	s8 =	smul.u32 $0x2800, s0  }
0x8: {  	s4 =	sadd.s32 $0x7EA00, s6;
	s1 =	sshll.u32 s5, $0x4;
	s9 =	smul.u32 $0x28000, s5  }
0x9: {  	s5 =	ssub.s32 $0x2, s5;
	s31 =	sshll.u32 s0, $0x6;
	s1 =	sor.u32 s0, s1  }
0xa: {  	s30 =	sshrl.u32 s5, $0x1;
	s7 =	smul.u32 $0x500, s1;
	s1 =	rddreg [dreg:$0x2]  }
0xb: {  	_ =	strace $0x8000004D;
	s28 =	sadd.s32 s8, s9;
	s29 =	sshrl.u32 s8, $0x3  }
0xc: {  	s12 =	ssub.s32 s5, s30;
	s13 =	sadd.s32 s8, s2;
	s9 =	sadd.s32 s29, s6  }
0xd: {  	s10 =	sadd.s32 s7, s6;
	s7 =	sshrl.u32 s28, $0x3;
	s5 =	sadd.s32 $0x29A00, s9  }
0xe: {  	s11 =	sadd.s32 s7, s6;
	s6 =	sor.u32 $0x1C03, s31;
	s7 =	sadd.s32 $0x1A00, s10  }
0xf: {  	s8 =	sadd.s32 $0xBA00, s10;
	s10 =	smax.u32 s12, $0x1;
	s12 =	simm.s32 $0x3  }
0x10: {  	s9 =	sadd.s32 $0x83A00, s11;
	s11 =	sshrl.u32 s13, $0x3;
	s13 =	simm.s32 $0x2800  }
.LBB2_1:
0x11: {  	[spmem:s11], [sflag:s6] =	dma.local [hbm:s5], $0x500  }
0x12: {  	_ =	swait.ge [sflag:s12], $0x500  }
0x13: {  	[sflag:s12] =	ssyncset.done $0x0  }
0x14: {  	[sflag:s12] =	ssyncadd.s32 $0xFFFFFB00  }
0x15: {  	[bflag:$0x0] =	sbarrier.arrive $0xFFFF  }
0x16: {  	[tilespmem:s3], [sflag:$0x3] =	stream.linear.gather [hbm4b:s7+s3], $0x2800, $0x38;
	[tilespmem:$0x8800] =	vst v63  }
0x17: {  	_ =	swait.ge [sflag:s12], $0x2800  }
0x18: {  	[sflag:s12] =	ssyncset.done $0x0  }
0x19: {  	[sflag:s12] =	ssyncadd.s32 $0xFFFFD800  }
0x1a: {  	[tilespmem:s13], [sflag:$0x3] =	stream.linear.gather [hbm4b:s8+s3], $0x2800, $0x38;
	[tilespmem:$0x8800] =	vst v63  }
0x1b: {  	_ =	swait.ge [sflag:s12], $0x2800  }
0x1c: {  	[sflag:s12] =	ssyncset.done $0x0  }
0x1d: {  	[sflag:s12] =	ssyncadd.s32 $0xFFFFD800  }
0x1e: {  	[tilespmem:s15], [sflag:$0x1] =	stream.indirect.gather [hbm4b:s4+s14], $0x10, s3, s14, $0xb8;
	[tilespmem:$0x8800] =	vst v63  }
0x1f: {  	_ = 	snop  }
0x20: {  	[tilespmem:s16], [sflag:$0x2] =	stream.indirect.gather [hbm4b:s4+s14], $0x10, s14, s14, $0xb8;
	[tilespmem:$0x8800] =	vst v63  }
0x21: {  	_ =	swait.ge [sflag:s17], $0x800  }
0x22: {  	[sflag:s17] =	ssyncset.done $0x0  }
0x23: {  	s26 =	simm.s32 $0x2800;
	[sflag:s17] =	ssyncadd.s32 $0xFFFFF800  }
0x24: {  	[spmem:s2] =	stream.indirect.scatter.add.f32 [tilespmem:s15], [sflag:$0x3], $0x10, s26, s14, $0xb8;
	[tilespmem:$0x8800] =	vst v63  }
0x25: {  	_ =	swait.ge [sflag:s12], $0x800  }
0x26: {  	[sflag:s12] =	ssyncset.done $0x0  }
0x27: {  	s30 =	simm.s32 $0x100;
	[sflag:s12] =	ssyncadd.s32 $0xFFFFF800  }
0x28: {  	[tilespmem:s15], [sflag:$0x1] =	stream.indirect.gather [hbm4b:s4+s14], $0x10, s30, s14, $0xb8;
	[tilespmem:$0x8800] =	vst v63  }
0x29: {  	_ =	swait.ge [sflag:s18], $0x800  }
0x2a: {  	[sflag:s18] =	ssyncset.done $0x0  }
0x2b: {  	s31 =	simm.s32 $0x2880;
	[sflag:s18] =	ssyncadd.s32 $0xFFFFF800  }
0x2c: {  	[spmem:s2] =	stream.indirect.scatter.add.f32 [tilespmem:s16], [sflag:$0x3], $0x10, s31, s14, $0xb8;
	[tilespmem:$0x8800] =	vst v63  }
0x2d: {  	_ =	swait.ge [sflag:s12], $0x800  }
0x2e: {  	[sflag:s12] =	ssyncset.done $0x0  }
0x2f: {  	s28 =	simm.s32 $0x180;
	s26 =	simm.s32 $0x400;
	[sflag:s12] =	ssyncadd.s32 $0xFFFFF800  }
.LBB2_2:
0x30: {  	[tilespmem:s16], [sflag:$0x2] =	stream.indirect.gather [hbm4b:s4+s14], $0x10, s28, s14, $0xb8;
	[tilespmem:$0x8800] =	vst v63  }
0x31: {  	s28 =	smov.u32 s26  }
0x32: {  	p0 =	sne.s32 s26, $0x9400;
	s26 =	sadd.s32 $0x400, s26;
	_ =	swait.ge [sflag:s17], $0x800  }
0x33: {  	s28 =	sshra.s32 s28, $0x2;
	[sflag:s17] =	ssyncset.done $0x0  }
0x34: {  	s29 =	sadd.s32 $0x2800, s28;
	[sflag:s17] =	ssyncadd.s32 $0xFFFFF800  }
0x35: {  	[spmem:s2] =	stream.indirect.scatter.add.f32 [tilespmem:s15], [sflag:$0x3], $0x10, s29, s14, $0xb8;
	[tilespmem:$0x8800] =	vst v63  }
0x36: {  	_ =	swait.ge [sflag:s12], $0x800  }
0x37: {  	[sflag:s12] =	ssyncset.done $0x0  }
0x38: {  	s29 =	sadd.s32 $0x100, s28;
	[sflag:s12] =	ssyncadd.s32 $0xFFFFF800  }
0x39: {  	[tilespmem:s15], [sflag:$0x1] =	stream.indirect.gather [hbm4b:s4+s14], $0x10, s29, s14, $0xb8;
	[tilespmem:$0x8800] =	vst v63  }
0x3a: {  	_ =	swait.ge [sflag:s18], $0x800  }
0x3b: {  	[sflag:s18] =	ssyncset.done $0x0  }
.Ltmp0:
0x3c: {  	s29 =	sadd.s32 $0x2880, s28;
	[sflag:s18] =	ssyncadd.s32 $0xFFFFF800;
	(pc) =	sbr.rel @p0 .LBB2_2-.Ltmp0, $4  }
0x3d: {  	[spmem:s2] =	stream.indirect.scatter.add.f32 [tilespmem:s16], [sflag:$0x3], $0x10, s29, s14, $0xb8;
	[tilespmem:$0x8800] =	vst v63  }
0x3e: {  	_ =	swait.ge [sflag:s12], $0x800  }
0x3f: {  	[sflag:s12] =	ssyncset.done $0x0  }
0x40: {  	s28 =	sadd.s32 $0x180, s28;
	[sflag:s12] =	ssyncadd.s32 $0xFFFFF800  }
0x41: {  	[tilespmem:s16], [sflag:$0x2] =	stream.indirect.gather [hbm4b:s4+s14], $0x10, s28, s14, $0xb8;
	[tilespmem:$0x8800] =	vst v63  }
0x42: {  	_ =	swait.ge [sflag:s17], $0x800  }
0x43: {  	[sflag:s17] =	ssyncset.done $0x0  }
0x44: {  	[sflag:s17] =	ssyncadd.s32 $0xFFFFF800  }
0x45: {  	[spmem:s2] =	stream.indirect.scatter.add.f32 [tilespmem:s15], [sflag:$0x3], $0x10, s19, s14, $0xb8;
	[tilespmem:$0x8800] =	vst v63  }
0x46: {  	_ =	swait.ge [sflag:s12], $0x800  }
0x47: {  	[sflag:s12] =	ssyncset.done $0x0  }
0x48: {  	[sflag:s12] =	ssyncadd.s32 $0xFFFFF800  }
0x49: {  	[tilespmem:s15], [sflag:$0x1] =	stream.indirect.gather [hbm4b:s4+s14], $0x10, s20, s14, $0xb8;
	[tilespmem:$0x8800] =	vst v63  }
0x4a: {  	_ =	swait.ge [sflag:s18], $0x800  }
0x4b: {  	[sflag:s18] =	ssyncset.done $0x0  }
0x4c: {  	[sflag:s18] =	ssyncadd.s32 $0xFFFFF800  }
0x4d: {  	[spmem:s2] =	stream.indirect.scatter.add.f32 [tilespmem:s16], [sflag:$0x3], $0x10, s21, s14, $0xb8;
	[tilespmem:$0x8800] =	vst v63  }
0x4e: {  	_ =	swait.ge [sflag:s12], $0x800  }
0x4f: {  	[sflag:s12] =	ssyncset.done $0x0  }
0x50: {  	[sflag:s12] =	ssyncadd.s32 $0xFFFFF800  }
0x51: {  	[tilespmem:s16], [sflag:$0x2] =	stream.indirect.gather [hbm4b:s4+s14], $0x10, s22, s14, $0xb8;
	[tilespmem:$0x8800] =	vst v63  }
0x52: {  	_ =	swait.ge [sflag:s17], $0x800  }
0x53: {  	[sflag:s17] =	ssyncset.done $0x0  }
0x54: {  	[sflag:s17] =	ssyncadd.s32 $0xFFFFF800  }
0x55: {  	[spmem:s2] =	stream.indirect.scatter.add.f32 [tilespmem:s15], [sflag:$0x3], $0x10, s23, s14, $0xb8;
	[tilespmem:$0x8800] =	vst v63  }
0x56: {  	_ =	swait.ge [sflag:s12], $0x800  }
0x57: {  	[sflag:s12] =	ssyncset.done $0x0  }
0x58: {  	[sflag:s12] =	ssyncadd.s32 $0xFFFFF800  }
0x59: {  	[tilespmem:s15], [sflag:$0x1] =	stream.indirect.gather [hbm4b:s4+s14], $0x10, s22, s14, $0xb8;
	[tilespmem:$0x8800] =	vst v63  }
0x5a: {  	_ =	swait.ge [sflag:s18], $0x800  }
0x5b: {  	[sflag:s18] =	ssyncset.done $0x0  }
0x5c: {  	[sflag:s18] =	ssyncadd.s32 $0xFFFFF800  }
0x5d: {  	[spmem:s2] =	stream.indirect.scatter.add.f32 [tilespmem:s16], [sflag:$0x3], $0x10, s24, s14, $0xb8;
	[tilespmem:$0x8800] =	vst v63  }
0x5e: {  	_ =	swait.ge [sflag:s12], $0x800  }
0x5f: {  	[sflag:s12] =	ssyncset.done $0x0  }
0x60: {  	[sflag:s12] =	ssyncadd.s32 $0xFFFFF800  }
0x61: {  	[tilespmem:s16], [sflag:$0x2] =	stream.indirect.gather [hbm4b:s4+s14], $0x10, s22, s14, $0xb8;
	[tilespmem:$0x8800] =	vst v63  }
0x62: {  	_ =	swait.ge [sflag:s17], $0x800  }
0x63: {  	[sflag:s17] =	ssyncset.done $0x0  }
0x64: {  	[sflag:s17] =	ssyncadd.s32 $0xFFFFF800  }
0x65: {  	_ =	swait.ge [sflag:s18], $0x800  }
0x66: {  	s25 =	sadd.s32 $0x1, s25;
	[sflag:s18] =	ssyncset.done $0x0  }
0x67: {  	p0 =	sne.s32 s25, s10;
	[sflag:s18] =	ssyncadd.s32 $0xFFFFF800  }
.Ltmp1:
0x68: {  	[bflag:$0x0] =	sbarrier.arrive $0xFFFF;
	(pc) =	sbr.rel @p0 .LBB2_1-.Ltmp1, $4  }
0x69: {  	[hbm:s9], [sflag:s6] =	dma.local [spmem:s11], $0x500  }
0x6a: {  	_ =	swait.ge [sflag:s12], $0x500  }
0x6b: {  	[sflag:s12] =	ssyncset.done $0x0  }
0x6c: {  	[sflag:s12] =	ssyncadd.s32 $0xFFFFFB00  }
0x6d: {  	_ =	sfence.sel $0x180000  }
0x6e: {  	[bflag:$0x0] =	sbarrier.arrive $0xFFFF  }
0x6f: {  	p0 =	sne.s32 s0, $0x0;
	_ =	strace $0x9000004D  }
0x70: {  	s0 =	sadd.s32 @!p0 $0x100000, s1;
	[bflag:$0x2] =	sbarrier.arrive $0xFFFF  }
0x71: {  	[sflag:s0] =	ssyncadd.tile.s32 @!p0 $0x1;
	_ =	shalt  }
.Lfunc_end2:
_tile_overlayer_lowered:
.L_overlay_start_2:
0x72: {  	(tag) =	ssettag $0x2  }
0x73: {  	s0 =	rddreg [dreg:$0x0];
	s2 =	stileid.u32  }
0x74: {  	s1 =	rddreg [dreg:$0x1];
	p0 =	sne.s32 s2, $0x0  }
0x75: {  	s3 =	rddreg [dreg:$0x2];
	[bflag:$0x3] =	sbarrier.arrive $0xFFFF;
	s2 =	simm.s32 @!p0 $0x1C03  }
0x76: {  	[timem:s3], [sflag:s2] =	dma.local @!p0 [hbm:s0], s1  }
0x77: {  	s0 =	simm.s32 @!p0 $0x3  }
0x78: {  	_ =	swait.ge @!p0 [sflag:s0], s1  }
0x79: {  	s1 =	ssub.s32 @!p0 $0x0, s1;
	[sflag:s0] =	ssyncset.done @!p0 $0x0  }
0x7a: {  	[sflag:s0] =	ssyncadd.s32 @!p0 s1  }
0x7b: {  	[bflag:$0x3] =	sbarrier.arrive $0xFFFF  }
0x7c: {  	_ =	shalt  }

// kernel: kernel.19.cloned.1.call-start
scs
__scs_entry_jumppad:
0x0: {  	(pc) =	sbr.rel $0x88, $3  }
0x1: {  	(tag) =	ssettag $0x0;
	lr =	simm.s32 $0x1  }
0x2: {  	[smem:$0x3F98] =	sst lr;
	_ =	strace $0xD0000000  }
0x3: {  	_ = 	snop  }
0x4: {  	_ = 	snop  }
0x5: {  	_ = 	snop  }
0x6: {  	_ = 	snop  }
0x7: {  	_ = 	snop  }
__scs_overlays_trampoline_lowered:
0x8: {  	[smem:$0x3FA7] =	sst s0  }
0x9: {  	[smem:$0x3FA8] =	sst s1  }
0xa: {  	[smem:$0x3FA9] =	sst s2  }
0xb: {  	[smem:$0x3FAA] =	sst s3  }
0xc: {  	[smem:$0x3FAB] =	sst s4  }
0xd: {  	[smem:$0x3FAC] =	sst s5  }
0xe: {  	[smem:$0x3FAD] =	sst s6  }
0xf: {  	[smem:$0x3FAE] =	sst s7  }
0x10: {  	[smem:$0x3FAF] =	sst s8  }
0x11: {  	[smem:$0x3FB0] =	sst s9;
	s0 =	simm.s32 @!p0 $0x0  }
0x12: {  	s1 =	sld [smem:$0x3F96];
	s0 =	simm.s32 @p0 $0x1  }
0x13: {  	[smem:$0x3FB1] =	sst s0;
	s0 =	simm.s32 @!p1 $0x0  }
0x14: {  	s2 =	sld [smem:$0x3F95];
	s0 =	simm.s32 @p1 $0x1  }
0x15: {  	[smem:$0x3FB2] =	sst s0;
	s0 =	simm.s32 @!p2 $0x0  }
0x16: {  	s3 =	sld [smem:$0x3FDB];
	s0 =	simm.s32 @p2 $0x1  }
0x17: {  	s4 =	simm.s32 $0x1BF5;
	[smem:$0x3FB4] =	sst s0  }
0x18: {  	s0 =	sld [smem:$0x3F97];
	_ =	swait.ge [sflag:s4], $0x0  }
0x19: {  	s7 =	sld [smem:$0x3F98]  }
0x1a: {  	s8 =	sadd.s32 $0xFFFFE003, lr  }
0x1b: {  	s9 =	sadd.s32 $0xFFFFFEF7, lr;
	s5 =	simm.s32 $0xFFFFFFFF;
	p2 =	slt.u32 s8, $0xFFFFF086  }
0x1c: {  	p1 =	slt.u32 s9, $0xF7A;
	s5 =	simm.s32 @!p2 $0x0  }
0x1d: {  	s5 =	simm.s32 @p1 $0x1;
	p0 =	seq.s32 s7, s2  }
0x1e: {  	s7 =	smul.u32 @!p0 $0xF7A, s2;
	p2 =	seq.s32 @!p0 s5, $0x0  }
0x1f: {  	s9 =	smul.u32 $0xF7A, s1;
	s8 =	simm.s32 @!p0 $0x1BF5;
	p2 =	por !p2, p0  }
0x20: {  	[sflag:s8] =	ssyncset.s32 @!p0 $0xFFFFF086;
	s6 =	sadd.s32 @!p0 s3, s7;
	s7 =	simm.s32 @!p0 $0x108  }
0x21: {  	s3 =	sadd.s32 s3, s9;
	s6 =	sadd.s32 @!p0 $0x88, s6;
	s7 =	simm.s32 @p2 $0x1082  }
0x22: {  	[simem:s7], [sflag:s8] =	dma.local @!p0 [hbm:s6], $0xF7A  }
0x23: {  	s9 =	sor.u32 $0xD0000000, s2;
	s6 =	simm.s32 $0x108;
	_ =	swait.ge @!p0 [sflag:s8], $0x0  }
0x24: {  	s3 =	sadd.s32 $0x88, s3;
	s6 =	simm.s32 @!p1 $0x1082;
	[sflag:s4] =	ssyncset.s32 $0xFFFFF086  }
0x25: {  	[simem:s6], [sflag:s4] =	dma.local [hbm:s3], $0xF7A  }
0x26: {  	[smem:$0x3F98] =	sst s1;
	(tag) =	ssettag s2;
	_ =	strace s9  }
0x27: {  	s1 =	sld [smem:$0x3FA8]  }
0x28: {  	s2 =	sld [smem:$0x3FA9]  }
0x29: {  	s4 =	sld [smem:$0x3FAB]  }
0x2a: {  	p0 =	seq.s32 s5, $0x0;
	s5 =	sld [smem:$0x3FAC]  }
0x2b: {  	s6 =	sld [smem:$0x3FAD]  }
0x2c: {  	s7 =	sld [smem:$0x3FAE]  }
0x2d: {  	s3 =	simm.s32 $0x108;
	s8 =	sld [smem:$0x3FAF]  }
0x2e: {  	s3 =	simm.s32 @!p0 $0x1082;
	s9 =	sld [smem:$0x3FB0]  }
0x2f: {  	lr =	sadd.s32 s0, s3;
	s0 =	sld [smem:$0x3FA7]  }
0x30: {  	s3 =	sld [smem:$0x3FAA]  }
0x31: {  	[smem:$0x3FB3] =	sst s10  }
0x32: {  	s10 =	sld [smem:$0x3FB1];
	_ =	sdelay $0x3  }
0x33: {  	p0 =	seq.s32 s10, $0x1;
	s10 =	sld [smem:$0x3FB3];
	_ =	sdelay $0x3  }
0x34: {  	[smem:$0x3FB3] =	sst s10  }
0x35: {  	s10 =	sld [smem:$0x3FB2];
	_ =	sdelay $0x3  }
0x36: {  	p1 =	seq.s32 s10, $0x1;
	s10 =	sld [smem:$0x3FB3];
	_ =	sdelay $0x3  }
0x37: {  	[smem:$0x3FB3] =	sst s10  }
0x38: {  	s10 =	sld [smem:$0x3FB4]  }
0x39: {  	_ = 	snop;
	(pc) =	sbr.ind lr, $3  }
0x3a: {  	_ = 	snop  }
0x3b: {  	_ = 	snop  }
0x3c: {  	p2 =	seq.s32 s10, $0x1;
	s10 =	sld [smem:$0x3FB3]  }
0x3d: {  	_ =	shalt  }
0x3e: {  	_ =	shalt  }
0x3f: {  	_ =	shalt  }
0x40: {  	_ =	shalt  }
0x41: {  	_ =	shalt  }
0x42: {  	_ =	shalt  }
0x43: {  	_ =	shalt  }
0x44: {  	_ =	shalt  }
0x45: {  	_ =	shalt  }
0x46: {  	_ =	shalt  }
0x47: {  	_ =	shalt  }
0x48: {  	_ =	shalt  }
0x49: {  	_ =	shalt  }
0x4a: {  	_ =	shalt  }
0x4b: {  	_ =	shalt  }
0x4c: {  	_ =	shalt  }
0x4d: {  	_ =	shalt  }
0x4e: {  	_ =	shalt  }
0x4f: {  	_ =	shalt  }
0x50: {  	_ =	shalt  }
0x51: {  	_ =	shalt  }
0x52: {  	_ =	shalt  }
0x53: {  	_ =	shalt  }
0x54: {  	_ =	shalt  }
0x55: {  	_ =	shalt  }
0x56: {  	_ =	shalt  }
0x57: {  	_ =	shalt  }
0x58: {  	_ =	shalt  }
0x59: {  	_ =	shalt  }
0x5a: {  	_ =	shalt  }
0x5b: {  	_ =	shalt  }
0x5c: {  	_ =	shalt  }
0x5d: {  	_ =	shalt  }
0x5e: {  	_ =	shalt  }
0x5f: {  	_ =	shalt  }
0x60: {  	_ =	shalt  }
0x61: {  	_ =	shalt  }
0x62: {  	_ =	shalt  }
0x63: {  	_ =	shalt  }
0x64: {  	_ =	shalt  }
0x65: {  	_ =	shalt  }
0x66: {  	_ =	shalt  }
0x67: {  	_ =	shalt  }
0x68: {  	_ =	shalt  }
0x69: {  	_ =	shalt  }
0x6a: {  	_ =	shalt  }
0x6b: {  	_ =	shalt  }
0x6c: {  	_ =	shalt  }
0x6d: {  	_ =	shalt  }
0x6e: {  	_ =	shalt  }
0x6f: {  	_ =	shalt  }
0x70: {  	_ =	shalt  }
0x71: {  	_ =	shalt  }
0x72: {  	_ =	shalt  }
0x73: {  	_ =	shalt  }
0x74: {  	_ =	shalt  }
0x75: {  	_ =	shalt  }
0x76: {  	_ =	shalt  }
0x77: {  	_ =	shalt  }
0x78: {  	_ =	shalt  }
0x79: {  	_ =	shalt  }
0x7a: {  	_ =	shalt  }
0x7b: {  	_ =	shalt  }
0x7c: {  	_ =	shalt  }
0x7d: {  	_ =	shalt  }
0x7e: {  	_ =	shalt  }
0x7f: {  	_ =	shalt  }
0x80: {  	_ =	shalt  }
0x81: {  	_ =	shalt  }
0x82: {  	_ =	shalt  }
0x83: {  	_ =	shalt  }
0x84: {  	_ =	shalt  }
0x85: {  	_ =	shalt  }
0x86: {  	_ =	shalt  }
0x87: {  	_ =	shalt  }
.Lfunc_end0:
.L_simem_size_0:
called_computation.3_lowered:
.L_overlay_start_0:
0x88: {  	s2 =	sld [smem:$0x3FD9]  }
0x89: {  	s3 =	sld [smem:$0x3FFE];
	_ =	sdelay $0x1  }
0x8a: {  	s1 =	srdreg.scid  }
0x8b: {  	s0 =	sand.u32 $0x1, s1  }
0x8c: {  	s16 =	sshll.u32 s0, $0xA;
	s2 =	sadd.s32 s3, s2  }
0x8d: {  	s2 =	sadd.s32 s2, s16  }
0x8e: {  	[smem:$0x3FBF] =	sst s2  }
0x8f: {  	_ = 	snop  }
0x90: {  	(tm) =	ssettm $0x1  }
0x91: {  	s17 =	sld [smem:$0x3FFB];
	_ =	sdelay $0x3  }
0x92: {  	_ =	strace s17  }
0x93: {  	s2 =	sld [smem:$0x3FFC];
	_ =	sdelay $0x3  }
0x94: {  	_ =	strace s2  }
0x95: {  	s2 =	sld [smem:$0x3FFD];
	_ =	sdelay $0x3  }
0x96: {  	_ =	strace s2  }
0x97: {  	_ =	strace $0x8FFFFFFF  }
0x98: {  	s18 =	sld [smem:$0x3FDB];
	_ =	sdelay $0x1  }
0x99: {  	s19 =	simm.s32 $_scs_section_size  }
0x9a: {  	s4 =	simm.s32 $_size__tile_overlayer_lowered;
	s5 =	simm.s32 $_tile_overlayer_lowered  }
0x9b: {  	s22 =	simm.s32 $0x1BFF;
	s21 =	sshll.u32 s5, $0x1;
	s2 =	sadd.s32 s19, s18  }
0x9c: {  	s6 =	simm.s32 $0x0;
	s20 =	sshll.u32 s4, $0x1;
	s4 =	sadd.s32 s21, s2  }
0x9d: {  	[timem:s6], [sflag:s22] =	dma.local [hbm:s4], s20  }
0x9e: {  	_ =	swait.ge [sflag:s22], s20  }
0x9f: {  	s3 =	ssub.s32 $0x0, s20;
	[sflag:s22] =	ssyncset.done $0x0  }
0xa0: {  	[sflag:s22] =	ssyncadd.s32 s3;
	_ =	sdelay $0x1  }
0xa1: {  	s23 =	simm.s32 $0x1B8B  }
0xa2: {  	_ =	swait.ge [sflag:s23], $0x1  }
0xa3: {  	[sflag:s23] =	ssyncset.done $0x0  }
0xa4: {  	s25 =	simm.s32 $0x1B8E;
	s24 =	sld [smem:$0x3FFE];
	[sflag:s23] =	ssyncadd.s32 $0xFFFFFFFF  }
0xa5: {  	s26 =	simm.s32 $execute0_lowered;
	[smem:$0x3FD2] =	sst s25  }
0xa6: {  	s4 =	sshll.u32 s26, $0x1;
	_ =	strace $0x8000004F;
	[dreg:$0x1] =	wrdreg $0xFFFFFFFF  }
0xa7: {  	s28 =	simm.s32 $_size_execute0_lowered;
	s2 =	sadd.s32 s2, s4;
	[dreg:$0x0] =	wrdreg $0x0  }
0xa8: {  	s4 =	sshll.u32 s28, $0x1;
	[dreg:$0x2] =	wrdreg s2  }
0xa9: {  	[dreg:$0x3] =	wrdreg s4  }
0xaa: {  	[dreg:$0x4] =	wrdreg $0xC0  }
0xab: {  	_ =	task [dreg:s6], $0x5FFFF  }
0xac: {  	[dreg:$0x1] =	wrdreg $0xFFFFFFFF  }
0xad: {  	[dreg:$0x0] =	wrdreg $0x60  }
0xae: {  	[dreg:$0x2] =	wrdreg s24  }
0xaf: {  	[dreg:$0x3] =	wrdreg $0x60000  }
0xb0: {  	[dreg:$0x4] =	wrdreg $0x9  }
0xb1: {  	_ =	task.clear_ibuf [dreg:s6], $0x5FFFF;
	_ =	strace $0x9000004F  }
0xb2: {  	s29 =	simm.s32 $0x9;
	_ =	strace $0x80000051  }
0xb3: {  	_ =	swait.ge [sflag:s29], $0x1  }
0xb4: {  	[sflag:s29] =	ssyncadd.s32 $0xFFFFFFFF  }
0xb5: {  	_ =	strace $0x90000051  }
0xb6: {  	_ =	sfence  }
0xb7: {  	s30 =	sld [smem:$0x0];
	_ =	sdelay $0x2  }
0xb8: {  	s31 =	sshll.u32 s1, $0xD;
	s1 =	sshrl.u32 s1, $0x2  }
0xb9: {  	s3 =	sand.u32 $0x4000, s31;
	s1 =	sadd.s32 s1, s30  }
0xba: {  	s0 =	sor.u32 s3, s0;
	s1 =	sshll.u32 s1, $0x11  }
0xbb: {  	s0 =	sor.u32 s1, s0  }
0xbc: {  	s0 =	sadd.s32 $0x8F2B, s0  }
0xbd: {  	[sflag:s0] =	ssyncadd.remote.s32 $0x1  }
0xbe: {  	_ =	sfence.sel $0xFFFF  }
0xbf: {  	[dreg:$0x0] =	wrdreg $0xFFFFFFFF;
	(pc) =	sbr.abs _section_cstart, $3  }
0xc0: {  	[dreg:$0x1] =	wrdreg $0xFFFFFFFF  }
0xc1: {  	_ =	task.clear_ibuf [dreg:s6], $0x2FFFF;
	_ =	strace $0x9FFFFFFF  }
0xc2: {  	(tm) =	ssettm $0x7FFFFFFF  }
0xc3: {  	_ =	shalt  }
tec
execute0_lowered:
.L_overlay_start_1:
0x0: {  	(tag) =	ssettag $0x1  }
0x1: {  	s0 =	srdreg.scid;
	s6 =	rddreg [dreg:$0x0]  }
0x2: {  	s2 =	rddreg [dreg:$0x1];
	s3 =	simm.s32 $0x0;
	s14 =	simm.s32 $0x80  }
0x3: {  	s15 =	simm.s32 $0x5000;
	s16 =	simm.s32 $0x5800;
	s17 =	simm.s32 $0x1  }
0x4: {  	s18 =	simm.s32 $0x2;
	s19 =	simm.s32 $0x4E00;
	s20 =	simm.s32 $0x2700  }
0x5: {  	s21 =	simm.s32 $0x4E80;
	s22 =	simm.s32 $0x2780;
	s23 =	simm.s32 $0x4F00  }
0x6: {  	s24 =	simm.s32 $0x4F80;
	s5 =	sand.u32 $0x1, s0;
	s0 =	stileid.u32  }
0x7: {  	s25 =	simm.s32 $0x0;
	[smem:$0x7FF] =	sst s3;
	s8 =	smul.u32 $0x2800, s0  }
0x8: {  	s4 =	sadd.s32 $0x1A00, s6;
	s1 =	sshll.u32 s5, $0x4;
	s9 =	smul.u32 $0x28000, s5  }
0x9: {  	s5 =	ssub.s32 $0x2, s5;
	s31 =	sshll.u32 s0, $0x6;
	s1 =	sor.u32 s0, s1  }
0xa: {  	s30 =	sshrl.u32 s5, $0x1;
	s7 =	smul.u32 $0x500, s1;
	s1 =	rddreg [dreg:$0x2]  }
0xb: {  	_ =	strace $0x80000050;
	s28 =	sadd.s32 s8, s9;
	s29 =	sshrl.u32 s8, $0x3  }
0xc: {  	s12 =	ssub.s32 s5, s30;
	s13 =	sadd.s32 s8, s2;
	s9 =	sadd.s32 s29, s6  }
0xd: {  	s10 =	sadd.s32 s7, s6;
	s7 =	sshrl.u32 s28, $0x3;
	s5 =	sadd.s32 $0x29A00, s9  }
0xe: {  	s11 =	sadd.s32 s7, s6;
	s6 =	sor.u32 $0x1C03, s31;
	s7 =	sadd.s32 $0x1FA00, s10  }
0xf: {  	s8 =	sadd.s32 $0x15A00, s10;
	s10 =	smax.u32 s12, $0x1;
	s12 =	simm.s32 $0x3  }
0x10: {  	s9 =	sadd.s32 $0x6A00, s11;
	s11 =	sshrl.u32 s13, $0x3;
	s13 =	simm.s32 $0x2800  }
.LBB2_1:
0x11: {  	[spmem:s11], [sflag:s6] =	dma.local [hbm:s5], $0x500  }
0x12: {  	_ =	swait.ge [sflag:s12], $0x500  }
0x13: {  	[sflag:s12] =	ssyncset.done $0x0  }
0x14: {  	[sflag:s12] =	ssyncadd.s32 $0xFFFFFB00  }
0x15: {  	[bflag:$0x0] =	sbarrier.arrive $0xFFFF  }
0x16: {  	[tilespmem:s3], [sflag:$0x3] =	stream.linear.gather [hbm4b:s7+s3], $0x2800, $0x38;
	[tilespmem:$0x8800] =	vst v63  }
0x17: {  	_ =	swait.ge [sflag:s12], $0x2800  }
0x18: {  	[sflag:s12] =	ssyncset.done $0x0  }
0x19: {  	[sflag:s12] =	ssyncadd.s32 $0xFFFFD800  }
0x1a: {  	[tilespmem:s13], [sflag:$0x3] =	stream.linear.gather [hbm4b:s8+s3], $0x2800, $0x38;
	[tilespmem:$0x8800] =	vst v63  }
0x1b: {  	_ =	swait.ge [sflag:s12], $0x2800  }
0x1c: {  	[sflag:s12] =	ssyncset.done $0x0  }
0x1d: {  	[sflag:s12] =	ssyncadd.s32 $0xFFFFD800  }
0x1e: {  	[tilespmem:s15], [sflag:$0x1] =	stream.indirect.gather [hbm4b:s4+s14], $0x10, s3, s14, $0xb8;
	[tilespmem:$0x8800] =	vst v63  }
0x1f: {  	_ = 	snop  }
0x20: {  	[tilespmem:s16], [sflag:$0x2] =	stream.indirect.gather [hbm4b:s4+s14], $0x10, s14, s14, $0xb8;
	[tilespmem:$0x8800] =	vst v63  }
0x21: {  	_ =	swait.ge [sflag:s17], $0x800  }
0x22: {  	[sflag:s17] =	ssyncset.done $0x0  }
0x23: {  	s26 =	simm.s32 $0x2800;
	[sflag:s17] =	ssyncadd.s32 $0xFFFFF800  }
0x24: {  	[spmem:s2] =	stream.indirect.scatter.add.f32 [tilespmem:s15], [sflag:$0x3], $0x10, s26, s14, $0xb8;
	[tilespmem:$0x8800] =	vst v63  }
0x25: {  	_ =	swait.ge [sflag:s12], $0x800  }
0x26: {  	[sflag:s12] =	ssyncset.done $0x0  }
0x27: {  	s30 =	simm.s32 $0x100;
	[sflag:s12] =	ssyncadd.s32 $0xFFFFF800  }
0x28: {  	[tilespmem:s15], [sflag:$0x1] =	stream.indirect.gather [hbm4b:s4+s14], $0x10, s30, s14, $0xb8;
	[tilespmem:$0x8800] =	vst v63  }
0x29: {  	_ =	swait.ge [sflag:s18], $0x800  }
0x2a: {  	[sflag:s18] =	ssyncset.done $0x0  }
0x2b: {  	s31 =	simm.s32 $0x2880;
	[sflag:s18] =	ssyncadd.s32 $0xFFFFF800  }
0x2c: {  	[spmem:s2] =	stream.indirect.scatter.add.f32 [tilespmem:s16], [sflag:$0x3], $0x10, s31, s14, $0xb8;
	[tilespmem:$0x8800] =	vst v63  }
0x2d: {  	_ =	swait.ge [sflag:s12], $0x800  }
0x2e: {  	[sflag:s12] =	ssyncset.done $0x0  }
0x2f: {  	s28 =	simm.s32 $0x180;
	s26 =	simm.s32 $0x400;
	[sflag:s12] =	ssyncadd.s32 $0xFFFFF800  }
.LBB2_2:
0x30: {  	[tilespmem:s16], [sflag:$0x2] =	stream.indirect.gather [hbm4b:s4+s14], $0x10, s28, s14, $0xb8;
	[tilespmem:$0x8800] =	vst v63  }
0x31: {  	s28 =	smov.u32 s26  }
0x32: {  	p0 =	sne.s32 s26, $0x9400;
	s26 =	sadd.s32 $0x400, s26;
	_ =	swait.ge [sflag:s17], $0x800  }
0x33: {  	s28 =	sshra.s32 s28, $0x2;
	[sflag:s17] =	ssyncset.done $0x0  }
0x34: {  	s29 =	sadd.s32 $0x2800, s28;
	[sflag:s17] =	ssyncadd.s32 $0xFFFFF800  }
0x35: {  	[spmem:s2] =	stream.indirect.scatter.add.f32 [tilespmem:s15], [sflag:$0x3], $0x10, s29, s14, $0xb8;
	[tilespmem:$0x8800] =	vst v63  }
0x36: {  	_ =	swait.ge [sflag:s12], $0x800  }
0x37: {  	[sflag:s12] =	ssyncset.done $0x0  }
0x38: {  	s29 =	sadd.s32 $0x100, s28;
	[sflag:s12] =	ssyncadd.s32 $0xFFFFF800  }
0x39: {  	[tilespmem:s15], [sflag:$0x1] =	stream.indirect.gather [hbm4b:s4+s14], $0x10, s29, s14, $0xb8;
	[tilespmem:$0x8800] =	vst v63  }
0x3a: {  	_ =	swait.ge [sflag:s18], $0x800  }
0x3b: {  	[sflag:s18] =	ssyncset.done $0x0  }
.Ltmp0:
0x3c: {  	s29 =	sadd.s32 $0x2880, s28;
	[sflag:s18] =	ssyncadd.s32 $0xFFFFF800;
	(pc) =	sbr.rel @p0 .LBB2_2-.Ltmp0, $4  }
0x3d: {  	[spmem:s2] =	stream.indirect.scatter.add.f32 [tilespmem:s16], [sflag:$0x3], $0x10, s29, s14, $0xb8;
	[tilespmem:$0x8800] =	vst v63  }
0x3e: {  	_ =	swait.ge [sflag:s12], $0x800  }
0x3f: {  	[sflag:s12] =	ssyncset.done $0x0  }
0x40: {  	s28 =	sadd.s32 $0x180, s28;
	[sflag:s12] =	ssyncadd.s32 $0xFFFFF800  }
0x41: {  	[tilespmem:s16], [sflag:$0x2] =	stream.indirect.gather [hbm4b:s4+s14], $0x10, s28, s14, $0xb8;
	[tilespmem:$0x8800] =	vst v63  }
0x42: {  	_ =	swait.ge [sflag:s17], $0x800  }
0x43: {  	[sflag:s17] =	ssyncset.done $0x0  }
0x44: {  	[sflag:s17] =	ssyncadd.s32 $0xFFFFF800  }
0x45: {  	[spmem:s2] =	stream.indirect.scatter.add.f32 [tilespmem:s15], [sflag:$0x3], $0x10, s19, s14, $0xb8;
	[tilespmem:$0x8800] =	vst v63  }
0x46: {  	_ =	swait.ge [sflag:s12], $0x800  }
0x47: {  	[sflag:s12] =	ssyncset.done $0x0  }
0x48: {  	[sflag:s12] =	ssyncadd.s32 $0xFFFFF800  }
0x49: {  	[tilespmem:s15], [sflag:$0x1] =	stream.indirect.gather [hbm4b:s4+s14], $0x10, s20, s14, $0xb8;
	[tilespmem:$0x8800] =	vst v63  }
0x4a: {  	_ =	swait.ge [sflag:s18], $0x800  }
0x4b: {  	[sflag:s18] =	ssyncset.done $0x0  }
0x4c: {  	[sflag:s18] =	ssyncadd.s32 $0xFFFFF800  }
0x4d: {  	[spmem:s2] =	stream.indirect.scatter.add.f32 [tilespmem:s16], [sflag:$0x3], $0x10, s21, s14, $0xb8;
	[tilespmem:$0x8800] =	vst v63  }
0x4e: {  	_ =	swait.ge [sflag:s12], $0x800  }
0x4f: {  	[sflag:s12] =	ssyncset.done $0x0  }
0x50: {  	[sflag:s12] =	ssyncadd.s32 $0xFFFFF800  }
0x51: {  	[tilespmem:s16], [sflag:$0x2] =	stream.indirect.gather [hbm4b:s4+s14], $0x10, s22, s14, $0xb8;
	[tilespmem:$0x8800] =	vst v63  }
0x52: {  	_ =	swait.ge [sflag:s17], $0x800  }
0x53: {  	[sflag:s17] =	ssyncset.done $0x0  }
0x54: {  	[sflag:s17] =	ssyncadd.s32 $0xFFFFF800  }
0x55: {  	[spmem:s2] =	stream.indirect.scatter.add.f32 [tilespmem:s15], [sflag:$0x3], $0x10, s23, s14, $0xb8;
	[tilespmem:$0x8800] =	vst v63  }
0x56: {  	_ =	swait.ge [sflag:s12], $0x800  }
0x57: {  	[sflag:s12] =	ssyncset.done $0x0  }
0x58: {  	[sflag:s12] =	ssyncadd.s32 $0xFFFFF800  }
0x59: {  	[tilespmem:s15], [sflag:$0x1] =	stream.indirect.gather [hbm4b:s4+s14], $0x10, s22, s14, $0xb8;
	[tilespmem:$0x8800] =	vst v63  }
0x5a: {  	_ =	swait.ge [sflag:s18], $0x800  }
0x5b: {  	[sflag:s18] =	ssyncset.done $0x0  }
0x5c: {  	[sflag:s18] =	ssyncadd.s32 $0xFFFFF800  }
0x5d: {  	[spmem:s2] =	stream.indirect.scatter.add.f32 [tilespmem:s16], [sflag:$0x3], $0x10, s24, s14, $0xb8;
	[tilespmem:$0x8800] =	vst v63  }
0x5e: {  	_ =	swait.ge [sflag:s12], $0x800  }
0x5f: {  	[sflag:s12] =	ssyncset.done $0x0  }
0x60: {  	[sflag:s12] =	ssyncadd.s32 $0xFFFFF800  }
0x61: {  	[tilespmem:s16], [sflag:$0x2] =	stream.indirect.gather [hbm4b:s4+s14], $0x10, s22, s14, $0xb8;
	[tilespmem:$0x8800] =	vst v63  }
0x62: {  	_ =	swait.ge [sflag:s17], $0x800  }
0x63: {  	[sflag:s17] =	ssyncset.done $0x0  }
0x64: {  	[sflag:s17] =	ssyncadd.s32 $0xFFFFF800  }
0x65: {  	_ =	swait.ge [sflag:s18], $0x800  }
0x66: {  	s25 =	sadd.s32 $0x1, s25;
	[sflag:s18] =	ssyncset.done $0x0  }
0x67: {  	p0 =	sne.s32 s25, s10;
	[sflag:s18] =	ssyncadd.s32 $0xFFFFF800  }
.Ltmp1:
0x68: {  	[bflag:$0x0] =	sbarrier.arrive $0xFFFF;
	(pc) =	sbr.rel @p0 .LBB2_1-.Ltmp1, $4  }
0x69: {  	[hbm:s9], [sflag:s6] =	dma.local [spmem:s11], $0x500  }
0x6a: {  	_ =	swait.ge [sflag:s12], $0x500  }
0x6b: {  	[sflag:s12] =	ssyncset.done $0x0  }
0x6c: {  	[sflag:s12] =	ssyncadd.s32 $0xFFFFFB00  }
0x6d: {  	_ =	sfence.sel $0x180000  }
0x6e: {  	[bflag:$0x0] =	sbarrier.arrive $0xFFFF  }
0x6f: {  	p0 =	sne.s32 s0, $0x0;
	_ =	strace $0x90000050  }
0x70: {  	s0 =	sadd.s32 @!p0 $0x100000, s1;
	[bflag:$0x2] =	sbarrier.arrive $0xFFFF  }
0x71: {  	[sflag:s0] =	ssyncadd.tile.s32 @!p0 $0x1;
	_ =	shalt  }
.Lfunc_end2:
_tile_overlayer_lowered:
.L_overlay_start_2:
0x72: {  	(tag) =	ssettag $0x2  }
0x73: {  	s0 =	rddreg [dreg:$0x0];
	s2 =	stileid.u32  }
0x74: {  	s1 =	rddreg [dreg:$0x1];
	p0 =	sne.s32 s2, $0x0  }
0x75: {  	s3 =	rddreg [dreg:$0x2];
	[bflag:$0x3] =	sbarrier.arrive $0xFFFF;
	s2 =	simm.s32 @!p0 $0x1C03  }
0x76: {  	[timem:s3], [sflag:s2] =	dma.local @!p0 [hbm:s0], s1  }
0x77: {  	s0 =	simm.s32 @!p0 $0x3  }
0x78: {  	_ =	swait.ge @!p0 [sflag:s0], s1  }
0x79: {  	s1 =	ssub.s32 @!p0 $0x0, s1;
	[sflag:s0] =	ssyncset.done @!p0 $0x0  }
0x7a: {  	[sflag:s0] =	ssyncadd.s32 @!p0 s1  }
0x7b: {  	[bflag:$0x3] =	sbarrier.arrive $0xFFFF  }
0x7c: {  	_ =	shalt  }

</sc_bundles>
